<compile_context>
chip_gen: v7x
topology: tpu7x:2x2x1
jax: 0.10.2.dev20260603
libtpu: 0.0.44.dev20260713+nightly
codegen_flags: <defaults>
</compile_context>

<pallas_src>
import functools

import jax
import jax.numpy as jnp
from jax import lax
from jax.experimental import pallas as pl
from jax.experimental.pallas import tpu as pltpu
from jax.experimental.pallas import tpu_sc as plsc

D_MODEL = 64
_SCALE = 8.0

_NC = 2
_NS = 16
_NW = _NC * _NS

_CHUNK = 128
_NBUF = 8
_DEPTH = 3
_ROWS_PER_ITER = 4


@functools.partial(jax.jit, static_argnames=("b_per_w", "n_chunks"))
def _sc_embed(x3, table, *, b_per_w, n_chunks):
    B = _NW * b_per_w
    mesh = plsc.VectorSubcoreMesh(
        core_axis_name="c", subcore_axis_name="s",
        num_cores=_NC, num_subcores=_NS,
    )

    @functools.partial(
        pl.kernel,
        out_type=jax.ShapeDtypeStruct((B, D_MODEL), jnp.float32),
        mesh=mesh,
        compiler_params=pltpu.CompilerParams(use_tc_tiling_on_sc=False),
        scratch_types=[
            pltpu.VMEM((n_chunks, _CHUNK), jnp.int32),
            [pltpu.VMEM((_CHUNK, D_MODEL), jnp.float32) for _ in range(_NBUF)],
            [pltpu.SemaphoreType.DMA for _ in range(_NBUF)],
            [pltpu.SemaphoreType.DMA for _ in range(_NBUF)],
        ],
    )
    def k(x_hbm, tab_hbm, out_hbm, idx_all, rows, gsem, ssem):
        wid = lax.axis_index("s") * _NC + lax.axis_index("c")
        base = wid * b_per_w

        pltpu.sync_copy(x_hbm.at[wid], idx_all)

        def start_gather(g, b):
            pltpu.async_copy(tab_hbm.at[idx_all.at[g]], rows[b], gsem[b])

        def wait_gather(g, b):
            pltpu.make_async_copy(
                tab_hbm.at[idx_all.at[g]], rows[b], gsem[b]).wait()

        def start_scatter(g, b):
            pltpu.async_copy(
                rows[b], out_hbm.at[pl.ds(base + g * _CHUNK, _CHUNK)], ssem[b])

        def wait_scatter(b):
            pltpu.make_async_copy(
                rows[b], out_hbm.at[pl.ds(base, _CHUNK)], ssem[b]).wait()

        def scale(b):
            def srows(i, carry):
                for dr in range(_ROWS_PER_ITER):
                    r = i * _ROWS_PER_ITER + dr
                    for c in range(D_MODEL // 16):
                        sl = pl.ds(16 * c, 16)
                        rows[b][r, sl] = rows[b][r, sl] * _SCALE
                return carry
            lax.fori_loop(0, _CHUNK // _ROWS_PER_ITER, srows, 0)

        for g0 in range(_DEPTH):
            start_gather(g0, g0)

        def outer(i, carry):
            for b in range(_NBUF):
                g = i * _NBUF + b
                wait_gather(g, b)
                scale(b)
                start_scatter(g, b)
                gn = g + _DEPTH
                bn = (b + _DEPTH) % _NBUF

                @pl.when(gn < n_chunks)
                def _prefetch():
                    @pl.when(gn >= _NBUF)
                    def _drain():
                        wait_scatter(bn)
                    start_gather(gn, bn)
            return carry

        lax.fori_loop(0, n_chunks // _NBUF, outer, 0)

        for b in range(_NBUF):
            wait_scatter(b)

    return k(x3, table)


def kernel(x, table):
    S, L = x.shape
    B = S * L
    b_per_w = B // _NW
    n_chunks = b_per_w // _CHUNK
    x3 = x.reshape(_NW, n_chunks, _CHUNK).astype(jnp.int32)
    out = _sc_embed(x3, table, b_per_w=b_per_w, n_chunks=n_chunks)
    return out.reshape(S, L, D_MODEL)

# --- scband reference (transcript-rebuilt; emitter-appended) ---
"""Pipeline reference for scband-input-embedding-51153060495429 (READ-ONLY COPY).

The authoritative reference and input builder live on the scoring server;
editing this copy changes nothing except your own understanding.
"""

import math
import jax, jax.numpy as jnp
import numpy as np

D_MODEL = 64
V_SIZE = 1000000

def setup_inputs(seed: int = 0) -> dict:
    key = jax.random.key(seed)
    k_idx, k_tab = jax.random.split(key)
    x = jax.random.randint(k_idx, (4096, 200), 0, V_SIZE, dtype=jnp.int64 if jax.config.jax_enable_x64 else jnp.int32)
    table = jax.random.normal(k_tab, (V_SIZE, D_MODEL), dtype=jnp.float32)
    return {"x": x, "table": table}

def reference(x, table):
    # nn.Embedding lookup followed by scaling with sqrt(d_model)
    out = jnp.take(table, x, axis=0) * math.sqrt(D_MODEL)
    return out

if __name__ == "__main__":
    import jax
    _d = setup_inputs()
    print(jax.jit(kernel)(*tuple(_d.values())))

</pallas_src>

<mosaic_0001>
#map = affine_map<(d0, d1) -> (0, 0, 0)>
#map1 = affine_map<(d0, d1) -> (0, 0)>
module attributes {stable_mosaic.version = 14 : i64} {
  func.func @k(%arg0: i32, %arg1: i32, %arg2: memref<32x200x128xi32, #tpu.memory_space<hbm>>, %arg3: memref<1000000x64xf32, #tpu.memory_space<hbm>>, %arg4: memref<819200x64xf32, #tpu.memory_space<hbm>>, %arg5: memref<200x128xi32, #tpu.memory_space<vmem>>, %arg6: memref<128x64xf32, #tpu.memory_space<vmem>>, %arg7: memref<128x64xf32, #tpu.memory_space<vmem>>, %arg8: memref<128x64xf32, #tpu.memory_space<vmem>>, %arg9: memref<128x64xf32, #tpu.memory_space<vmem>>, %arg10: memref<128x64xf32, #tpu.memory_space<vmem>>, %arg11: memref<128x64xf32, #tpu.memory_space<vmem>>, %arg12: memref<128x64xf32, #tpu.memory_space<vmem>>, %arg13: memref<128x64xf32, #tpu.memory_space<vmem>>, %arg14: memref<!tpu.dma_semaphore, #tpu.memory_space<semaphore_mem>>, %arg15: memref<!tpu.dma_semaphore, #tpu.memory_space<semaphore_mem>>, %arg16: memref<!tpu.dma_semaphore, #tpu.memory_space<semaphore_mem>>, %arg17: memref<!tpu.dma_semaphore, #tpu.memory_space<semaphore_mem>>, %arg18: memref<!tpu.dma_semaphore, #tpu.memory_space<semaphore_mem>>, %arg19: memref<!tpu.dma_semaphore, #tpu.memory_space<semaphore_mem>>, %arg20: memref<!tpu.dma_semaphore, #tpu.memory_space<semaphore_mem>>, %arg21: memref<!tpu.dma_semaphore, #tpu.memory_space<semaphore_mem>>, %arg22: memref<!tpu.dma_semaphore, #tpu.memory_space<semaphore_mem>>, %arg23: memref<!tpu.dma_semaphore, #tpu.memory_space<semaphore_mem>>, %arg24: memref<!tpu.dma_semaphore, #tpu.memory_space<semaphore_mem>>, %arg25: memref<!tpu.dma_semaphore, #tpu.memory_space<semaphore_mem>>, %arg26: memref<!tpu.dma_semaphore, #tpu.memory_space<semaphore_mem>>, %arg27: memref<!tpu.dma_semaphore, #tpu.memory_space<semaphore_mem>>, %arg28: memref<!tpu.dma_semaphore, #tpu.memory_space<semaphore_mem>>, %arg29: memref<!tpu.dma_semaphore, #tpu.memory_space<semaphore_mem>>) attributes {dimension_semantics = [#tpu.dimension_semantics<core_parallel>, #tpu.dimension_semantics<subcore_parallel>], iteration_bounds = array<i64: 2, 16>, scalar_prefetch = 0 : i64, scratch_operands = 25 : i64, tpu.core_type = #tpu.core_type<sc_vector_subcore>, window_params = [{transform_indices = #map}, {transform_indices = #map1}, {transform_indices = #map1}]} {
    %mul3A = arith.constant 2 : i32
    %mul3A_0 = arith.muli %arg1, %mul3A : i32
    %add3A = arith.addi %mul3A_0, %arg0 : i32
    %mul3A_1 = arith.constant 25600 : i32
    %mul3A_2 = arith.muli %add3A, %mul3A_1 : i32
    "tpu.region"() ({
      %run_scoped3A = tpu.sem_alloc : memref<!tpu.dma_semaphore, #tpu.memory_space<semaphore_mem>>
      %dma_start3A_59 = arith.constant 0 : i32
      %dma_start3A_60 = arith.constant 0 : i32
      %dma_start3A_61 = tpu.memref_slice %arg2[%add3A, %dma_start3A_59, %dma_start3A_60] : memref<32x200x128xi32, #tpu.memory_space<hbm>> -> memref<1x200x128xi32, #tpu.memory_space<hbm>>
      %dma_start3A_62 = tpu.memref_squeeze %dma_start3A_61 : memref<1x200x128xi32, #tpu.memory_space<hbm>> -> memref<200x128xi32, #tpu.memory_space<hbm>>
      %dma_start3A_63 = arith.constant 0 : i32
      %dma_start3A_64 = arith.constant 0 : i32
      %dma_start3A_65 = tpu.memref_slice %arg2[%add3A, %dma_start3A_63, %dma_start3A_64] : memref<32x200x128xi32, #tpu.memory_space<hbm>> -> memref<1x200x128xi32, #tpu.memory_space<hbm>>
      %dma_start3A_66 = tpu.memref_squeeze %dma_start3A_65 : memref<1x200x128xi32, #tpu.memory_space<hbm>> -> memref<200x128xi32, #tpu.memory_space<hbm>>
      tpu.enqueue_dma source(%dma_start3A_66 : memref<200x128xi32, #tpu.memory_space<hbm>>) target(%arg5 : memref<200x128xi32, #tpu.memory_space<vmem>>) target_semaphore(%run_scoped3A : memref<!tpu.dma_semaphore, #tpu.memory_space<semaphore_mem>>)
      %dma_wait3A_67 = arith.constant 0 : i32
      %dma_wait3A_68 = arith.constant 0 : i32
      %dma_wait3A_69 = tpu.memref_slice %arg2[%add3A, %dma_wait3A_67, %dma_wait3A_68] : memref<32x200x128xi32, #tpu.memory_space<hbm>> -> memref<1x200x128xi32, #tpu.memory_space<hbm>>
      %dma_wait3A_70 = tpu.memref_squeeze %dma_wait3A_69 : memref<1x200x128xi32, #tpu.memory_space<hbm>> -> memref<200x128xi32, #tpu.memory_space<hbm>>
      %dma_wait3A_71 = arith.constant 0 : i32
      %dma_wait3A_72 = arith.constant 0 : i32
      %dma_wait3A_73 = tpu.memref_slice %arg2[%add3A, %dma_wait3A_71, %dma_wait3A_72] : memref<32x200x128xi32, #tpu.memory_space<hbm>> -> memref<1x200x128xi32, #tpu.memory_space<hbm>>
      %dma_wait3A_74 = tpu.memref_squeeze %dma_wait3A_73 : memref<1x200x128xi32, #tpu.memory_space<hbm>> -> memref<200x128xi32, #tpu.memory_space<hbm>>
      tpu.wait_dma2 semaphore(%run_scoped3A : memref<!tpu.dma_semaphore, #tpu.memory_space<semaphore_mem>>) src(%dma_wait3A_74 : memref<200x128xi32, #tpu.memory_space<hbm>>) dst(%arg5 : memref<200x128xi32, #tpu.memory_space<vmem>>)
      tpu.yield
    }) : () -> ()
    %dma_start3A = arith.constant 0 : i32
    %dma_start3A_3 = arith.constant 0 : i32
    %dma_start3A_4 = tpu.memref_slice %arg5[%dma_start3A, %dma_start3A_3] : memref<200x128xi32, #tpu.memory_space<vmem>> -> memref<1x128xi32, #tpu.memory_space<vmem>>
    %dma_start3A_5 = tpu.memref_squeeze %dma_start3A_4 : memref<1x128xi32, #tpu.memory_space<vmem>> -> memref<128xi32, #tpu.memory_space<vmem>>
    %dma_start3A_6 = arith.constant 0 : i32
    %dma_start3A_7 = arith.constant 0 : i32
    %dma_start3A_8 = tpu.memref_slice %arg3[%dma_start3A_6, %dma_start3A_7] : memref<1000000x64xf32, #tpu.memory_space<hbm>> -> memref<1000000x64xf32, #tpu.memory_space<hbm>>
    tpu.enqueue_indirect_dma source(%dma_start3A_8 : memref<1000000x64xf32, #tpu.memory_space<hbm>>) target(%arg6 : memref<128x64xf32, #tpu.memory_space<vmem>>) offsets(%dma_start3A_5 : memref<128xi32, #tpu.memory_space<vmem>>) semaphore(%arg14 : memref<!tpu.dma_semaphore, #tpu.memory_space<semaphore_mem>>)
    %dma_start3A_9 = arith.constant 1 : i32
    %dma_start3A_10 = arith.constant 0 : i32
    %dma_start3A_11 = tpu.memref_slice %arg5[%dma_start3A_9, %dma_start3A_10] : memref<200x128xi32, #tpu.memory_space<vmem>> -> memref<1x128xi32, #tpu.memory_space<vmem>>
    %dma_start3A_12 = tpu.memref_squeeze %dma_start3A_11 : memref<1x128xi32, #tpu.memory_space<vmem>> -> memref<128xi32, #tpu.memory_space<vmem>>
    %dma_start3A_13 = arith.constant 0 : i32
    %dma_start3A_14 = arith.constant 0 : i32
    %dma_start3A_15 = tpu.memref_slice %arg3[%dma_start3A_13, %dma_start3A_14] : memref<1000000x64xf32, #tpu.memory_space<hbm>> -> memref<1000000x64xf32, #tpu.memory_space<hbm>>
    tpu.enqueue_indirect_dma source(%dma_start3A_15 : memref<1000000x64xf32, #tpu.memory_space<hbm>>) target(%arg7 : memref<128x64xf32, #tpu.memory_space<vmem>>) offsets(%dma_start3A_12 : memref<128xi32, #tpu.memory_space<vmem>>) semaphore(%arg15 : memref<!tpu.dma_semaphore, #tpu.memory_space<semaphore_mem>>)
    %dma_start3A_16 = arith.constant 2 : i32
    %dma_start3A_17 = arith.constant 0 : i32
    %dma_start3A_18 = tpu.memref_slice %arg5[%dma_start3A_16, %dma_start3A_17] : memref<200x128xi32, #tpu.memory_space<vmem>> -> memref<1x128xi32, #tpu.memory_space<vmem>>
    %dma_start3A_19 = tpu.memref_squeeze %dma_start3A_18 : memref<1x128xi32, #tpu.memory_space<vmem>> -> memref<128xi32, #tpu.memory_space<vmem>>
    %dma_start3A_20 = arith.constant 0 : i32
    %dma_start3A_21 = arith.constant 0 : i32
    %dma_start3A_22 = tpu.memref_slice %arg3[%dma_start3A_20, %dma_start3A_21] : memref<1000000x64xf32, #tpu.memory_space<hbm>> -> memref<1000000x64xf32, #tpu.memory_space<hbm>>
    tpu.enqueue_indirect_dma source(%dma_start3A_22 : memref<1000000x64xf32, #tpu.memory_space<hbm>>) target(%arg8 : memref<128x64xf32, #tpu.memory_space<vmem>>) offsets(%dma_start3A_19 : memref<128xi32, #tpu.memory_space<vmem>>) semaphore(%arg16 : memref<!tpu.dma_semaphore, #tpu.memory_space<semaphore_mem>>)
    %scan3A = arith.constant 0 : i32
    %scan3A_23 = arith.constant 0 : i32
    %scan3A_24 = arith.constant 25 : i32
    %scan3A_25 = arith.addi %scan3A_23, %scan3A_24 : i32
    %scan3A_26 = arith.constant 1 : i32
    scf.for %scan3A_59 = %scan3A_23 to %scan3A_25 step %scan3A_26  : i32 {
      %mul3A_60 = arith.constant 8 : i32
      %mul3A_61 = arith.muli %scan3A_59, %mul3A_60 : i32
      %add3A_62 = arith.constant 0 : i32
      %add3A_63 = arith.addi %mul3A_61, %add3A_62 : i32
      %dma_wait3A_64 = arith.constant 0 : i32
      %dma_wait3A_65 = tpu.memref_slice %arg5[%add3A_63, %dma_wait3A_64] : memref<200x128xi32, #tpu.memory_space<vmem>> -> memref<1x128xi32, #tpu.memory_space<vmem>>
      %dma_wait3A_66 = tpu.memref_squeeze %dma_wait3A_65 : memref<1x128xi32, #tpu.memory_space<vmem>> -> memref<128xi32, #tpu.memory_space<vmem>>
      %dma_wait3A_67 = arith.constant 0 : i32
      %dma_wait3A_68 = arith.constant 0 : i32
      %dma_wait3A_69 = tpu.memref_slice %arg3[%dma_wait3A_67, %dma_wait3A_68] : memref<1000000x64xf32, #tpu.memory_space<hbm>> -> memref<1000000x64xf32, #tpu.memory_space<hbm>>
      tpu.wait_indirect_dma semaphore(%arg14 : memref<!tpu.dma_semaphore, #tpu.memory_space<semaphore_mem>>) src(%dma_wait3A_69 : memref<1000000x64xf32, #tpu.memory_space<hbm>>) dst(%arg6 : memref<128x64xf32, #tpu.memory_space<vmem>>)
      %scan3A_70 = arith.constant 0 : i32
      %scan3A_71 = arith.constant 0 : i32
      %scan3A_72 = arith.constant 32 : i32
      %scan3A_73 = arith.addi %scan3A_71, %scan3A_72 : i32
      %scan3A_74 = arith.constant 1 : i32
      scf.for %scan3A_297 = %scan3A_71 to %scan3A_73 step %scan3A_74  : i32 {
        %mul3A_298 = arith.constant 4 : i32
        %mul3A_299 = arith.muli %scan3A_297, %mul3A_298 : i32
        %add3A_300 = arith.constant 0 : i32
        %add3A_301 = arith.addi %mul3A_299, %add3A_300 : i32
        %get3A = arith.index_cast %add3A_301 : i32 to index
        %get3A_302 = arith.constant 0 : index
        %get3A_303 = tpu.vector_load %arg6[%get3A, %get3A_302] {strides = array<i32>} : memref<128x64xf32, #tpu.memory_space<vmem>>, vector<1x16xf32>,
        %get3A_304 = vector.shape_cast %get3A_303 : vector<1x16xf32> to vector<16xf32>
        %mul3A_305 = arith.constant 8.000000e+00 : f32
        %mul3A_306 = vector.broadcast %mul3A_305 : f32 to vector<16xf32>
        %mul3A_307 = arith.mulf %get3A_304, %mul3A_306 : vector<16xf32>
        %swap3A = arith.index_cast %add3A_301 : i32 to index
        %swap3A_308 = arith.constant 0 : index
        %swap3A_309 = tpu.vector_load %arg6[%swap3A, %swap3A_308] {strides = array<i32>} : memref<128x64xf32, #tpu.memory_space<vmem>>, vector<1x16xf32>,
        %swap3A_310 = vector.shape_cast %swap3A_309 : vector<1x16xf32> to vector<16xf32>
        %swap3A_311 = vector.shape_cast %mul3A_307 : vector<16xf32> to vector<1x16xf32>
        tpu.vector_store %arg6[%swap3A, %swap3A_308], %swap3A_311 {strides = array<i32>} : memref<128x64xf32, #tpu.memory_space<vmem>>, vector<1x16xf32>,
        %get3A_312 = arith.index_cast %add3A_301 : i32 to index
        %get3A_313 = arith.constant 16 : index
        %get3A_314 = tpu.vector_load %arg6[%get3A_312, %get3A_313] {strides = array<i32>} : memref<128x64xf32, #tpu.memory_space<vmem>>, vector<1x16xf32>,
        %get3A_315 = vector.shape_cast %get3A_314 : vector<1x16xf32> to vector<16xf32>
        %mul3A_316 = arith.constant 8.000000e+00 : f32
        %mul3A_317 = vector.broadcast %mul3A_316 : f32 to vector<16xf32>
        %mul3A_318 = arith.mulf %get3A_315, %mul3A_317 : vector<16xf32>
        %swap3A_319 = arith.index_cast %add3A_301 : i32 to index
        %swap3A_320 = arith.constant 16 : index
        %swap3A_321 = tpu.vector_load %arg6[%swap3A_319, %swap3A_320] {strides = array<i32>} : memref<128x64xf32, #tpu.memory_space<vmem>>, vector<1x16xf32>,
        %swap3A_322 = vector.shape_cast %swap3A_321 : vector<1x16xf32> to vector<16xf32>
        %swap3A_323 = vector.shape_cast %mul3A_318 : vector<16xf32> to vector<1x16xf32>
        tpu.vector_store %arg6[%swap3A_319, %swap3A_320], %swap3A_323 {strides = array<i32>} : memref<128x64xf32, #tpu.memory_space<vmem>>, vector<1x16xf32>,
        %get3A_324 = arith.index_cast %add3A_301 : i32 to index
        %get3A_325 = arith.constant 32 : index
        %get3A_326 = tpu.vector_load %arg6[%get3A_324, %get3A_325] {strides = array<i32>} : memref<128x64xf32, #tpu.memory_space<vmem>>, vector<1x16xf32>,
        %get3A_327 = vector.shape_cast %get3A_326 : vector<1x16xf32> to vector<16xf32>
        %mul3A_328 = arith.constant 8.000000e+00 : f32
        %mul3A_329 = vector.broadcast %mul3A_328 : f32 to vector<16xf32>
        %mul3A_330 = arith.mulf %get3A_327, %mul3A_329 : vector<16xf32>
        %swap3A_331 = arith.index_cast %add3A_301 : i32 to index
        %swap3A_332 = arith.constant 32 : index
        %swap3A_333 = tpu.vector_load %arg6[%swap3A_331, %swap3A_332] {strides = array<i32>} : memref<128x64xf32, #tpu.memory_space<vmem>>, vector<1x16xf32>,
        %swap3A_334 = vector.shape_cast %swap3A_333 : vector<1x16xf32> to vector<16xf32>
        %swap3A_335 = vector.shape_cast %mul3A_330 : vector<16xf32> to vector<1x16xf32>
        tpu.vector_store %arg6[%swap3A_331, %swap3A_332], %swap3A_335 {strides = array<i32>} : memref<128x64xf32, #tpu.memory_space<vmem>>, vector<1x16xf32>,
        %get3A_336 = arith.index_cast %add3A_301 : i32 to index
        %get3A_337 = arith.constant 48 : index
        %get3A_338 = tpu.vector_load %arg6[%get3A_336, %get3A_337] {strides = array<i32>} : memref<128x64xf32, #tpu.memory_space<vmem>>, vector<1x16xf32>,
        %get3A_339 = vector.shape_cast %get3A_338 : vector<1x16xf32> to vector<16xf32>
        %mul3A_340 = arith.constant 8.000000e+00 : f32
        %mul3A_341 = vector.broadcast %mul3A_340 : f32 to vector<16xf32>
        %mul3A_342 = arith.mulf %get3A_339, %mul3A_341 : vector<16xf32>
        %swap3A_343 = arith.index_cast %add3A_301 : i32 to index
        %swap3A_344 = arith.constant 48 : index
        %swap3A_345 = tpu.vector_load %arg6[%swap3A_343, %swap3A_344] {strides = array<i32>} : memref<128x64xf32, #tpu.memory_space<vmem>>, vector<1x16xf32>,
        %swap3A_346 = vector.shape_cast %swap3A_345 : vector<1x16xf32> to vector<16xf32>
        %swap3A_347 = vector.shape_cast %mul3A_342 : vector<16xf32> to vector<1x16xf32>
        tpu.vector_store %arg6[%swap3A_343, %swap3A_344], %swap3A_347 {strides = array<i32>} : memref<128x64xf32, #tpu.memory_space<vmem>>, vector<1x16xf32>,
        %mul3A_348 = arith.constant 4 : i32
        %mul3A_349 = arith.muli %scan3A_297, %mul3A_348 : i32
        %add3A_350 = arith.constant 1 : i32
        %add3A_351 = arith.addi %mul3A_349, %add3A_350 : i32
        %get3A_352 = arith.index_cast %add3A_351 : i32 to index
        %get3A_353 = arith.constant 0 : index
        %get3A_354 = tpu.vector_load %arg6[%get3A_352, %get3A_353] {strides = array<i32>} : memref<128x64xf32, #tpu.memory_space<vmem>>, vector<1x16xf32>,
        %get3A_355 = vector.shape_cast %get3A_354 : vector<1x16xf32> to vector<16xf32>
        %mul3A_356 = arith.constant 8.000000e+00 : f32
        %mul3A_357 = vector.broadcast %mul3A_356 : f32 to vector<16xf32>
        %mul3A_358 = arith.mulf %get3A_355, %mul3A_357 : vector<16xf32>
        %swap3A_359 = arith.index_cast %add3A_351 : i32 to index
        %swap3A_360 = arith.constant 0 : index
        %swap3A_361 = tpu.vector_load %arg6[%swap3A_359, %swap3A_360] {strides = array<i32>} : memref<128x64xf32, #tpu.memory_space<vmem>>, vector<1x16xf32>,
        %swap3A_362 = vector.shape_cast %swap3A_361 : vector<1x16xf32> to vector<16xf32>
        %swap3A_363 = vector.shape_cast %mul3A_358 : vector<16xf32> to vector<1x16xf32>
        tpu.vector_store %arg6[%swap3A_359, %swap3A_360], %swap3A_363 {strides = array<i32>} : memref<128x64xf32, #tpu.memory_space<vmem>>, vector<1x16xf32>,
        %get3A_364 = arith.index_cast %add3A_351 : i32 to index
        %get3A_365 = arith.constant 16 : index
        %get3A_366 = tpu.vector_load %arg6[%get3A_364, %get3A_365] {strides = array<i32>} : memref<128x64xf32, #tpu.memory_space<vmem>>, vector<1x16xf32>,
        %get3A_367 = vector.shape_cast %get3A_366 : vector<1x16xf32> to vector<16xf32>
        %mul3A_368 = arith.constant 8.000000e+00 : f32
        %mul3A_369 = vector.broadcast %mul3A_368 : f32 to vector<16xf32>
        %mul3A_370 = arith.mulf %get3A_367, %mul3A_369 : vector<16xf32>
        %swap3A_371 = arith.index_cast %add3A_351 : i32 to index
        %swap3A_372 = arith.constant 16 : index
        %swap3A_373 = tpu.vector_load %arg6[%swap3A_371, %swap3A_372] {strides = array<i32>} : memref<128x64xf32, #tpu.memory_space<vmem>>, vector<1x16xf32>,
        %swap3A_374 = vector.shape_cast %swap3A_373 : vector<1x16xf32> to vector<16xf32>
        %swap3A_375 = vector.shape_cast %mul3A_370 : vector<16xf32> to vector<1x16xf32>
        tpu.vector_store %arg6[%swap3A_371, %swap3A_372], %swap3A_375 {strides = array<i32>} : memref<128x64xf32, #tpu.memory_space<vmem>>, vector<1x16xf32>,
        %get3A_376 = arith.index_cast %add3A_351 : i32 to index
        %get3A_377 = arith.constant 32 : index
        %get3A_378 = tpu.vector_load %arg6[%get3A_376, %get3A_377] {strides = array<i32>} : memref<128x64xf32, #tpu.memory_space<vmem>>, vector<1x16xf32>,
        %get3A_379 = vector.shape_cast %get3A_378 : vector<1x16xf32> to vector<16xf32>
        %mul3A_380 = arith.constant 8.000000e+00 : f32
        %mul3A_381 = vector.broadcast %mul3A_380 : f32 to vector<16xf32>
        %mul3A_382 = arith.mulf %get3A_379, %mul3A_381 : vector<16xf32>
        %swap3A_383 = arith.index_cast %add3A_351 : i32 to index
        %swap3A_384 = arith.constant 32 : index
        %swap3A_385 = tpu.vector_load %arg6[%swap3A_383, %swap3A_384] {strides = array<i32>} : memref<128x64xf32, #tpu.memory_space<vmem>>, vector<1x16xf32>,
        %swap3A_386 = vector.shape_cast %swap3A_385 : vector<1x16xf32> to vector<16xf32>
        %swap3A_387 = vector.shape_cast %mul3A_382 : vector<16xf32> to vector<1x16xf32>
        tpu.vector_store %arg6[%swap3A_383, %swap3A_384], %swap3A_387 {strides = array<i32>} : memref<128x64xf32, #tpu.memory_space<vmem>>, vector<1x16xf32>,
        %get3A_388 = arith.index_cast %add3A_351 : i32 to index
        %get3A_389 = arith.constant 48 : index
        %get3A_390 = tpu.vector_load %arg6[%get3A_388, %get3A_389] {strides = array<i32>} : memref<128x64xf32, #tpu.memory_space<vmem>>, vector<1x16xf32>,
        %get3A_391 = vector.shape_cast %get3A_390 : vector<1x16xf32> to vector<16xf32>
        %mul3A_392 = arith.constant 8.000000e+00 : f32
        %mul3A_393 = vector.broadcast %mul3A_392 : f32 to vector<16xf32>
        %mul3A_394 = arith.mulf %get3A_391, %mul3A_393 : vector<16xf32>
        %swap3A_395 = arith.index_cast %add3A_351 : i32 to index
        %swap3A_396 = arith.constant 48 : index
        %swap3A_397 = tpu.vector_load %arg6[%swap3A_395, %swap3A_396] {strides = array<i32>} : memref<128x64xf32, #tpu.memory_space<vmem>>, vector<1x16xf32>,
        %swap3A_398 = vector.shape_cast %swap3A_397 : vector<1x16xf32> to vector<16xf32>
        %swap3A_399 = vector.shape_cast %mul3A_394 : vector<16xf32> to vector<1x16xf32>
        tpu.vector_store %arg6[%swap3A_395, %swap3A_396], %swap3A_399 {strides = array<i32>} : memref<128x64xf32, #tpu.memory_space<vmem>>, vector<1x16xf32>,
        %mul3A_400 = arith.constant 4 : i32
        %mul3A_401 = arith.muli %scan3A_297, %mul3A_400 : i32
        %add3A_402 = arith.constant 2 : i32
        %add3A_403 = arith.addi %mul3A_401, %add3A_402 : i32
        %get3A_404 = arith.index_cast %add3A_403 : i32 to index
        %get3A_405 = arith.constant 0 : index
        %get3A_406 = tpu.vector_load %arg6[%get3A_404, %get3A_405] {strides = array<i32>} : memref<128x64xf32, #tpu.memory_space<vmem>>, vector<1x16xf32>,
        %get3A_407 = vector.shape_cast %get3A_406 : vector<1x16xf32> to vector<16xf32>
        %mul3A_408 = arith.constant 8.000000e+00 : f32
        %mul3A_409 = vector.broadcast %mul3A_408 : f32 to vector<16xf32>
        %mul3A_410 = arith.mulf %get3A_407, %mul3A_409 : vector<16xf32>
        %swap3A_411 = arith.index_cast %add3A_403 : i32 to index
        %swap3A_412 = arith.constant 0 : index
        %swap3A_413 = tpu.vector_load %arg6[%swap3A_411, %swap3A_412] {strides = array<i32>} : memref<128x64xf32, #tpu.memory_space<vmem>>, vector<1x16xf32>,
        %swap3A_414 = vector.shape_cast %swap3A_413 : vector<1x16xf32> to vector<16xf32>
        %swap3A_415 = vector.shape_cast %mul3A_410 : vector<16xf32> to vector<1x16xf32>
        tpu.vector_store %arg6[%swap3A_411, %swap3A_412], %swap3A_415 {strides = array<i32>} : memref<128x64xf32, #tpu.memory_space<vmem>>, vector<1x16xf32>,
        %get3A_416 = arith.index_cast %add3A_403 : i32 to index
        %get3A_417 = arith.constant 16 : index
        %get3A_418 = tpu.vector_load %arg6[%get3A_416, %get3A_417] {strides = array<i32>} : memref<128x64xf32, #tpu.memory_space<vmem>>, vector<1x16xf32>,
        %get3A_419 = vector.shape_cast %get3A_418 : vector<1x16xf32> to vector<16xf32>
        %mul3A_420 = arith.constant 8.000000e+00 : f32
        %mul3A_421 = vector.broadcast %mul3A_420 : f32 to vector<16xf32>
        %mul3A_422 = arith.mulf %get3A_419, %mul3A_421 : vector<16xf32>
        %swap3A_423 = arith.index_cast %add3A_403 : i32 to index
        %swap3A_424 = arith.constant 16 : index
        %swap3A_425 = tpu.vector_load %arg6[%swap3A_423, %swap3A_424] {strides = array<i32>} : memref<128x64xf32, #tpu.memory_space<vmem>>, vector<1x16xf32>,
        %swap3A_426 = vector.shape_cast %swap3A_425 : vector<1x16xf32> to vector<16xf32>
        %swap3A_427 = vector.shape_cast %mul3A_422 : vector<16xf32> to vector<1x16xf32>
        tpu.vector_store %arg6[%swap3A_423, %swap3A_424], %swap3A_427 {strides = array<i32>} : memref<128x64xf32, #tpu.memory_space<vmem>>, vector<1x16xf32>,
        %get3A_428 = arith.index_cast %add3A_403 : i32 to index
        %get3A_429 = arith.constant 32 : index
        %get3A_430 = tpu.vector_load %arg6[%get3A_428, %get3A_429] {strides = array<i32>} : memref<128x64xf32, #tpu.memory_space<vmem>>, vector<1x16xf32>,
        %get3A_431 = vector.shape_cast %get3A_430 : vector<1x16xf32> to vector<16xf32>
        %mul3A_432 = arith.constant 8.000000e+00 : f32
        %mul3A_433 = vector.broadcast %mul3A_432 : f32 to vector<16xf32>
        %mul3A_434 = arith.mulf %get3A_431, %mul3A_433 : vector<16xf32>
        %swap3A_435 = arith.index_cast %add3A_403 : i32 to index
        %swap3A_436 = arith.constant 32 : index
        %swap3A_437 = tpu.vector_load %arg6[%swap3A_435, %swap3A_436] {strides = array<i32>} : memref<128x64xf32, #tpu.memory_space<vmem>>, vector<1x16xf32>,
        %swap3A_438 = vector.shape_cast %swap3A_437 : vector<1x16xf32> to vector<16xf32>
        %swap3A_439 = vector.shape_cast %mul3A_434 : vector<16xf32> to vector<1x16xf32>
        tpu.vector_store %arg6[%swap3A_435, %swap3A_436], %swap3A_439 {strides = array<i32>} : memref<128x64xf32, #tpu.memory_space<vmem>>, vector<1x16xf32>,
        %get3A_440 = arith.index_cast %add3A_403 : i32 to index
        %get3A_441 = arith.constant 48 : index
        %get3A_442 = tpu.vector_load %arg6[%get3A_440, %get3A_441] {strides = array<i32>} : memref<128x64xf32, #tpu.memory_space<vmem>>, vector<1x16xf32>,
        %get3A_443 = vector.shape_cast %get3A_442 : vector<1x16xf32> to vector<16xf32>
        %mul3A_444 = arith.constant 8.000000e+00 : f32
        %mul3A_445 = vector.broadcast %mul3A_444 : f32 to vector<16xf32>
        %mul3A_446 = arith.mulf %get3A_443, %mul3A_445 : vector<16xf32>
        %swap3A_447 = arith.index_cast %add3A_403 : i32 to index
        %swap3A_448 = arith.constant 48 : index
        %swap3A_449 = tpu.vector_load %arg6[%swap3A_447, %swap3A_448] {strides = array<i32>} : memref<128x64xf32, #tpu.memory_space<vmem>>, vector<1x16xf32>,
        %swap3A_450 = vector.shape_cast %swap3A_449 : vector<1x16xf32> to vector<16xf32>
        %swap3A_451 = vector.shape_cast %mul3A_446 : vector<16xf32> to vector<1x16xf32>
        tpu.vector_store %arg6[%swap3A_447, %swap3A_448], %swap3A_451 {strides = array<i32>} : memref<128x64xf32, #tpu.memory_space<vmem>>, vector<1x16xf32>,
        %mul3A_452 = arith.constant 4 : i32
        %mul3A_453 = arith.muli %scan3A_297, %mul3A_452 : i32
        %add3A_454 = arith.constant 3 : i32
        %add3A_455 = arith.addi %mul3A_453, %add3A_454 : i32
        %get3A_456 = arith.index_cast %add3A_455 : i32 to index
        %get3A_457 = arith.constant 0 : index
        %get3A_458 = tpu.vector_load %arg6[%get3A_456, %get3A_457] {strides = array<i32>} : memref<128x64xf32, #tpu.memory_space<vmem>>, vector<1x16xf32>,
        %get3A_459 = vector.shape_cast %get3A_458 : vector<1x16xf32> to vector<16xf32>
        %mul3A_460 = arith.constant 8.000000e+00 : f32
        %mul3A_461 = vector.broadcast %mul3A_460 : f32 to vector<16xf32>
        %mul3A_462 = arith.mulf %get3A_459, %mul3A_461 : vector<16xf32>
        %swap3A_463 = arith.index_cast %add3A_455 : i32 to index
        %swap3A_464 = arith.constant 0 : index
        %swap3A_465 = tpu.vector_load %arg6[%swap3A_463, %swap3A_464] {strides = array<i32>} : memref<128x64xf32, #tpu.memory_space<vmem>>, vector<1x16xf32>,
        %swap3A_466 = vector.shape_cast %swap3A_465 : vector<1x16xf32> to vector<16xf32>
        %swap3A_467 = vector.shape_cast %mul3A_462 : vector<16xf32> to vector<1x16xf32>
        tpu.vector_store %arg6[%swap3A_463, %swap3A_464], %swap3A_467 {strides = array<i32>} : memref<128x64xf32, #tpu.memory_space<vmem>>, vector<1x16xf32>,
        %get3A_468 = arith.index_cast %add3A_455 : i32 to index
        %get3A_469 = arith.constant 16 : index
        %get3A_470 = tpu.vector_load %arg6[%get3A_468, %get3A_469] {strides = array<i32>} : memref<128x64xf32, #tpu.memory_space<vmem>>, vector<1x16xf32>,
        %get3A_471 = vector.shape_cast %get3A_470 : vector<1x16xf32> to vector<16xf32>
        %mul3A_472 = arith.constant 8.000000e+00 : f32
        %mul3A_473 = vector.broadcast %mul3A_472 : f32 to vector<16xf32>
        %mul3A_474 = arith.mulf %get3A_471, %mul3A_473 : vector<16xf32>
        %swap3A_475 = arith.index_cast %add3A_455 : i32 to index
        %swap3A_476 = arith.constant 16 : index
        %swap3A_477 = tpu.vector_load %arg6[%swap3A_475, %swap3A_476] {strides = array<i32>} : memref<128x64xf32, #tpu.memory_space<vmem>>, vector<1x16xf32>,
        %swap3A_478 = vector.shape_cast %swap3A_477 : vector<1x16xf32> to vector<16xf32>
        %swap3A_479 = vector.shape_cast %mul3A_474 : vector<16xf32> to vector<1x16xf32>
        tpu.vector_store %arg6[%swap3A_475, %swap3A_476], %swap3A_479 {strides = array<i32>} : memref<128x64xf32, #tpu.memory_space<vmem>>, vector<1x16xf32>,
        %get3A_480 = arith.index_cast %add3A_455 : i32 to index
        %get3A_481 = arith.constant 32 : index
        %get3A_482 = tpu.vector_load %arg6[%get3A_480, %get3A_481] {strides = array<i32>} : memref<128x64xf32, #tpu.memory_space<vmem>>, vector<1x16xf32>,
        %get3A_483 = vector.shape_cast %get3A_482 : vector<1x16xf32> to vector<16xf32>
        %mul3A_484 = arith.constant 8.000000e+00 : f32
        %mul3A_485 = vector.broadcast %mul3A_484 : f32 to vector<16xf32>
        %mul3A_486 = arith.mulf %get3A_483, %mul3A_485 : vector<16xf32>
        %swap3A_487 = arith.index_cast %add3A_455 : i32 to index
        %swap3A_488 = arith.constant 32 : index
        %swap3A_489 = tpu.vector_load %arg6[%swap3A_487, %swap3A_488] {strides = array<i32>} : memref<128x64xf32, #tpu.memory_space<vmem>>, vector<1x16xf32>,
        %swap3A_490 = vector.shape_cast %swap3A_489 : vector<1x16xf32> to vector<16xf32>
        %swap3A_491 = vector.shape_cast %mul3A_486 : vector<16xf32> to vector<1x16xf32>
        tpu.vector_store %arg6[%swap3A_487, %swap3A_488], %swap3A_491 {strides = array<i32>} : memref<128x64xf32, #tpu.memory_space<vmem>>, vector<1x16xf32>,
        %get3A_492 = arith.index_cast %add3A_455 : i32 to index
        %get3A_493 = arith.constant 48 : index
        %get3A_494 = tpu.vector_load %arg6[%get3A_492, %get3A_493] {strides = array<i32>} : memref<128x64xf32, #tpu.memory_space<vmem>>, vector<1x16xf32>,
        %get3A_495 = vector.shape_cast %get3A_494 : vector<1x16xf32> to vector<16xf32>
        %mul3A_496 = arith.constant 8.000000e+00 : f32
        %mul3A_497 = vector.broadcast %mul3A_496 : f32 to vector<16xf32>
        %mul3A_498 = arith.mulf %get3A_495, %mul3A_497 : vector<16xf32>
        %swap3A_499 = arith.index_cast %add3A_455 : i32 to index
        %swap3A_500 = arith.constant 48 : index
        %swap3A_501 = tpu.vector_load %arg6[%swap3A_499, %swap3A_500] {strides = array<i32>} : memref<128x64xf32, #tpu.memory_space<vmem>>, vector<1x16xf32>,
        %swap3A_502 = vector.shape_cast %swap3A_501 : vector<1x16xf32> to vector<16xf32>
        %swap3A_503 = vector.shape_cast %mul3A_498 : vector<16xf32> to vector<1x16xf32>
        tpu.vector_store %arg6[%swap3A_499, %swap3A_500], %swap3A_503 {strides = array<i32>} : memref<128x64xf32, #tpu.memory_space<vmem>>, vector<1x16xf32>,
      }
      %scan3A_75 = arith.constant 32 : i32
      %mul3A_76 = arith.constant 128 : i32
      %mul3A_77 = arith.muli %add3A_63, %mul3A_76 : i32
      %add3A_78 = arith.addi %mul3A_2, %mul3A_77 : i32
      %dma_start3A_79 = arith.constant 0 : i32
      %dma_start3A_80 = tpu.memref_slice %arg4[%add3A_78, %dma_start3A_79] : memref<819200x64xf32, #tpu.memory_space<hbm>> -> memref<128x64xf32, #tpu.memory_space<hbm>>
      %dma_start3A_81 = arith.constant 0 : i32
      %dma_start3A_82 = tpu.memref_slice %arg4[%add3A_78, %dma_start3A_81] : memref<819200x64xf32, #tpu.memory_space<hbm>> -> memref<128x64xf32, #tpu.memory_space<hbm>>
      tpu.enqueue_dma source(%arg6 : memref<128x64xf32, #tpu.memory_space<vmem>>) target(%dma_start3A_82 : memref<128x64xf32, #tpu.memory_space<hbm>>) target_semaphore(%arg22 : memref<!tpu.dma_semaphore, #tpu.memory_space<semaphore_mem>>)
      %add3A_83 = arith.constant 3 : i32
      %add3A_84 = arith.addi %add3A_63, %add3A_83 : i32
      %lt3A = arith.constant 200 : i32
      %lt3A_85 = arith.cmpi slt, %add3A_84, %lt3A : i32
      %convert_element_type3A = arith.extui %lt3A_85 : i1 to i32
      %cond3A = arith.constant 0 : i32
      %cond3A_86 = arith.cmpi ne, %convert_element_type3A, %cond3A : i32
      scf.if %cond3A_86 {
        %ge3A = arith.constant 8 : i32
        %ge3A_297 = arith.cmpi sge, %add3A_84, %ge3A : i32
        %convert_element_type3A_298 = arith.extui %ge3A_297 : i1 to i32
        %cond3A_299 = arith.constant 0 : i32
        %cond3A_300 = arith.cmpi ne, %convert_element_type3A_298, %cond3A_299 : i32
        scf.if %cond3A_300 {
          %dma_wait3A_307 = arith.constant 0 : i32
          %dma_wait3A_308 = tpu.memref_slice %arg4[%mul3A_2, %dma_wait3A_307] : memref<819200x64xf32, #tpu.memory_space<hbm>> -> memref<128x64xf32, #tpu.memory_space<hbm>>
          %dma_wait3A_309 = arith.constant 0 : i32
          %dma_wait3A_310 = tpu.memref_slice %arg4[%mul3A_2, %dma_wait3A_309] : memref<819200x64xf32, #tpu.memory_space<hbm>> -> memref<128x64xf32, #tpu.memory_space<hbm>>
          tpu.wait_dma2 semaphore(%arg25 : memref<!tpu.dma_semaphore, #tpu.memory_space<semaphore_mem>>) src(%arg9 : memref<128x64xf32, #tpu.memory_space<vmem>>) dst(%dma_wait3A_310 : memref<128x64xf32, #tpu.memory_space<hbm>>)
        } else {
        }
        %dma_start3A_301 = arith.constant 0 : i32
        %dma_start3A_302 = tpu.memref_slice %arg5[%add3A_84, %dma_start3A_301] : memref<200x128xi32, #tpu.memory_space<vmem>> -> memref<1x128xi32, #tpu.memory_space<vmem>>
        %dma_start3A_303 = tpu.memref_squeeze %dma_start3A_302 : memref<1x128xi32, #tpu.memory_space<vmem>> -> memref<128xi32, #tpu.memory_space<vmem>>
        %dma_start3A_304 = arith.constant 0 : i32
        %dma_start3A_305 = arith.constant 0 : i32
        %dma_start3A_306 = tpu.memref_slice %arg3[%dma_start3A_304, %dma_start3A_305] : memref<1000000x64xf32, #tpu.memory_space<hbm>> -> memref<1000000x64xf32, #tpu.memory_space<hbm>>
        tpu.enqueue_indirect_dma source(%dma_start3A_306 : memref<1000000x64xf32, #tpu.memory_space<hbm>>) target(%arg9 : memref<128x64xf32, #tpu.memory_space<vmem>>) offsets(%dma_start3A_303 : memref<128xi32, #tpu.memory_space<vmem>>) semaphore(%arg17 : memref<!tpu.dma_semaphore, #tpu.memory_space<semaphore_mem>>)
      } else {
      }
      %mul3A_87 = arith.constant 8 : i32
      %mul3A_88 = arith.muli %scan3A_59, %mul3A_87 : i32
      %add3A_89 = arith.constant 1 : i32
      %add3A_90 = arith.addi %mul3A_88, %add3A_89 : i32
      %dma_wait3A_91 = arith.constant 0 : i32
      %dma_wait3A_92 = tpu.memref_slice %arg5[%add3A_90, %dma_wait3A_91] : memref<200x128xi32, #tpu.memory_space<vmem>> -> memref<1x128xi32, #tpu.memory_space<vmem>>
      %dma_wait3A_93 = tpu.memref_squeeze %dma_wait3A_92 : memref<1x128xi32, #tpu.memory_space<vmem>> -> memref<128xi32, #tpu.memory_space<vmem>>
      %dma_wait3A_94 = arith.constant 0 : i32
      %dma_wait3A_95 = arith.constant 0 : i32
      %dma_wait3A_96 = tpu.memref_slice %arg3[%dma_wait3A_94, %dma_wait3A_95] : memref<1000000x64xf32, #tpu.memory_space<hbm>> -> memref<1000000x64xf32, #tpu.memory_space<hbm>>
      tpu.wait_indirect_dma semaphore(%arg15 : memref<!tpu.dma_semaphore, #tpu.memory_space<semaphore_mem>>) src(%dma_wait3A_96 : memref<1000000x64xf32, #tpu.memory_space<hbm>>) dst(%arg7 : memref<128x64xf32, #tpu.memory_space<vmem>>)
      %scan3A_97 = arith.constant 0 : i32
      %scan3A_98 = arith.constant 0 : i32
      %scan3A_99 = arith.constant 32 : i32
      %scan3A_100 = arith.addi %scan3A_98, %scan3A_99 : i32
      %scan3A_101 = arith.constant 1 : i32
      scf.for %scan3A_297 = %scan3A_98 to %scan3A_100 step %scan3A_101  : i32 {
        %mul3A_298 = arith.constant 4 : i32
        %mul3A_299 = arith.muli %scan3A_297, %mul3A_298 : i32
        %add3A_300 = arith.constant 0 : i32
        %add3A_301 = arith.addi %mul3A_299, %add3A_300 : i32
        %get3A = arith.index_cast %add3A_301 : i32 to index
        %get3A_302 = arith.constant 0 : index
        %get3A_303 = tpu.vector_load %arg7[%get3A, %get3A_302] {strides = array<i32>} : memref<128x64xf32, #tpu.memory_space<vmem>>, vector<1x16xf32>,
        %get3A_304 = vector.shape_cast %get3A_303 : vector<1x16xf32> to vector<16xf32>
        %mul3A_305 = arith.constant 8.000000e+00 : f32
        %mul3A_306 = vector.broadcast %mul3A_305 : f32 to vector<16xf32>
        %mul3A_307 = arith.mulf %get3A_304, %mul3A_306 : vector<16xf32>
        %swap3A = arith.index_cast %add3A_301 : i32 to index
        %swap3A_308 = arith.constant 0 : index
        %swap3A_309 = tpu.vector_load %arg7[%swap3A, %swap3A_308] {strides = array<i32>} : memref<128x64xf32, #tpu.memory_space<vmem>>, vector<1x16xf32>,
        %swap3A_310 = vector.shape_cast %swap3A_309 : vector<1x16xf32> to vector<16xf32>
        %swap3A_311 = vector.shape_cast %mul3A_307 : vector<16xf32> to vector<1x16xf32>
        tpu.vector_store %arg7[%swap3A, %swap3A_308], %swap3A_311 {strides = array<i32>} : memref<128x64xf32, #tpu.memory_space<vmem>>, vector<1x16xf32>,
        %get3A_312 = arith.index_cast %add3A_301 : i32 to index
        %get3A_313 = arith.constant 16 : index
        %get3A_314 = tpu.vector_load %arg7[%get3A_312, %get3A_313] {strides = array<i32>} : memref<128x64xf32, #tpu.memory_space<vmem>>, vector<1x16xf32>,
        %get3A_315 = vector.shape_cast %get3A_314 : vector<1x16xf32> to vector<16xf32>
        %mul3A_316 = arith.constant 8.000000e+00 : f32
        %mul3A_317 = vector.broadcast %mul3A_316 : f32 to vector<16xf32>
        %mul3A_318 = arith.mulf %get3A_315, %mul3A_317 : vector<16xf32>
        %swap3A_319 = arith.index_cast %add3A_301 : i32 to index
        %swap3A_320 = arith.constant 16 : index
        %swap3A_321 = tpu.vector_load %arg7[%swap3A_319, %swap3A_320] {strides = array<i32>} : memref<128x64xf32, #tpu.memory_space<vmem>>, vector<1x16xf32>,
        %swap3A_322 = vector.shape_cast %swap3A_321 : vector<1x16xf32> to vector<16xf32>
        %swap3A_323 = vector.shape_cast %mul3A_318 : vector<16xf32> to vector<1x16xf32>
        tpu.vector_store %arg7[%swap3A_319, %swap3A_320], %swap3A_323 {strides = array<i32>} : memref<128x64xf32, #tpu.memory_space<vmem>>, vector<1x16xf32>,
        %get3A_324 = arith.index_cast %add3A_301 : i32 to index
        %get3A_325 = arith.constant 32 : index
        %get3A_326 = tpu.vector_load %arg7[%get3A_324, %get3A_325] {strides = array<i32>} : memref<128x64xf32, #tpu.memory_space<vmem>>, vector<1x16xf32>,
        %get3A_327 = vector.shape_cast %get3A_326 : vector<1x16xf32> to vector<16xf32>
        %mul3A_328 = arith.constant 8.000000e+00 : f32
        %mul3A_329 = vector.broadcast %mul3A_328 : f32 to vector<16xf32>
        %mul3A_330 = arith.mulf %get3A_327, %mul3A_329 : vector<16xf32>
        %swap3A_331 = arith.index_cast %add3A_301 : i32 to index
        %swap3A_332 = arith.constant 32 : index
        %swap3A_333 = tpu.vector_load %arg7[%swap3A_331, %swap3A_332] {strides = array<i32>} : memref<128x64xf32, #tpu.memory_space<vmem>>, vector<1x16xf32>,
        %swap3A_334 = vector.shape_cast %swap3A_333 : vector<1x16xf32> to vector<16xf32>
        %swap3A_335 = vector.shape_cast %mul3A_330 : vector<16xf32> to vector<1x16xf32>
        tpu.vector_store %arg7[%swap3A_331, %swap3A_332], %swap3A_335 {strides = array<i32>} : memref<128x64xf32, #tpu.memory_space<vmem>>, vector<1x16xf32>,
        %get3A_336 = arith.index_cast %add3A_301 : i32 to index
        %get3A_337 = arith.constant 48 : index
        %get3A_338 = tpu.vector_load %arg7[%get3A_336, %get3A_337] {strides = array<i32>} : memref<128x64xf32, #tpu.memory_space<vmem>>, vector<1x16xf32>,
        %get3A_339 = vector.shape_cast %get3A_338 : vector<1x16xf32> to vector<16xf32>
        %mul3A_340 = arith.constant 8.000000e+00 : f32
        %mul3A_341 = vector.broadcast %mul3A_340 : f32 to vector<16xf32>
        %mul3A_342 = arith.mulf %get3A_339, %mul3A_341 : vector<16xf32>
        %swap3A_343 = arith.index_cast %add3A_301 : i32 to index
        %swap3A_344 = arith.constant 48 : index
        %swap3A_345 = tpu.vector_load %arg7[%swap3A_343, %swap3A_344] {strides = array<i32>} : memref<128x64xf32, #tpu.memory_space<vmem>>, vector<1x16xf32>,
        %swap3A_346 = vector.shape_cast %swap3A_345 : vector<1x16xf32> to vector<16xf32>
        %swap3A_347 = vector.shape_cast %mul3A_342 : vector<16xf32> to vector<1x16xf32>
        tpu.vector_store %arg7[%swap3A_343, %swap3A_344], %swap3A_347 {strides = array<i32>} : memref<128x64xf32, #tpu.memory_space<vmem>>, vector<1x16xf32>,
        %mul3A_348 = arith.constant 4 : i32
        %mul3A_349 = arith.muli %scan3A_297, %mul3A_348 : i32
        %add3A_350 = arith.constant 1 : i32
        %add3A_351 = arith.addi %mul3A_349, %add3A_350 : i32
        %get3A_352 = arith.index_cast %add3A_351 : i32 to index
        %get3A_353 = arith.constant 0 : index
        %get3A_354 = tpu.vector_load %arg7[%get3A_352, %get3A_353] {strides = array<i32>} : memref<128x64xf32, #tpu.memory_space<vmem>>, vector<1x16xf32>,
        %get3A_355 = vector.shape_cast %get3A_354 : vector<1x16xf32> to vector<16xf32>
        %mul3A_356 = arith.constant 8.000000e+00 : f32
        %mul3A_357 = vector.broadcast %mul3A_356 : f32 to vector<16xf32>
        %mul3A_358 = arith.mulf %get3A_355, %mul3A_357 : vector<16xf32>
        %swap3A_359 = arith.index_cast %add3A_351 : i32 to index
        %swap3A_360 = arith.constant 0 : index
        %swap3A_361 = tpu.vector_load %arg7[%swap3A_359, %swap3A_360] {strides = array<i32>} : memref<128x64xf32, #tpu.memory_space<vmem>>, vector<1x16xf32>,
        %swap3A_362 = vector.shape_cast %swap3A_361 : vector<1x16xf32> to vector<16xf32>
        %swap3A_363 = vector.shape_cast %mul3A_358 : vector<16xf32> to vector<1x16xf32>
        tpu.vector_store %arg7[%swap3A_359, %swap3A_360], %swap3A_363 {strides = array<i32>} : memref<128x64xf32, #tpu.memory_space<vmem>>, vector<1x16xf32>,
        %get3A_364 = arith.index_cast %add3A_351 : i32 to index
        %get3A_365 = arith.constant 16 : index
        %get3A_366 = tpu.vector_load %arg7[%get3A_364, %get3A_365] {strides = array<i32>} : memref<128x64xf32, #tpu.memory_space<vmem>>, vector<1x16xf32>,
        %get3A_367 = vector.shape_cast %get3A_366 : vector<1x16xf32> to vector<16xf32>
        %mul3A_368 = arith.constant 8.000000e+00 : f32
        %mul3A_369 = vector.broadcast %mul3A_368 : f32 to vector<16xf32>
        %mul3A_370 = arith.mulf %get3A_367, %mul3A_369 : vector<16xf32>
        %swap3A_371 = arith.index_cast %add3A_351 : i32 to index
        %swap3A_372 = arith.constant 16 : index
        %swap3A_373 = tpu.vector_load %arg7[%swap3A_371, %swap3A_372] {strides = array<i32>} : memref<128x64xf32, #tpu.memory_space<vmem>>, vector<1x16xf32>,
        %swap3A_374 = vector.shape_cast %swap3A_373 : vector<1x16xf32> to vector<16xf32>
        %swap3A_375 = vector.shape_cast %mul3A_370 : vector<16xf32> to vector<1x16xf32>
        tpu.vector_store %arg7[%swap3A_371, %swap3A_372], %swap3A_375 {strides = array<i32>} : memref<128x64xf32, #tpu.memory_space<vmem>>, vector<1x16xf32>,
        %get3A_376 = arith.index_cast %add3A_351 : i32 to index
        %get3A_377 = arith.constant 32 : index
        %get3A_378 = tpu.vector_load %arg7[%get3A_376, %get3A_377] {strides = array<i32>} : memref<128x64xf32, #tpu.memory_space<vmem>>, vector<1x16xf32>,
        %get3A_379 = vector.shape_cast %get3A_378 : vector<1x16xf32> to vector<16xf32>
        %mul3A_380 = arith.constant 8.000000e+00 : f32
        %mul3A_381 = vector.broadcast %mul3A_380 : f32 to vector<16xf32>
        %mul3A_382 = arith.mulf %get3A_379, %mul3A_381 : vector<16xf32>
        %swap3A_383 = arith.index_cast %add3A_351 : i32 to index
        %swap3A_384 = arith.constant 32 : index
        %swap3A_385 = tpu.vector_load %arg7[%swap3A_383, %swap3A_384] {strides = array<i32>} : memref<128x64xf32, #tpu.memory_space<vmem>>, vector<1x16xf32>,
        %swap3A_386 = vector.shape_cast %swap3A_385 : vector<1x16xf32> to vector<16xf32>
        %swap3A_387 = vector.shape_cast %mul3A_382 : vector<16xf32> to vector<1x16xf32>
        tpu.vector_store %arg7[%swap3A_383, %swap3A_384], %swap3A_387 {strides = array<i32>} : memref<128x64xf32, #tpu.memory_space<vmem>>, vector<1x16xf32>,
        %get3A_388 = arith.index_cast %add3A_351 : i32 to index
        %get3A_389 = arith.constant 48 : index
        %get3A_390 = tpu.vector_load %arg7[%get3A_388, %get3A_389] {strides = array<i32>} : memref<128x64xf32, #tpu.memory_space<vmem>>, vector<1x16xf32>,
        %get3A_391 = vector.shape_cast %get3A_390 : vector<1x16xf32> to vector<16xf32>
        %mul3A_392 = arith.constant 8.000000e+00 : f32
        %mul3A_393 = vector.broadcast %mul3A_392 : f32 to vector<16xf32>
        %mul3A_394 = arith.mulf %get3A_391, %mul3A_393 : vector<16xf32>
        %swap3A_395 = arith.index_cast %add3A_351 : i32 to index
        %swap3A_396 = arith.constant 48 : index
        %swap3A_397 = tpu.vector_load %arg7[%swap3A_395, %swap3A_396] {strides = array<i32>} : memref<128x64xf32, #tpu.memory_space<vmem>>, vector<1x16xf32>,
        %swap3A_398 = vector.shape_cast %swap3A_397 : vector<1x16xf32> to vector<16xf32>
        %swap3A_399 = vector.shape_cast %mul3A_394 : vector<16xf32> to vector<1x16xf32>
        tpu.vector_store %arg7[%swap3A_395, %swap3A_396], %swap3A_399 {strides = array<i32>} : memref<128x64xf32, #tpu.memory_space<vmem>>, vector<1x16xf32>,
        %mul3A_400 = arith.constant 4 : i32
        %mul3A_401 = arith.muli %scan3A_297, %mul3A_400 : i32
        %add3A_402 = arith.constant 2 : i32
        %add3A_403 = arith.addi %mul3A_401, %add3A_402 : i32
        %get3A_404 = arith.index_cast %add3A_403 : i32 to index
        %get3A_405 = arith.constant 0 : index
        %get3A_406 = tpu.vector_load %arg7[%get3A_404, %get3A_405] {strides = array<i32>} : memref<128x64xf32, #tpu.memory_space<vmem>>, vector<1x16xf32>,
        %get3A_407 = vector.shape_cast %get3A_406 : vector<1x16xf32> to vector<16xf32>
        %mul3A_408 = arith.constant 8.000000e+00 : f32
        %mul3A_409 = vector.broadcast %mul3A_408 : f32 to vector<16xf32>
        %mul3A_410 = arith.mulf %get3A_407, %mul3A_409 : vector<16xf32>
        %swap3A_411 = arith.index_cast %add3A_403 : i32 to index
        %swap3A_412 = arith.constant 0 : index
        %swap3A_413 = tpu.vector_load %arg7[%swap3A_411, %swap3A_412] {strides = array<i32>} : memref<128x64xf32, #tpu.memory_space<vmem>>, vector<1x16xf32>,
        %swap3A_414 = vector.shape_cast %swap3A_413 : vector<1x16xf32> to vector<16xf32>
        %swap3A_415 = vector.shape_cast %mul3A_410 : vector<16xf32> to vector<1x16xf32>
        tpu.vector_store %arg7[%swap3A_411, %swap3A_412], %swap3A_415 {strides = array<i32>} : memref<128x64xf32, #tpu.memory_space<vmem>>, vector<1x16xf32>,
        %get3A_416 = arith.index_cast %add3A_403 : i32 to index
        %get3A_417 = arith.constant 16 : index
        %get3A_418 = tpu.vector_load %arg7[%get3A_416, %get3A_417] {strides = array<i32>} : memref<128x64xf32, #tpu.memory_space<vmem>>, vector<1x16xf32>,
        %get3A_419 = vector.shape_cast %get3A_418 : vector<1x16xf32> to vector<16xf32>
        %mul3A_420 = arith.constant 8.000000e+00 : f32
        %mul3A_421 = vector.broadcast %mul3A_420 : f32 to vector<16xf32>
        %mul3A_422 = arith.mulf %get3A_419, %mul3A_421 : vector<16xf32>
        %swap3A_423 = arith.index_cast %add3A_403 : i32 to index
        %swap3A_424 = arith.constant 16 : index
        %swap3A_425 = tpu.vector_load %arg7[%swap3A_423, %swap3A_424] {strides = array<i32>} : memref<128x64xf32, #tpu.memory_space<vmem>>, vector<1x16xf32>,
        %swap3A_426 = vector.shape_cast %swap3A_425 : vector<1x16xf32> to vector<16xf32>
        %swap3A_427 = vector.shape_cast %mul3A_422 : vector<16xf32> to vector<1x16xf32>
        tpu.vector_store %arg7[%swap3A_423, %swap3A_424], %swap3A_427 {strides = array<i32>} : memref<128x64xf32, #tpu.memory_space<vmem>>, vector<1x16xf32>,
        %get3A_428 = arith.index_cast %add3A_403 : i32 to index
        %get3A_429 = arith.constant 32 : index
        %get3A_430 = tpu.vector_load %arg7[%get3A_428, %get3A_429] {strides = array<i32>} : memref<128x64xf32, #tpu.memory_space<vmem>>, vector<1x16xf32>,
        %get3A_431 = vector.shape_cast %get3A_430 : vector<1x16xf32> to vector<16xf32>
        %mul3A_432 = arith.constant 8.000000e+00 : f32
        %mul3A_433 = vector.broadcast %mul3A_432 : f32 to vector<16xf32>
        %mul3A_434 = arith.mulf %get3A_431, %mul3A_433 : vector<16xf32>
        %swap3A_435 = arith.index_cast %add3A_403 : i32 to index
        %swap3A_436 = arith.constant 32 : index
        %swap3A_437 = tpu.vector_load %arg7[%swap3A_435, %swap3A_436] {strides = array<i32>} : memref<128x64xf32, #tpu.memory_space<vmem>>, vector<1x16xf32>,
        %swap3A_438 = vector.shape_cast %swap3A_437 : vector<1x16xf32> to vector<16xf32>
        %swap3A_439 = vector.shape_cast %mul3A_434 : vector<16xf32> to vector<1x16xf32>
        tpu.vector_store %arg7[%swap3A_435, %swap3A_436], %swap3A_439 {strides = array<i32>} : memref<128x64xf32, #tpu.memory_space<vmem>>, vector<1x16xf32>,
        %get3A_440 = arith.index_cast %add3A_403 : i32 to index
        %get3A_441 = arith.constant 48 : index
        %get3A_442 = tpu.vector_load %arg7[%get3A_440, %get3A_441] {strides = array<i32>} : memref<128x64xf32, #tpu.memory_space<vmem>>, vector<1x16xf32>,
        %get3A_443 = vector.shape_cast %get3A_442 : vector<1x16xf32> to vector<16xf32>
        %mul3A_444 = arith.constant 8.000000e+00 : f32
        %mul3A_445 = vector.broadcast %mul3A_444 : f32 to vector<16xf32>
        %mul3A_446 = arith.mulf %get3A_443, %mul3A_445 : vector<16xf32>
        %swap3A_447 = arith.index_cast %add3A_403 : i32 to index
        %swap3A_448 = arith.constant 48 : index
        %swap3A_449 = tpu.vector_load %arg7[%swap3A_447, %swap3A_448] {strides = array<i32>} : memref<128x64xf32, #tpu.memory_space<vmem>>, vector<1x16xf32>,
        %swap3A_450 = vector.shape_cast %swap3A_449 : vector<1x16xf32> to vector<16xf32>
        %swap3A_451 = vector.shape_cast %mul3A_446 : vector<16xf32> to vector<1x16xf32>
        tpu.vector_store %arg7[%swap3A_447, %swap3A_448], %swap3A_451 {strides = array<i32>} : memref<128x64xf32, #tpu.memory_space<vmem>>, vector<1x16xf32>,
        %mul3A_452 = arith.constant 4 : i32
        %mul3A_453 = arith.muli %scan3A_297, %mul3A_452 : i32
        %add3A_454 = arith.constant 3 : i32
        %add3A_455 = arith.addi %mul3A_453, %add3A_454 : i32
        %get3A_456 = arith.index_cast %add3A_455 : i32 to index
        %get3A_457 = arith.constant 0 : index
        %get3A_458 = tpu.vector_load %arg7[%get3A_456, %get3A_457] {strides = array<i32>} : memref<128x64xf32, #tpu.memory_space<vmem>>, vector<1x16xf32>,
        %get3A_459 = vector.shape_cast %get3A_458 : vector<1x16xf32> to vector<16xf32>
        %mul3A_460 = arith.constant 8.000000e+00 : f32
        %mul3A_461 = vector.broadcast %mul3A_460 : f32 to vector<16xf32>
        %mul3A_462 = arith.mulf %get3A_459, %mul3A_461 : vector<16xf32>
        %swap3A_463 = arith.index_cast %add3A_455 : i32 to index
        %swap3A_464 = arith.constant 0 : index
        %swap3A_465 = tpu.vector_load %arg7[%swap3A_463, %swap3A_464] {strides = array<i32>} : memref<128x64xf32, #tpu.memory_space<vmem>>, vector<1x16xf32>,
        %swap3A_466 = vector.shape_cast %swap3A_465 : vector<1x16xf32> to vector<16xf32>
        %swap3A_467 = vector.shape_cast %mul3A_462 : vector<16xf32> to vector<1x16xf32>
        tpu.vector_store %arg7[%swap3A_463, %swap3A_464], %swap3A_467 {strides = array<i32>} : memref<128x64xf32, #tpu.memory_space<vmem>>, vector<1x16xf32>,
        %get3A_468 = arith.index_cast %add3A_455 : i32 to index
        %get3A_469 = arith.constant 16 : index
        %get3A_470 = tpu.vector_load %arg7[%get3A_468, %get3A_469] {strides = array<i32>} : memref<128x64xf32, #tpu.memory_space<vmem>>, vector<1x16xf32>,
        %get3A_471 = vector.shape_cast %get3A_470 : vector<1x16xf32> to vector<16xf32>
        %mul3A_472 = arith.constant 8.000000e+00 : f32
        %mul3A_473 = vector.broadcast %mul3A_472 : f32 to vector<16xf32>
        %mul3A_474 = arith.mulf %get3A_471, %mul3A_473 : vector<16xf32>
        %swap3A_475 = arith.index_cast %add3A_455 : i32 to index
        %swap3A_476 = arith.constant 16 : index
        %swap3A_477 = tpu.vector_load %arg7[%swap3A_475, %swap3A_476] {strides = array<i32>} : memref<128x64xf32, #tpu.memory_space<vmem>>, vector<1x16xf32>,
        %swap3A_478 = vector.shape_cast %swap3A_477 : vector<1x16xf32> to vector<16xf32>
        %swap3A_479 = vector.shape_cast %mul3A_474 : vector<16xf32> to vector<1x16xf32>
        tpu.vector_store %arg7[%swap3A_475, %swap3A_476], %swap3A_479 {strides = array<i32>} : memref<128x64xf32, #tpu.memory_space<vmem>>, vector<1x16xf32>,
        %get3A_480 = arith.index_cast %add3A_455 : i32 to index
        %get3A_481 = arith.constant 32 : index
        %get3A_482 = tpu.vector_load %arg7[%get3A_480, %get3A_481] {strides = array<i32>} : memref<128x64xf32, #tpu.memory_space<vmem>>, vector<1x16xf32>,
        %get3A_483 = vector.shape_cast %get3A_482 : vector<1x16xf32> to vector<16xf32>
        %mul3A_484 = arith.constant 8.000000e+00 : f32
        %mul3A_485 = vector.broadcast %mul3A_484 : f32 to vector<16xf32>
        %mul3A_486 = arith.mulf %get3A_483, %mul3A_485 : vector<16xf32>
        %swap3A_487 = arith.index_cast %add3A_455 : i32 to index
        %swap3A_488 = arith.constant 32 : index
        %swap3A_489 = tpu.vector_load %arg7[%swap3A_487, %swap3A_488] {strides = array<i32>} : memref<128x64xf32, #tpu.memory_space<vmem>>, vector<1x16xf32>,
        %swap3A_490 = vector.shape_cast %swap3A_489 : vector<1x16xf32> to vector<16xf32>
        %swap3A_491 = vector.shape_cast %mul3A_486 : vector<16xf32> to vector<1x16xf32>
        tpu.vector_store %arg7[%swap3A_487, %swap3A_488], %swap3A_491 {strides = array<i32>} : memref<128x64xf32, #tpu.memory_space<vmem>>, vector<1x16xf32>,
        %get3A_492 = arith.index_cast %add3A_455 : i32 to index
        %get3A_493 = arith.constant 48 : index
        %get3A_494 = tpu.vector_load %arg7[%get3A_492, %get3A_493] {strides = array<i32>} : memref<128x64xf32, #tpu.memory_space<vmem>>, vector<1x16xf32>,
        %get3A_495 = vector.shape_cast %get3A_494 : vector<1x16xf32> to vector<16xf32>
        %mul3A_496 = arith.constant 8.000000e+00 : f32
        %mul3A_497 = vector.broadcast %mul3A_496 : f32 to vector<16xf32>
        %mul3A_498 = arith.mulf %get3A_495, %mul3A_497 : vector<16xf32>
        %swap3A_499 = arith.index_cast %add3A_455 : i32 to index
        %swap3A_500 = arith.constant 48 : index
        %swap3A_501 = tpu.vector_load %arg7[%swap3A_499, %swap3A_500] {strides = array<i32>} : memref<128x64xf32, #tpu.memory_space<vmem>>, vector<1x16xf32>,
        %swap3A_502 = vector.shape_cast %swap3A_501 : vector<1x16xf32> to vector<16xf32>
        %swap3A_503 = vector.shape_cast %mul3A_498 : vector<16xf32> to vector<1x16xf32>
        tpu.vector_store %arg7[%swap3A_499, %swap3A_500], %swap3A_503 {strides = array<i32>} : memref<128x64xf32, #tpu.memory_space<vmem>>, vector<1x16xf32>,
      }
      %scan3A_102 = arith.constant 32 : i32
      %mul3A_103 = arith.constant 128 : i32
      %mul3A_104 = arith.muli %add3A_90, %mul3A_103 : i32
      %add3A_105 = arith.addi %mul3A_2, %mul3A_104 : i32
      %dma_start3A_106 = arith.constant 0 : i32
      %dma_start3A_107 = tpu.memref_slice %arg4[%add3A_105, %dma_start3A_106] : memref<819200x64xf32, #tpu.memory_space<hbm>> -> memref<128x64xf32, #tpu.memory_space<hbm>>
      %dma_start3A_108 = arith.constant 0 : i32
      %dma_start3A_109 = tpu.memref_slice %arg4[%add3A_105, %dma_start3A_108] : memref<819200x64xf32, #tpu.memory_space<hbm>> -> memref<128x64xf32, #tpu.memory_space<hbm>>
      tpu.enqueue_dma source(%arg7 : memref<128x64xf32, #tpu.memory_space<vmem>>) target(%dma_start3A_109 : memref<128x64xf32, #tpu.memory_space<hbm>>) target_semaphore(%arg23 : memref<!tpu.dma_semaphore, #tpu.memory_space<semaphore_mem>>)
      %add3A_110 = arith.constant 3 : i32
      %add3A_111 = arith.addi %add3A_90, %add3A_110 : i32
      %lt3A_112 = arith.constant 200 : i32
      %lt3A_113 = arith.cmpi slt, %add3A_111, %lt3A_112 : i32
      %convert_element_type3A_114 = arith.extui %lt3A_113 : i1 to i32
      %cond3A_115 = arith.constant 0 : i32
      %cond3A_116 = arith.cmpi ne, %convert_element_type3A_114, %cond3A_115 : i32
      scf.if %cond3A_116 {
        %ge3A = arith.constant 8 : i32
        %ge3A_297 = arith.cmpi sge, %add3A_111, %ge3A : i32
        %convert_element_type3A_298 = arith.extui %ge3A_297 : i1 to i32
        %cond3A_299 = arith.constant 0 : i32
        %cond3A_300 = arith.cmpi ne, %convert_element_type3A_298, %cond3A_299 : i32
        scf.if %cond3A_300 {
          %dma_wait3A_307 = arith.constant 0 : i32
          %dma_wait3A_308 = tpu.memref_slice %arg4[%mul3A_2, %dma_wait3A_307] : memref<819200x64xf32, #tpu.memory_space<hbm>> -> memref<128x64xf32, #tpu.memory_space<hbm>>
          %dma_wait3A_309 = arith.constant 0 : i32
          %dma_wait3A_310 = tpu.memref_slice %arg4[%mul3A_2, %dma_wait3A_309] : memref<819200x64xf32, #tpu.memory_space<hbm>> -> memref<128x64xf32, #tpu.memory_space<hbm>>
          tpu.wait_dma2 semaphore(%arg26 : memref<!tpu.dma_semaphore, #tpu.memory_space<semaphore_mem>>) src(%arg10 : memref<128x64xf32, #tpu.memory_space<vmem>>) dst(%dma_wait3A_310 : memref<128x64xf32, #tpu.memory_space<hbm>>)
        } else {
        }
        %dma_start3A_301 = arith.constant 0 : i32
        %dma_start3A_302 = tpu.memref_slice %arg5[%add3A_111, %dma_start3A_301] : memref<200x128xi32, #tpu.memory_space<vmem>> -> memref<1x128xi32, #tpu.memory_space<vmem>>
        %dma_start3A_303 = tpu.memref_squeeze %dma_start3A_302 : memref<1x128xi32, #tpu.memory_space<vmem>> -> memref<128xi32, #tpu.memory_space<vmem>>
        %dma_start3A_304 = arith.constant 0 : i32
        %dma_start3A_305 = arith.constant 0 : i32
        %dma_start3A_306 = tpu.memref_slice %arg3[%dma_start3A_304, %dma_start3A_305] : memref<1000000x64xf32, #tpu.memory_space<hbm>> -> memref<1000000x64xf32, #tpu.memory_space<hbm>>
        tpu.enqueue_indirect_dma source(%dma_start3A_306 : memref<1000000x64xf32, #tpu.memory_space<hbm>>) target(%arg10 : memref<128x64xf32, #tpu.memory_space<vmem>>) offsets(%dma_start3A_303 : memref<128xi32, #tpu.memory_space<vmem>>) semaphore(%arg18 : memref<!tpu.dma_semaphore, #tpu.memory_space<semaphore_mem>>)
      } else {
      }
      %mul3A_117 = arith.constant 8 : i32
      %mul3A_118 = arith.muli %scan3A_59, %mul3A_117 : i32
      %add3A_119 = arith.constant 2 : i32
      %add3A_120 = arith.addi %mul3A_118, %add3A_119 : i32
      %dma_wait3A_121 = arith.constant 0 : i32
      %dma_wait3A_122 = tpu.memref_slice %arg5[%add3A_120, %dma_wait3A_121] : memref<200x128xi32, #tpu.memory_space<vmem>> -> memref<1x128xi32, #tpu.memory_space<vmem>>
      %dma_wait3A_123 = tpu.memref_squeeze %dma_wait3A_122 : memref<1x128xi32, #tpu.memory_space<vmem>> -> memref<128xi32, #tpu.memory_space<vmem>>
      %dma_wait3A_124 = arith.constant 0 : i32
      %dma_wait3A_125 = arith.constant 0 : i32
      %dma_wait3A_126 = tpu.memref_slice %arg3[%dma_wait3A_124, %dma_wait3A_125] : memref<1000000x64xf32, #tpu.memory_space<hbm>> -> memref<1000000x64xf32, #tpu.memory_space<hbm>>
      tpu.wait_indirect_dma semaphore(%arg16 : memref<!tpu.dma_semaphore, #tpu.memory_space<semaphore_mem>>) src(%dma_wait3A_126 : memref<1000000x64xf32, #tpu.memory_space<hbm>>) dst(%arg8 : memref<128x64xf32, #tpu.memory_space<vmem>>)
      %scan3A_127 = arith.constant 0 : i32
      %scan3A_128 = arith.constant 0 : i32
      %scan3A_129 = arith.constant 32 : i32
      %scan3A_130 = arith.addi %scan3A_128, %scan3A_129 : i32
      %scan3A_131 = arith.constant 1 : i32
      scf.for %scan3A_297 = %scan3A_128 to %scan3A_130 step %scan3A_131  : i32 {
        %mul3A_298 = arith.constant 4 : i32
        %mul3A_299 = arith.muli %scan3A_297, %mul3A_298 : i32
        %add3A_300 = arith.constant 0 : i32
        %add3A_301 = arith.addi %mul3A_299, %add3A_300 : i32
        %get3A = arith.index_cast %add3A_301 : i32 to index
        %get3A_302 = arith.constant 0 : index
        %get3A_303 = tpu.vector_load %arg8[%get3A, %get3A_302] {strides = array<i32>} : memref<128x64xf32, #tpu.memory_space<vmem>>, vector<1x16xf32>,
        %get3A_304 = vector.shape_cast %get3A_303 : vector<1x16xf32> to vector<16xf32>
        %mul3A_305 = arith.constant 8.000000e+00 : f32
        %mul3A_306 = vector.broadcast %mul3A_305 : f32 to vector<16xf32>
        %mul3A_307 = arith.mulf %get3A_304, %mul3A_306 : vector<16xf32>
        %swap3A = arith.index_cast %add3A_301 : i32 to index
        %swap3A_308 = arith.constant 0 : index
        %swap3A_309 = tpu.vector_load %arg8[%swap3A, %swap3A_308] {strides = array<i32>} : memref<128x64xf32, #tpu.memory_space<vmem>>, vector<1x16xf32>,
        %swap3A_310 = vector.shape_cast %swap3A_309 : vector<1x16xf32> to vector<16xf32>
        %swap3A_311 = vector.shape_cast %mul3A_307 : vector<16xf32> to vector<1x16xf32>
        tpu.vector_store %arg8[%swap3A, %swap3A_308], %swap3A_311 {strides = array<i32>} : memref<128x64xf32, #tpu.memory_space<vmem>>, vector<1x16xf32>,
        %get3A_312 = arith.index_cast %add3A_301 : i32 to index
        %get3A_313 = arith.constant 16 : index
        %get3A_314 = tpu.vector_load %arg8[%get3A_312, %get3A_313] {strides = array<i32>} : memref<128x64xf32, #tpu.memory_space<vmem>>, vector<1x16xf32>,
        %get3A_315 = vector.shape_cast %get3A_314 : vector<1x16xf32> to vector<16xf32>
        %mul3A_316 = arith.constant 8.000000e+00 : f32
        %mul3A_317 = vector.broadcast %mul3A_316 : f32 to vector<16xf32>
        %mul3A_318 = arith.mulf %get3A_315, %mul3A_317 : vector<16xf32>
        %swap3A_319 = arith.index_cast %add3A_301 : i32 to index
        %swap3A_320 = arith.constant 16 : index
        %swap3A_321 = tpu.vector_load %arg8[%swap3A_319, %swap3A_320] {strides = array<i32>} : memref<128x64xf32, #tpu.memory_space<vmem>>, vector<1x16xf32>,
        %swap3A_322 = vector.shape_cast %swap3A_321 : vector<1x16xf32> to vector<16xf32>
        %swap3A_323 = vector.shape_cast %mul3A_318 : vector<16xf32> to vector<1x16xf32>
        tpu.vector_store %arg8[%swap3A_319, %swap3A_320], %swap3A_323 {strides = array<i32>} : memref<128x64xf32, #tpu.memory_space<vmem>>, vector<1x16xf32>,
        %get3A_324 = arith.index_cast %add3A_301 : i32 to index
        %get3A_325 = arith.constant 32 : index
        %get3A_326 = tpu.vector_load %arg8[%get3A_324, %get3A_325] {strides = array<i32>} : memref<128x64xf32, #tpu.memory_space<vmem>>, vector<1x16xf32>,
        %get3A_327 = vector.shape_cast %get3A_326 : vector<1x16xf32> to vector<16xf32>
        %mul3A_328 = arith.constant 8.000000e+00 : f32
        %mul3A_329 = vector.broadcast %mul3A_328 : f32 to vector<16xf32>
        %mul3A_330 = arith.mulf %get3A_327, %mul3A_329 : vector<16xf32>
        %swap3A_331 = arith.index_cast %add3A_301 : i32 to index
        %swap3A_332 = arith.constant 32 : index
        %swap3A_333 = tpu.vector_load %arg8[%swap3A_331, %swap3A_332] {strides = array<i32>} : memref<128x64xf32, #tpu.memory_space<vmem>>, vector<1x16xf32>,
        %swap3A_334 = vector.shape_cast %swap3A_333 : vector<1x16xf32> to vector<16xf32>
        %swap3A_335 = vector.shape_cast %mul3A_330 : vector<16xf32> to vector<1x16xf32>
        tpu.vector_store %arg8[%swap3A_331, %swap3A_332], %swap3A_335 {strides = array<i32>} : memref<128x64xf32, #tpu.memory_space<vmem>>, vector<1x16xf32>,
        %get3A_336 = arith.index_cast %add3A_301 : i32 to index
        %get3A_337 = arith.constant 48 : index
        %get3A_338 = tpu.vector_load %arg8[%get3A_336, %get3A_337] {strides = array<i32>} : memref<128x64xf32, #tpu.memory_space<vmem>>, vector<1x16xf32>,
        %get3A_339 = vector.shape_cast %get3A_338 : vector<1x16xf32> to vector<16xf32>
        %mul3A_340 = arith.constant 8.000000e+00 : f32
        %mul3A_341 = vector.broadcast %mul3A_340 : f32 to vector<16xf32>
        %mul3A_342 = arith.mulf %get3A_339, %mul3A_341 : vector<16xf32>
        %swap3A_343 = arith.index_cast %add3A_301 : i32 to index
        %swap3A_344 = arith.constant 48 : index
        %swap3A_345 = tpu.vector_load %arg8[%swap3A_343, %swap3A_344] {strides = array<i32>} : memref<128x64xf32, #tpu.memory_space<vmem>>, vector<1x16xf32>,
        %swap3A_346 = vector.shape_cast %swap3A_345 : vector<1x16xf32> to vector<16xf32>
        %swap3A_347 = vector.shape_cast %mul3A_342 : vector<16xf32> to vector<1x16xf32>
        tpu.vector_store %arg8[%swap3A_343, %swap3A_344], %swap3A_347 {strides = array<i32>} : memref<128x64xf32, #tpu.memory_space<vmem>>, vector<1x16xf32>,
        %mul3A_348 = arith.constant 4 : i32
        %mul3A_349 = arith.muli %scan3A_297, %mul3A_348 : i32
        %add3A_350 = arith.constant 1 : i32
        %add3A_351 = arith.addi %mul3A_349, %add3A_350 : i32
        %get3A_352 = arith.index_cast %add3A_351 : i32 to index
        %get3A_353 = arith.constant 0 : index
        %get3A_354 = tpu.vector_load %arg8[%get3A_352, %get3A_353] {strides = array<i32>} : memref<128x64xf32, #tpu.memory_space<vmem>>, vector<1x16xf32>,
        %get3A_355 = vector.shape_cast %get3A_354 : vector<1x16xf32> to vector<16xf32>
        %mul3A_356 = arith.constant 8.000000e+00 : f32
        %mul3A_357 = vector.broadcast %mul3A_356 : f32 to vector<16xf32>
        %mul3A_358 = arith.mulf %get3A_355, %mul3A_357 : vector<16xf32>
        %swap3A_359 = arith.index_cast %add3A_351 : i32 to index
        %swap3A_360 = arith.constant 0 : index
        %swap3A_361 = tpu.vector_load %arg8[%swap3A_359, %swap3A_360] {strides = array<i32>} : memref<128x64xf32, #tpu.memory_space<vmem>>, vector<1x16xf32>,
        %swap3A_362 = vector.shape_cast %swap3A_361 : vector<1x16xf32> to vector<16xf32>
        %swap3A_363 = vector.shape_cast %mul3A_358 : vector<16xf32> to vector<1x16xf32>
        tpu.vector_store %arg8[%swap3A_359, %swap3A_360], %swap3A_363 {strides = array<i32>} : memref<128x64xf32, #tpu.memory_space<vmem>>, vector<1x16xf32>,
        %get3A_364 = arith.index_cast %add3A_351 : i32 to index
        %get3A_365 = arith.constant 16 : index
        %get3A_366 = tpu.vector_load %arg8[%get3A_364, %get3A_365] {strides = array<i32>} : memref<128x64xf32, #tpu.memory_space<vmem>>, vector<1x16xf32>,
        %get3A_367 = vector.shape_cast %get3A_366 : vector<1x16xf32> to vector<16xf32>
        %mul3A_368 = arith.constant 8.000000e+00 : f32
        %mul3A_369 = vector.broadcast %mul3A_368 : f32 to vector<16xf32>
        %mul3A_370 = arith.mulf %get3A_367, %mul3A_369 : vector<16xf32>
        %swap3A_371 = arith.index_cast %add3A_351 : i32 to index
        %swap3A_372 = arith.constant 16 : index
        %swap3A_373 = tpu.vector_load %arg8[%swap3A_371, %swap3A_372] {strides = array<i32>} : memref<128x64xf32, #tpu.memory_space<vmem>>, vector<1x16xf32>,
        %swap3A_374 = vector.shape_cast %swap3A_373 : vector<1x16xf32> to vector<16xf32>
        %swap3A_375 = vector.shape_cast %mul3A_370 : vector<16xf32> to vector<1x16xf32>
        tpu.vector_store %arg8[%swap3A_371, %swap3A_372], %swap3A_375 {strides = array<i32>} : memref<128x64xf32, #tpu.memory_space<vmem>>, vector<1x16xf32>,
        %get3A_376 = arith.index_cast %add3A_351 : i32 to index
        %get3A_377 = arith.constant 32 : index
        %get3A_378 = tpu.vector_load %arg8[%get3A_376, %get3A_377] {strides = array<i32>} : memref<128x64xf32, #tpu.memory_space<vmem>>, vector<1x16xf32>,
        %get3A_379 = vector.shape_cast %get3A_378 : vector<1x16xf32> to vector<16xf32>
        %mul3A_380 = arith.constant 8.000000e+00 : f32
        %mul3A_381 = vector.broadcast %mul3A_380 : f32 to vector<16xf32>
        %mul3A_382 = arith.mulf %get3A_379, %mul3A_381 : vector<16xf32>
        %swap3A_383 = arith.index_cast %add3A_351 : i32 to index
        %swap3A_384 = arith.constant 32 : index
        %swap3A_385 = tpu.vector_load %arg8[%swap3A_383, %swap3A_384] {strides = array<i32>} : memref<128x64xf32, #tpu.memory_space<vmem>>, vector<1x16xf32>,
        %swap3A_386 = vector.shape_cast %swap3A_385 : vector<1x16xf32> to vector<16xf32>
        %swap3A_387 = vector.shape_cast %mul3A_382 : vector<16xf32> to vector<1x16xf32>
        tpu.vector_store %arg8[%swap3A_383, %swap3A_384], %swap3A_387 {strides = array<i32>} : memref<128x64xf32, #tpu.memory_space<vmem>>, vector<1x16xf32>,
        %get3A_388 = arith.index_cast %add3A_351 : i32 to index
        %get3A_389 = arith.constant 48 : index
        %get3A_390 = tpu.vector_load %arg8[%get3A_388, %get3A_389] {strides = array<i32>} : memref<128x64xf32, #tpu.memory_space<vmem>>, vector<1x16xf32>,
        %get3A_391 = vector.shape_cast %get3A_390 : vector<1x16xf32> to vector<16xf32>
        %mul3A_392 = arith.constant 8.000000e+00 : f32
        %mul3A_393 = vector.broadcast %mul3A_392 : f32 to vector<16xf32>
        %mul3A_394 = arith.mulf %get3A_391, %mul3A_393 : vector<16xf32>
        %swap3A_395 = arith.index_cast %add3A_351 : i32 to index
        %swap3A_396 = arith.constant 48 : index
        %swap3A_397 = tpu.vector_load %arg8[%swap3A_395, %swap3A_396] {strides = array<i32>} : memref<128x64xf32, #tpu.memory_space<vmem>>, vector<1x16xf32>,
        %swap3A_398 = vector.shape_cast %swap3A_397 : vector<1x16xf32> to vector<16xf32>
        %swap3A_399 = vector.shape_cast %mul3A_394 : vector<16xf32> to vector<1x16xf32>
        tpu.vector_store %arg8[%swap3A_395, %swap3A_396], %swap3A_399 {strides = array<i32>} : memref<128x64xf32, #tpu.memory_space<vmem>>, vector<1x16xf32>,
        %mul3A_400 = arith.constant 4 : i32
        %mul3A_401 = arith.muli %scan3A_297, %mul3A_400 : i32
        %add3A_402 = arith.constant 2 : i32
        %add3A_403 = arith.addi %mul3A_401, %add3A_402 : i32
        %get3A_404 = arith.index_cast %add3A_403 : i32 to index
        %get3A_405 = arith.constant 0 : index
        %get3A_406 = tpu.vector_load %arg8[%get3A_404, %get3A_405] {strides = array<i32>} : memref<128x64xf32, #tpu.memory_space<vmem>>, vector<1x16xf32>,
        %get3A_407 = vector.shape_cast %get3A_406 : vector<1x16xf32> to vector<16xf32>
        %mul3A_408 = arith.constant 8.000000e+00 : f32
        %mul3A_409 = vector.broadcast %mul3A_408 : f32 to vector<16xf32>
        %mul3A_410 = arith.mulf %get3A_407, %mul3A_409 : vector<16xf32>
        %swap3A_411 = arith.index_cast %add3A_403 : i32 to index
        %swap3A_412 = arith.constant 0 : index
        %swap3A_413 = tpu.vector_load %arg8[%swap3A_411, %swap3A_412] {strides = array<i32>} : memref<128x64xf32, #tpu.memory_space<vmem>>, vector<1x16xf32>,
        %swap3A_414 = vector.shape_cast %swap3A_413 : vector<1x16xf32> to vector<16xf32>
        %swap3A_415 = vector.shape_cast %mul3A_410 : vector<16xf32> to vector<1x16xf32>
        tpu.vector_store %arg8[%swap3A_411, %swap3A_412], %swap3A_415 {strides = array<i32>} : memref<128x64xf32, #tpu.memory_space<vmem>>, vector<1x16xf32>,
        %get3A_416 = arith.index_cast %add3A_403 : i32 to index
        %get3A_417 = arith.constant 16 : index
        %get3A_418 = tpu.vector_load %arg8[%get3A_416, %get3A_417] {strides = array<i32>} : memref<128x64xf32, #tpu.memory_space<vmem>>, vector<1x16xf32>,
        %get3A_419 = vector.shape_cast %get3A_418 : vector<1x16xf32> to vector<16xf32>
        %mul3A_420 = arith.constant 8.000000e+00 : f32
        %mul3A_421 = vector.broadcast %mul3A_420 : f32 to vector<16xf32>
        %mul3A_422 = arith.mulf %get3A_419, %mul3A_421 : vector<16xf32>
        %swap3A_423 = arith.index_cast %add3A_403 : i32 to index
        %swap3A_424 = arith.constant 16 : index
        %swap3A_425 = tpu.vector_load %arg8[%swap3A_423, %swap3A_424] {strides = array<i32>} : memref<128x64xf32, #tpu.memory_space<vmem>>, vector<1x16xf32>,
        %swap3A_426 = vector.shape_cast %swap3A_425 : vector<1x16xf32> to vector<16xf32>
        %swap3A_427 = vector.shape_cast %mul3A_422 : vector<16xf32> to vector<1x16xf32>
        tpu.vector_store %arg8[%swap3A_423, %swap3A_424], %swap3A_427 {strides = array<i32>} : memref<128x64xf32, #tpu.memory_space<vmem>>, vector<1x16xf32>,
        %get3A_428 = arith.index_cast %add3A_403 : i32 to index
        %get3A_429 = arith.constant 32 : index
        %get3A_430 = tpu.vector_load %arg8[%get3A_428, %get3A_429] {strides = array<i32>} : memref<128x64xf32, #tpu.memory_space<vmem>>, vector<1x16xf32>,
        %get3A_431 = vector.shape_cast %get3A_430 : vector<1x16xf32> to vector<16xf32>
        %mul3A_432 = arith.constant 8.000000e+00 : f32
        %mul3A_433 = vector.broadcast %mul3A_432 : f32 to vector<16xf32>
        %mul3A_434 = arith.mulf %get3A_431, %mul3A_433 : vector<16xf32>
        %swap3A_435 = arith.index_cast %add3A_403 : i32 to index
        %swap3A_436 = arith.constant 32 : index
        %swap3A_437 = tpu.vector_load %arg8[%swap3A_435, %swap3A_436] {strides = array<i32>} : memref<128x64xf32, #tpu.memory_space<vmem>>, vector<1x16xf32>,
        %swap3A_438 = vector.shape_cast %swap3A_437 : vector<1x16xf32> to vector<16xf32>
        %swap3A_439 = vector.shape_cast %mul3A_434 : vector<16xf32> to vector<1x16xf32>
        tpu.vector_store %arg8[%swap3A_435, %swap3A_436], %swap3A_439 {strides = array<i32>} : memref<128x64xf32, #tpu.memory_space<vmem>>, vector<1x16xf32>,
        %get3A_440 = arith.index_cast %add3A_403 : i32 to index
        %get3A_441 = arith.constant 48 : index
        %get3A_442 = tpu.vector_load %arg8[%get3A_440, %get3A_441] {strides = array<i32>} : memref<128x64xf32, #tpu.memory_space<vmem>>, vector<1x16xf32>,
        %get3A_443 = vector.shape_cast %get3A_442 : vector<1x16xf32> to vector<16xf32>
        %mul3A_444 = arith.constant 8.000000e+00 : f32
        %mul3A_445 = vector.broadcast %mul3A_444 : f32 to vector<16xf32>
        %mul3A_446 = arith.mulf %get3A_443, %mul3A_445 : vector<16xf32>
        %swap3A_447 = arith.index_cast %add3A_403 : i32 to index
        %swap3A_448 = arith.constant 48 : index
        %swap3A_449 = tpu.vector_load %arg8[%swap3A_447, %swap3A_448] {strides = array<i32>} : memref<128x64xf32, #tpu.memory_space<vmem>>, vector<1x16xf32>,
        %swap3A_450 = vector.shape_cast %swap3A_449 : vector<1x16xf32> to vector<16xf32>
        %swap3A_451 = vector.shape_cast %mul3A_446 : vector<16xf32> to vector<1x16xf32>
        tpu.vector_store %arg8[%swap3A_447, %swap3A_448], %swap3A_451 {strides = array<i32>} : memref<128x64xf32, #tpu.memory_space<vmem>>, vector<1x16xf32>,
        %mul3A_452 = arith.constant 4 : i32
        %mul3A_453 = arith.muli %scan3A_297, %mul3A_452 : i32
        %add3A_454 = arith.constant 3 : i32
        %add3A_455 = arith.addi %mul3A_453, %add3A_454 : i32
        %get3A_456 = arith.index_cast %add3A_455 : i32 to index
        %get3A_457 = arith.constant 0 : index
        %get3A_458 = tpu.vector_load %arg8[%get3A_456, %get3A_457] {strides = array<i32>} : memref<128x64xf32, #tpu.memory_space<vmem>>, vector<1x16xf32>,
        %get3A_459 = vector.shape_cast %get3A_458 : vector<1x16xf32> to vector<16xf32>
        %mul3A_460 = arith.constant 8.000000e+00 : f32
        %mul3A_461 = vector.broadcast %mul3A_460 : f32 to vector<16xf32>
        %mul3A_462 = arith.mulf %get3A_459, %mul3A_461 : vector<16xf32>
        %swap3A_463 = arith.index_cast %add3A_455 : i32 to index
        %swap3A_464 = arith.constant 0 : index
        %swap3A_465 = tpu.vector_load %arg8[%swap3A_463, %swap3A_464] {strides = array<i32>} : memref<128x64xf32, #tpu.memory_space<vmem>>, vector<1x16xf32>,
        %swap3A_466 = vector.shape_cast %swap3A_465 : vector<1x16xf32> to vector<16xf32>
        %swap3A_467 = vector.shape_cast %mul3A_462 : vector<16xf32> to vector<1x16xf32>
        tpu.vector_store %arg8[%swap3A_463, %swap3A_464], %swap3A_467 {strides = array<i32>} : memref<128x64xf32, #tpu.memory_space<vmem>>, vector<1x16xf32>,
        %get3A_468 = arith.index_cast %add3A_455 : i32 to index
        %get3A_469 = arith.constant 16 : index
        %get3A_470 = tpu.vector_load %arg8[%get3A_468, %get3A_469] {strides = array<i32>} : memref<128x64xf32, #tpu.memory_space<vmem>>, vector<1x16xf32>,
        %get3A_471 = vector.shape_cast %get3A_470 : vector<1x16xf32> to vector<16xf32>
        %mul3A_472 = arith.constant 8.000000e+00 : f32
        %mul3A_473 = vector.broadcast %mul3A_472 : f32 to vector<16xf32>
        %mul3A_474 = arith.mulf %get3A_471, %mul3A_473 : vector<16xf32>
        %swap3A_475 = arith.index_cast %add3A_455 : i32 to index
        %swap3A_476 = arith.constant 16 : index
        %swap3A_477 = tpu.vector_load %arg8[%swap3A_475, %swap3A_476] {strides = array<i32>} : memref<128x64xf32, #tpu.memory_space<vmem>>, vector<1x16xf32>,
        %swap3A_478 = vector.shape_cast %swap3A_477 : vector<1x16xf32> to vector<16xf32>
        %swap3A_479 = vector.shape_cast %mul3A_474 : vector<16xf32> to vector<1x16xf32>
        tpu.vector_store %arg8[%swap3A_475, %swap3A_476], %swap3A_479 {strides = array<i32>} : memref<128x64xf32, #tpu.memory_space<vmem>>, vector<1x16xf32>,
        %get3A_480 = arith.index_cast %add3A_455 : i32 to index
        %get3A_481 = arith.constant 32 : index
        %get3A_482 = tpu.vector_load %arg8[%get3A_480, %get3A_481] {strides = array<i32>} : memref<128x64xf32, #tpu.memory_space<vmem>>, vector<1x16xf32>,
        %get3A_483 = vector.shape_cast %get3A_482 : vector<1x16xf32> to vector<16xf32>
        %mul3A_484 = arith.constant 8.000000e+00 : f32
        %mul3A_485 = vector.broadcast %mul3A_484 : f32 to vector<16xf32>
        %mul3A_486 = arith.mulf %get3A_483, %mul3A_485 : vector<16xf32>
        %swap3A_487 = arith.index_cast %add3A_455 : i32 to index
        %swap3A_488 = arith.constant 32 : index
        %swap3A_489 = tpu.vector_load %arg8[%swap3A_487, %swap3A_488] {strides = array<i32>} : memref<128x64xf32, #tpu.memory_space<vmem>>, vector<1x16xf32>,
        %swap3A_490 = vector.shape_cast %swap3A_489 : vector<1x16xf32> to vector<16xf32>
        %swap3A_491 = vector.shape_cast %mul3A_486 : vector<16xf32> to vector<1x16xf32>
        tpu.vector_store %arg8[%swap3A_487, %swap3A_488], %swap3A_491 {strides = array<i32>} : memref<128x64xf32, #tpu.memory_space<vmem>>, vector<1x16xf32>,
        %get3A_492 = arith.index_cast %add3A_455 : i32 to index
        %get3A_493 = arith.constant 48 : index
        %get3A_494 = tpu.vector_load %arg8[%get3A_492, %get3A_493] {strides = array<i32>} : memref<128x64xf32, #tpu.memory_space<vmem>>, vector<1x16xf32>,
        %get3A_495 = vector.shape_cast %get3A_494 : vector<1x16xf32> to vector<16xf32>
        %mul3A_496 = arith.constant 8.000000e+00 : f32
        %mul3A_497 = vector.broadcast %mul3A_496 : f32 to vector<16xf32>
        %mul3A_498 = arith.mulf %get3A_495, %mul3A_497 : vector<16xf32>
        %swap3A_499 = arith.index_cast %add3A_455 : i32 to index
        %swap3A_500 = arith.constant 48 : index
        %swap3A_501 = tpu.vector_load %arg8[%swap3A_499, %swap3A_500] {strides = array<i32>} : memref<128x64xf32, #tpu.memory_space<vmem>>, vector<1x16xf32>,
        %swap3A_502 = vector.shape_cast %swap3A_501 : vector<1x16xf32> to vector<16xf32>
        %swap3A_503 = vector.shape_cast %mul3A_498 : vector<16xf32> to vector<1x16xf32>
        tpu.vector_store %arg8[%swap3A_499, %swap3A_500], %swap3A_503 {strides = array<i32>} : memref<128x64xf32, #tpu.memory_space<vmem>>, vector<1x16xf32>,
      }
      %scan3A_132 = arith.constant 32 : i32
      %mul3A_133 = arith.constant 128 : i32
      %mul3A_134 = arith.muli %add3A_120, %mul3A_133 : i32
      %add3A_135 = arith.addi %mul3A_2, %mul3A_134 : i32
      %dma_start3A_136 = arith.constant 0 : i32
      %dma_start3A_137 = tpu.memref_slice %arg4[%add3A_135, %dma_start3A_136] : memref<819200x64xf32, #tpu.memory_space<hbm>> -> memref<128x64xf32, #tpu.memory_space<hbm>>
      %dma_start3A_138 = arith.constant 0 : i32
      %dma_start3A_139 = tpu.memref_slice %arg4[%add3A_135, %dma_start3A_138] : memref<819200x64xf32, #tpu.memory_space<hbm>> -> memref<128x64xf32, #tpu.memory_space<hbm>>
      tpu.enqueue_dma source(%arg8 : memref<128x64xf32, #tpu.memory_space<vmem>>) target(%dma_start3A_139 : memref<128x64xf32, #tpu.memory_space<hbm>>) target_semaphore(%arg24 : memref<!tpu.dma_semaphore, #tpu.memory_space<semaphore_mem>>)
      %add3A_140 = arith.constant 3 : i32
      %add3A_141 = arith.addi %add3A_120, %add3A_140 : i32
      %lt3A_142 = arith.constant 200 : i32
      %lt3A_143 = arith.cmpi slt, %add3A_141, %lt3A_142 : i32
      %convert_element_type3A_144 = arith.extui %lt3A_143 : i1 to i32
      %cond3A_145 = arith.constant 0 : i32
      %cond3A_146 = arith.cmpi ne, %convert_element_type3A_144, %cond3A_145 : i32
      scf.if %cond3A_146 {
        %ge3A = arith.constant 8 : i32
        %ge3A_297 = arith.cmpi sge, %add3A_141, %ge3A : i32
        %convert_element_type3A_298 = arith.extui %ge3A_297 : i1 to i32
        %cond3A_299 = arith.constant 0 : i32
        %cond3A_300 = arith.cmpi ne, %convert_element_type3A_298, %cond3A_299 : i32
        scf.if %cond3A_300 {
          %dma_wait3A_307 = arith.constant 0 : i32
          %dma_wait3A_308 = tpu.memref_slice %arg4[%mul3A_2, %dma_wait3A_307] : memref<819200x64xf32, #tpu.memory_space<hbm>> -> memref<128x64xf32, #tpu.memory_space<hbm>>
          %dma_wait3A_309 = arith.constant 0 : i32
          %dma_wait3A_310 = tpu.memref_slice %arg4[%mul3A_2, %dma_wait3A_309] : memref<819200x64xf32, #tpu.memory_space<hbm>> -> memref<128x64xf32, #tpu.memory_space<hbm>>
          tpu.wait_dma2 semaphore(%arg27 : memref<!tpu.dma_semaphore, #tpu.memory_space<semaphore_mem>>) src(%arg11 : memref<128x64xf32, #tpu.memory_space<vmem>>) dst(%dma_wait3A_310 : memref<128x64xf32, #tpu.memory_space<hbm>>)
        } else {
        }
        %dma_start3A_301 = arith.constant 0 : i32
        %dma_start3A_302 = tpu.memref_slice %arg5[%add3A_141, %dma_start3A_301] : memref<200x128xi32, #tpu.memory_space<vmem>> -> memref<1x128xi32, #tpu.memory_space<vmem>>
        %dma_start3A_303 = tpu.memref_squeeze %dma_start3A_302 : memref<1x128xi32, #tpu.memory_space<vmem>> -> memref<128xi32, #tpu.memory_space<vmem>>
        %dma_start3A_304 = arith.constant 0 : i32
        %dma_start3A_305 = arith.constant 0 : i32
        %dma_start3A_306 = tpu.memref_slice %arg3[%dma_start3A_304, %dma_start3A_305] : memref<1000000x64xf32, #tpu.memory_space<hbm>> -> memref<1000000x64xf32, #tpu.memory_space<hbm>>
        tpu.enqueue_indirect_dma source(%dma_start3A_306 : memref<1000000x64xf32, #tpu.memory_space<hbm>>) target(%arg11 : memref<128x64xf32, #tpu.memory_space<vmem>>) offsets(%dma_start3A_303 : memref<128xi32, #tpu.memory_space<vmem>>) semaphore(%arg19 : memref<!tpu.dma_semaphore, #tpu.memory_space<semaphore_mem>>)
      } else {
      }
      %mul3A_147 = arith.constant 8 : i32
      %mul3A_148 = arith.muli %scan3A_59, %mul3A_147 : i32
      %add3A_149 = arith.constant 3 : i32
      %add3A_150 = arith.addi %mul3A_148, %add3A_149 : i32
      %dma_wait3A_151 = arith.constant 0 : i32
      %dma_wait3A_152 = tpu.memref_slice %arg5[%add3A_150, %dma_wait3A_151] : memref<200x128xi32, #tpu.memory_space<vmem>> -> memref<1x128xi32, #tpu.memory_space<vmem>>
      %dma_wait3A_153 = tpu.memref_squeeze %dma_wait3A_152 : memref<1x128xi32, #tpu.memory_space<vmem>> -> memref<128xi32, #tpu.memory_space<vmem>>
      %dma_wait3A_154 = arith.constant 0 : i32
      %dma_wait3A_155 = arith.constant 0 : i32
      %dma_wait3A_156 = tpu.memref_slice %arg3[%dma_wait3A_154, %dma_wait3A_155] : memref<1000000x64xf32, #tpu.memory_space<hbm>> -> memref<1000000x64xf32, #tpu.memory_space<hbm>>
      tpu.wait_indirect_dma semaphore(%arg17 : memref<!tpu.dma_semaphore, #tpu.memory_space<semaphore_mem>>) src(%dma_wait3A_156 : memref<1000000x64xf32, #tpu.memory_space<hbm>>) dst(%arg9 : memref<128x64xf32, #tpu.memory_space<vmem>>)
      %scan3A_157 = arith.constant 0 : i32
      %scan3A_158 = arith.constant 0 : i32
      %scan3A_159 = arith.constant 32 : i32
      %scan3A_160 = arith.addi %scan3A_158, %scan3A_159 : i32
      %scan3A_161 = arith.constant 1 : i32
      scf.for %scan3A_297 = %scan3A_158 to %scan3A_160 step %scan3A_161  : i32 {
        %mul3A_298 = arith.constant 4 : i32
        %mul3A_299 = arith.muli %scan3A_297, %mul3A_298 : i32
        %add3A_300 = arith.constant 0 : i32
        %add3A_301 = arith.addi %mul3A_299, %add3A_300 : i32
        %get3A = arith.index_cast %add3A_301 : i32 to index
        %get3A_302 = arith.constant 0 : index
        %get3A_303 = tpu.vector_load %arg9[%get3A, %get3A_302] {strides = array<i32>} : memref<128x64xf32, #tpu.memory_space<vmem>>, vector<1x16xf32>,
        %get3A_304 = vector.shape_cast %get3A_303 : vector<1x16xf32> to vector<16xf32>
        %mul3A_305 = arith.constant 8.000000e+00 : f32
        %mul3A_306 = vector.broadcast %mul3A_305 : f32 to vector<16xf32>
        %mul3A_307 = arith.mulf %get3A_304, %mul3A_306 : vector<16xf32>
        %swap3A = arith.index_cast %add3A_301 : i32 to index
        %swap3A_308 = arith.constant 0 : index
        %swap3A_309 = tpu.vector_load %arg9[%swap3A, %swap3A_308] {strides = array<i32>} : memref<128x64xf32, #tpu.memory_space<vmem>>, vector<1x16xf32>,
        %swap3A_310 = vector.shape_cast %swap3A_309 : vector<1x16xf32> to vector<16xf32>
        %swap3A_311 = vector.shape_cast %mul3A_307 : vector<16xf32> to vector<1x16xf32>
        tpu.vector_store %arg9[%swap3A, %swap3A_308], %swap3A_311 {strides = array<i32>} : memref<128x64xf32, #tpu.memory_space<vmem>>, vector<1x16xf32>,
        %get3A_312 = arith.index_cast %add3A_301 : i32 to index
        %get3A_313 = arith.constant 16 : index
        %get3A_314 = tpu.vector_load %arg9[%get3A_312, %get3A_313] {strides = array<i32>} : memref<128x64xf32, #tpu.memory_space<vmem>>, vector<1x16xf32>,
        %get3A_315 = vector.shape_cast %get3A_314 : vector<1x16xf32> to vector<16xf32>
        %mul3A_316 = arith.constant 8.000000e+00 : f32
        %mul3A_317 = vector.broadcast %mul3A_316 : f32 to vector<16xf32>
        %mul3A_318 = arith.mulf %get3A_315, %mul3A_317 : vector<16xf32>
        %swap3A_319 = arith.index_cast %add3A_301 : i32 to index
        %swap3A_320 = arith.constant 16 : index
        %swap3A_321 = tpu.vector_load %arg9[%swap3A_319, %swap3A_320] {strides = array<i32>} : memref<128x64xf32, #tpu.memory_space<vmem>>, vector<1x16xf32>,
        %swap3A_322 = vector.shape_cast %swap3A_321 : vector<1x16xf32> to vector<16xf32>
        %swap3A_323 = vector.shape_cast %mul3A_318 : vector<16xf32> to vector<1x16xf32>
        tpu.vector_store %arg9[%swap3A_319, %swap3A_320], %swap3A_323 {strides = array<i32>} : memref<128x64xf32, #tpu.memory_space<vmem>>, vector<1x16xf32>,
        %get3A_324 = arith.index_cast %add3A_301 : i32 to index
        %get3A_325 = arith.constant 32 : index
        %get3A_326 = tpu.vector_load %arg9[%get3A_324, %get3A_325] {strides = array<i32>} : memref<128x64xf32, #tpu.memory_space<vmem>>, vector<1x16xf32>,
        %get3A_327 = vector.shape_cast %get3A_326 : vector<1x16xf32> to vector<16xf32>
        %mul3A_328 = arith.constant 8.000000e+00 : f32
        %mul3A_329 = vector.broadcast %mul3A_328 : f32 to vector<16xf32>
        %mul3A_330 = arith.mulf %get3A_327, %mul3A_329 : vector<16xf32>
        %swap3A_331 = arith.index_cast %add3A_301 : i32 to index
        %swap3A_332 = arith.constant 32 : index
        %swap3A_333 = tpu.vector_load %arg9[%swap3A_331, %swap3A_332] {strides = array<i32>} : memref<128x64xf32, #tpu.memory_space<vmem>>, vector<1x16xf32>,
        %swap3A_334 = vector.shape_cast %swap3A_333 : vector<1x16xf32> to vector<16xf32>
        %swap3A_335 = vector.shape_cast %mul3A_330 : vector<16xf32> to vector<1x16xf32>
        tpu.vector_store %arg9[%swap3A_331, %swap3A_332], %swap3A_335 {strides = array<i32>} : memref<128x64xf32, #tpu.memory_space<vmem>>, vector<1x16xf32>,
        %get3A_336 = arith.index_cast %add3A_301 : i32 to index
        %get3A_337 = arith.constant 48 : index
        %get3A_338 = tpu.vector_load %arg9[%get3A_336, %get3A_337] {strides = array<i32>} : memref<128x64xf32, #tpu.memory_space<vmem>>, vector<1x16xf32>,
        %get3A_339 = vector.shape_cast %get3A_338 : vector<1x16xf32> to vector<16xf32>
        %mul3A_340 = arith.constant 8.000000e+00 : f32
        %mul3A_341 = vector.broadcast %mul3A_340 : f32 to vector<16xf32>
        %mul3A_342 = arith.mulf %get3A_339, %mul3A_341 : vector<16xf32>
        %swap3A_343 = arith.index_cast %add3A_301 : i32 to index
        %swap3A_344 = arith.constant 48 : index
        %swap3A_345 = tpu.vector_load %arg9[%swap3A_343, %swap3A_344] {strides = array<i32>} : memref<128x64xf32, #tpu.memory_space<vmem>>, vector<1x16xf32>,
        %swap3A_346 = vector.shape_cast %swap3A_345 : vector<1x16xf32> to vector<16xf32>
        %swap3A_347 = vector.shape_cast %mul3A_342 : vector<16xf32> to vector<1x16xf32>
        tpu.vector_store %arg9[%swap3A_343, %swap3A_344], %swap3A_347 {strides = array<i32>} : memref<128x64xf32, #tpu.memory_space<vmem>>, vector<1x16xf32>,
        %mul3A_348 = arith.constant 4 : i32
        %mul3A_349 = arith.muli %scan3A_297, %mul3A_348 : i32
        %add3A_350 = arith.constant 1 : i32
        %add3A_351 = arith.addi %mul3A_349, %add3A_350 : i32
        %get3A_352 = arith.index_cast %add3A_351 : i32 to index
        %get3A_353 = arith.constant 0 : index
        %get3A_354 = tpu.vector_load %arg9[%get3A_352, %get3A_353] {strides = array<i32>} : memref<128x64xf32, #tpu.memory_space<vmem>>, vector<1x16xf32>,
        %get3A_355 = vector.shape_cast %get3A_354 : vector<1x16xf32> to vector<16xf32>
        %mul3A_356 = arith.constant 8.000000e+00 : f32
        %mul3A_357 = vector.broadcast %mul3A_356 : f32 to vector<16xf32>
        %mul3A_358 = arith.mulf %get3A_355, %mul3A_357 : vector<16xf32>
        %swap3A_359 = arith.index_cast %add3A_351 : i32 to index
        %swap3A_360 = arith.constant 0 : index
        %swap3A_361 = tpu.vector_load %arg9[%swap3A_359, %swap3A_360] {strides = array<i32>} : memref<128x64xf32, #tpu.memory_space<vmem>>, vector<1x16xf32>,
        %swap3A_362 = vector.shape_cast %swap3A_361 : vector<1x16xf32> to vector<16xf32>
        %swap3A_363 = vector.shape_cast %mul3A_358 : vector<16xf32> to vector<1x16xf32>
        tpu.vector_store %arg9[%swap3A_359, %swap3A_360], %swap3A_363 {strides = array<i32>} : memref<128x64xf32, #tpu.memory_space<vmem>>, vector<1x16xf32>,
        %get3A_364 = arith.index_cast %add3A_351 : i32 to index
        %get3A_365 = arith.constant 16 : index
        %get3A_366 = tpu.vector_load %arg9[%get3A_364, %get3A_365] {strides = array<i32>} : memref<128x64xf32, #tpu.memory_space<vmem>>, vector<1x16xf32>,
        %get3A_367 = vector.shape_cast %get3A_366 : vector<1x16xf32> to vector<16xf32>
        %mul3A_368 = arith.constant 8.000000e+00 : f32
        %mul3A_369 = vector.broadcast %mul3A_368 : f32 to vector<16xf32>
        %mul3A_370 = arith.mulf %get3A_367, %mul3A_369 : vector<16xf32>
        %swap3A_371 = arith.index_cast %add3A_351 : i32 to index
        %swap3A_372 = arith.constant 16 : index
        %swap3A_373 = tpu.vector_load %arg9[%swap3A_371, %swap3A_372] {strides = array<i32>} : memref<128x64xf32, #tpu.memory_space<vmem>>, vector<1x16xf32>,
        %swap3A_374 = vector.shape_cast %swap3A_373 : vector<1x16xf32> to vector<16xf32>
        %swap3A_375 = vector.shape_cast %mul3A_370 : vector<16xf32> to vector<1x16xf32>
        tpu.vector_store %arg9[%swap3A_371, %swap3A_372], %swap3A_375 {strides = array<i32>} : memref<128x64xf32, #tpu.memory_space<vmem>>, vector<1x16xf32>,
        %get3A_376 = arith.index_cast %add3A_351 : i32 to index
        %get3A_377 = arith.constant 32 : index
        %get3A_378 = tpu.vector_load %arg9[%get3A_376, %get3A_377] {strides = array<i32>} : memref<128x64xf32, #tpu.memory_space<vmem>>, vector<1x16xf32>,
        %get3A_379 = vector.shape_cast %get3A_378 : vector<1x16xf32> to vector<16xf32>
        %mul3A_380 = arith.constant 8.000000e+00 : f32
        %mul3A_381 = vector.broadcast %mul3A_380 : f32 to vector<16xf32>
        %mul3A_382 = arith.mulf %get3A_379, %mul3A_381 : vector<16xf32>
        %swap3A_383 = arith.index_cast %add3A_351 : i32 to index
        %swap3A_384 = arith.constant 32 : index
        %swap3A_385 = tpu.vector_load %arg9[%swap3A_383, %swap3A_384] {strides = array<i32>} : memref<128x64xf32, #tpu.memory_space<vmem>>, vector<1x16xf32>,
        %swap3A_386 = vector.shape_cast %swap3A_385 : vector<1x16xf32> to vector<16xf32>
        %swap3A_387 = vector.shape_cast %mul3A_382 : vector<16xf32> to vector<1x16xf32>
        tpu.vector_store %arg9[%swap3A_383, %swap3A_384], %swap3A_387 {strides = array<i32>} : memref<128x64xf32, #tpu.memory_space<vmem>>, vector<1x16xf32>,
        %get3A_388 = arith.index_cast %add3A_351 : i32 to index
        %get3A_389 = arith.constant 48 : index
        %get3A_390 = tpu.vector_load %arg9[%get3A_388, %get3A_389] {strides = array<i32>} : memref<128x64xf32, #tpu.memory_space<vmem>>, vector<1x16xf32>,
        %get3A_391 = vector.shape_cast %get3A_390 : vector<1x16xf32> to vector<16xf32>
        %mul3A_392 = arith.constant 8.000000e+00 : f32
        %mul3A_393 = vector.broadcast %mul3A_392 : f32 to vector<16xf32>
        %mul3A_394 = arith.mulf %get3A_391, %mul3A_393 : vector<16xf32>
        %swap3A_395 = arith.index_cast %add3A_351 : i32 to index
        %swap3A_396 = arith.constant 48 : index
        %swap3A_397 = tpu.vector_load %arg9[%swap3A_395, %swap3A_396] {strides = array<i32>} : memref<128x64xf32, #tpu.memory_space<vmem>>, vector<1x16xf32>,
        %swap3A_398 = vector.shape_cast %swap3A_397 : vector<1x16xf32> to vector<16xf32>
        %swap3A_399 = vector.shape_cast %mul3A_394 : vector<16xf32> to vector<1x16xf32>
        tpu.vector_store %arg9[%swap3A_395, %swap3A_396], %swap3A_399 {strides = array<i32>} : memref<128x64xf32, #tpu.memory_space<vmem>>, vector<1x16xf32>,
        %mul3A_400 = arith.constant 4 : i32
        %mul3A_401 = arith.muli %scan3A_297, %mul3A_400 : i32
        %add3A_402 = arith.constant 2 : i32
        %add3A_403 = arith.addi %mul3A_401, %add3A_402 : i32
        %get3A_404 = arith.index_cast %add3A_403 : i32 to index
        %get3A_405 = arith.constant 0 : index
        %get3A_406 = tpu.vector_load %arg9[%get3A_404, %get3A_405] {strides = array<i32>} : memref<128x64xf32, #tpu.memory_space<vmem>>, vector<1x16xf32>,
        %get3A_407 = vector.shape_cast %get3A_406 : vector<1x16xf32> to vector<16xf32>
        %mul3A_408 = arith.constant 8.000000e+00 : f32
        %mul3A_409 = vector.broadcast %mul3A_408 : f32 to vector<16xf32>
        %mul3A_410 = arith.mulf %get3A_407, %mul3A_409 : vector<16xf32>
        %swap3A_411 = arith.index_cast %add3A_403 : i32 to index
        %swap3A_412 = arith.constant 0 : index
        %swap3A_413 = tpu.vector_load %arg9[%swap3A_411, %swap3A_412] {strides = array<i32>} : memref<128x64xf32, #tpu.memory_space<vmem>>, vector<1x16xf32>,
        %swap3A_414 = vector.shape_cast %swap3A_413 : vector<1x16xf32> to vector<16xf32>
        %swap3A_415 = vector.shape_cast %mul3A_410 : vector<16xf32> to vector<1x16xf32>
        tpu.vector_store %arg9[%swap3A_411, %swap3A_412], %swap3A_415 {strides = array<i32>} : memref<128x64xf32, #tpu.memory_space<vmem>>, vector<1x16xf32>,
        %get3A_416 = arith.index_cast %add3A_403 : i32 to index
        %get3A_417 = arith.constant 16 : index
        %get3A_418 = tpu.vector_load %arg9[%get3A_416, %get3A_417] {strides = array<i32>} : memref<128x64xf32, #tpu.memory_space<vmem>>, vector<1x16xf32>,
        %get3A_419 = vector.shape_cast %get3A_418 : vector<1x16xf32> to vector<16xf32>
        %mul3A_420 = arith.constant 8.000000e+00 : f32
        %mul3A_421 = vector.broadcast %mul3A_420 : f32 to vector<16xf32>
        %mul3A_422 = arith.mulf %get3A_419, %mul3A_421 : vector<16xf32>
        %swap3A_423 = arith.index_cast %add3A_403 : i32 to index
        %swap3A_424 = arith.constant 16 : index
        %swap3A_425 = tpu.vector_load %arg9[%swap3A_423, %swap3A_424] {strides = array<i32>} : memref<128x64xf32, #tpu.memory_space<vmem>>, vector<1x16xf32>,
        %swap3A_426 = vector.shape_cast %swap3A_425 : vector<1x16xf32> to vector<16xf32>
        %swap3A_427 = vector.shape_cast %mul3A_422 : vector<16xf32> to vector<1x16xf32>
        tpu.vector_store %arg9[%swap3A_423, %swap3A_424], %swap3A_427 {strides = array<i32>} : memref<128x64xf32, #tpu.memory_space<vmem>>, vector<1x16xf32>,
        %get3A_428 = arith.index_cast %add3A_403 : i32 to index
        %get3A_429 = arith.constant 32 : index
        %get3A_430 = tpu.vector_load %arg9[%get3A_428, %get3A_429] {strides = array<i32>} : memref<128x64xf32, #tpu.memory_space<vmem>>, vector<1x16xf32>,
        %get3A_431 = vector.shape_cast %get3A_430 : vector<1x16xf32> to vector<16xf32>
        %mul3A_432 = arith.constant 8.000000e+00 : f32
        %mul3A_433 = vector.broadcast %mul3A_432 : f32 to vector<16xf32>
        %mul3A_434 = arith.mulf %get3A_431, %mul3A_433 : vector<16xf32>
        %swap3A_435 = arith.index_cast %add3A_403 : i32 to index
        %swap3A_436 = arith.constant 32 : index
        %swap3A_437 = tpu.vector_load %arg9[%swap3A_435, %swap3A_436] {strides = array<i32>} : memref<128x64xf32, #tpu.memory_space<vmem>>, vector<1x16xf32>,
        %swap3A_438 = vector.shape_cast %swap3A_437 : vector<1x16xf32> to vector<16xf32>
        %swap3A_439 = vector.shape_cast %mul3A_434 : vector<16xf32> to vector<1x16xf32>
        tpu.vector_store %arg9[%swap3A_435, %swap3A_436], %swap3A_439 {strides = array<i32>} : memref<128x64xf32, #tpu.memory_space<vmem>>, vector<1x16xf32>,
        %get3A_440 = arith.index_cast %add3A_403 : i32 to index
        %get3A_441 = arith.constant 48 : index
        %get3A_442 = tpu.vector_load %arg9[%get3A_440, %get3A_441] {strides = array<i32>} : memref<128x64xf32, #tpu.memory_space<vmem>>, vector<1x16xf32>,
        %get3A_443 = vector.shape_cast %get3A_442 : vector<1x16xf32> to vector<16xf32>
        %mul3A_444 = arith.constant 8.000000e+00 : f32
        %mul3A_445 = vector.broadcast %mul3A_444 : f32 to vector<16xf32>
        %mul3A_446 = arith.mulf %get3A_443, %mul3A_445 : vector<16xf32>
        %swap3A_447 = arith.index_cast %add3A_403 : i32 to index
        %swap3A_448 = arith.constant 48 : index
        %swap3A_449 = tpu.vector_load %arg9[%swap3A_447, %swap3A_448] {strides = array<i32>} : memref<128x64xf32, #tpu.memory_space<vmem>>, vector<1x16xf32>,
        %swap3A_450 = vector.shape_cast %swap3A_449 : vector<1x16xf32> to vector<16xf32>
        %swap3A_451 = vector.shape_cast %mul3A_446 : vector<16xf32> to vector<1x16xf32>
        tpu.vector_store %arg9[%swap3A_447, %swap3A_448], %swap3A_451 {strides = array<i32>} : memref<128x64xf32, #tpu.memory_space<vmem>>, vector<1x16xf32>,
        %mul3A_452 = arith.constant 4 : i32
        %mul3A_453 = arith.muli %scan3A_297, %mul3A_452 : i32
        %add3A_454 = arith.constant 3 : i32
        %add3A_455 = arith.addi %mul3A_453, %add3A_454 : i32
        %get3A_456 = arith.index_cast %add3A_455 : i32 to index
        %get3A_457 = arith.constant 0 : index
        %get3A_458 = tpu.vector_load %arg9[%get3A_456, %get3A_457] {strides = array<i32>} : memref<128x64xf32, #tpu.memory_space<vmem>>, vector<1x16xf32>,
        %get3A_459 = vector.shape_cast %get3A_458 : vector<1x16xf32> to vector<16xf32>
        %mul3A_460 = arith.constant 8.000000e+00 : f32
        %mul3A_461 = vector.broadcast %mul3A_460 : f32 to vector<16xf32>
        %mul3A_462 = arith.mulf %get3A_459, %mul3A_461 : vector<16xf32>
        %swap3A_463 = arith.index_cast %add3A_455 : i32 to index
        %swap3A_464 = arith.constant 0 : index
        %swap3A_465 = tpu.vector_load %arg9[%swap3A_463, %swap3A_464] {strides = array<i32>} : memref<128x64xf32, #tpu.memory_space<vmem>>, vector<1x16xf32>,
        %swap3A_466 = vector.shape_cast %swap3A_465 : vector<1x16xf32> to vector<16xf32>
        %swap3A_467 = vector.shape_cast %mul3A_462 : vector<16xf32> to vector<1x16xf32>
        tpu.vector_store %arg9[%swap3A_463, %swap3A_464], %swap3A_467 {strides = array<i32>} : memref<128x64xf32, #tpu.memory_space<vmem>>, vector<1x16xf32>,
        %get3A_468 = arith.index_cast %add3A_455 : i32 to index
        %get3A_469 = arith.constant 16 : index
        %get3A_470 = tpu.vector_load %arg9[%get3A_468, %get3A_469] {strides = array<i32>} : memref<128x64xf32, #tpu.memory_space<vmem>>, vector<1x16xf32>,
        %get3A_471 = vector.shape_cast %get3A_470 : vector<1x16xf32> to vector<16xf32>
        %mul3A_472 = arith.constant 8.000000e+00 : f32
        %mul3A_473 = vector.broadcast %mul3A_472 : f32 to vector<16xf32>
        %mul3A_474 = arith.mulf %get3A_471, %mul3A_473 : vector<16xf32>
        %swap3A_475 = arith.index_cast %add3A_455 : i32 to index
        %swap3A_476 = arith.constant 16 : index
        %swap3A_477 = tpu.vector_load %arg9[%swap3A_475, %swap3A_476] {strides = array<i32>} : memref<128x64xf32, #tpu.memory_space<vmem>>, vector<1x16xf32>,
        %swap3A_478 = vector.shape_cast %swap3A_477 : vector<1x16xf32> to vector<16xf32>
        %swap3A_479 = vector.shape_cast %mul3A_474 : vector<16xf32> to vector<1x16xf32>
        tpu.vector_store %arg9[%swap3A_475, %swap3A_476], %swap3A_479 {strides = array<i32>} : memref<128x64xf32, #tpu.memory_space<vmem>>, vector<1x16xf32>,
        %get3A_480 = arith.index_cast %add3A_455 : i32 to index
        %get3A_481 = arith.constant 32 : index
        %get3A_482 = tpu.vector_load %arg9[%get3A_480, %get3A_481] {strides = array<i32>} : memref<128x64xf32, #tpu.memory_space<vmem>>, vector<1x16xf32>,
        %get3A_483 = vector.shape_cast %get3A_482 : vector<1x16xf32> to vector<16xf32>
        %mul3A_484 = arith.constant 8.000000e+00 : f32
        %mul3A_485 = vector.broadcast %mul3A_484 : f32 to vector<16xf32>
        %mul3A_486 = arith.mulf %get3A_483, %mul3A_485 : vector<16xf32>
        %swap3A_487 = arith.index_cast %add3A_455 : i32 to index
        %swap3A_488 = arith.constant 32 : index
        %swap3A_489 = tpu.vector_load %arg9[%swap3A_487, %swap3A_488] {strides = array<i32>} : memref<128x64xf32, #tpu.memory_space<vmem>>, vector<1x16xf32>,
        %swap3A_490 = vector.shape_cast %swap3A_489 : vector<1x16xf32> to vector<16xf32>
        %swap3A_491 = vector.shape_cast %mul3A_486 : vector<16xf32> to vector<1x16xf32>
        tpu.vector_store %arg9[%swap3A_487, %swap3A_488], %swap3A_491 {strides = array<i32>} : memref<128x64xf32, #tpu.memory_space<vmem>>, vector<1x16xf32>,
        %get3A_492 = arith.index_cast %add3A_455 : i32 to index
        %get3A_493 = arith.constant 48 : index
        %get3A_494 = tpu.vector_load %arg9[%get3A_492, %get3A_493] {strides = array<i32>} : memref<128x64xf32, #tpu.memory_space<vmem>>, vector<1x16xf32>,
        %get3A_495 = vector.shape_cast %get3A_494 : vector<1x16xf32> to vector<16xf32>
        %mul3A_496 = arith.constant 8.000000e+00 : f32
        %mul3A_497 = vector.broadcast %mul3A_496 : f32 to vector<16xf32>
        %mul3A_498 = arith.mulf %get3A_495, %mul3A_497 : vector<16xf32>
        %swap3A_499 = arith.index_cast %add3A_455 : i32 to index
        %swap3A_500 = arith.constant 48 : index
        %swap3A_501 = tpu.vector_load %arg9[%swap3A_499, %swap3A_500] {strides = array<i32>} : memref<128x64xf32, #tpu.memory_space<vmem>>, vector<1x16xf32>,
        %swap3A_502 = vector.shape_cast %swap3A_501 : vector<1x16xf32> to vector<16xf32>
        %swap3A_503 = vector.shape_cast %mul3A_498 : vector<16xf32> to vector<1x16xf32>
        tpu.vector_store %arg9[%swap3A_499, %swap3A_500], %swap3A_503 {strides = array<i32>} : memref<128x64xf32, #tpu.memory_space<vmem>>, vector<1x16xf32>,
      }
      %scan3A_162 = arith.constant 32 : i32
      %mul3A_163 = arith.constant 128 : i32
      %mul3A_164 = arith.muli %add3A_150, %mul3A_163 : i32
      %add3A_165 = arith.addi %mul3A_2, %mul3A_164 : i32
      %dma_start3A_166 = arith.constant 0 : i32
      %dma_start3A_167 = tpu.memref_slice %arg4[%add3A_165, %dma_start3A_166] : memref<819200x64xf32, #tpu.memory_space<hbm>> -> memref<128x64xf32, #tpu.memory_space<hbm>>
      %dma_start3A_168 = arith.constant 0 : i32
      %dma_start3A_169 = tpu.memref_slice %arg4[%add3A_165, %dma_start3A_168] : memref<819200x64xf32, #tpu.memory_space<hbm>> -> memref<128x64xf32, #tpu.memory_space<hbm>>
      tpu.enqueue_dma source(%arg9 : memref<128x64xf32, #tpu.memory_space<vmem>>) target(%dma_start3A_169 : memref<128x64xf32, #tpu.memory_space<hbm>>) target_semaphore(%arg25 : memref<!tpu.dma_semaphore, #tpu.memory_space<semaphore_mem>>)
      %add3A_170 = arith.constant 3 : i32
      %add3A_171 = arith.addi %add3A_150, %add3A_170 : i32
      %lt3A_172 = arith.constant 200 : i32
      %lt3A_173 = arith.cmpi slt, %add3A_171, %lt3A_172 : i32
      %convert_element_type3A_174 = arith.extui %lt3A_173 : i1 to i32
      %cond3A_175 = arith.constant 0 : i32
      %cond3A_176 = arith.cmpi ne, %convert_element_type3A_174, %cond3A_175 : i32
      scf.if %cond3A_176 {
        %ge3A = arith.constant 8 : i32
        %ge3A_297 = arith.cmpi sge, %add3A_171, %ge3A : i32
        %convert_element_type3A_298 = arith.extui %ge3A_297 : i1 to i32
        %cond3A_299 = arith.constant 0 : i32
        %cond3A_300 = arith.cmpi ne, %convert_element_type3A_298, %cond3A_299 : i32
        scf.if %cond3A_300 {
          %dma_wait3A_307 = arith.constant 0 : i32
          %dma_wait3A_308 = tpu.memref_slice %arg4[%mul3A_2, %dma_wait3A_307] : memref<819200x64xf32, #tpu.memory_space<hbm>> -> memref<128x64xf32, #tpu.memory_space<hbm>>
          %dma_wait3A_309 = arith.constant 0 : i32
          %dma_wait3A_310 = tpu.memref_slice %arg4[%mul3A_2, %dma_wait3A_309] : memref<819200x64xf32, #tpu.memory_space<hbm>> -> memref<128x64xf32, #tpu.memory_space<hbm>>
          tpu.wait_dma2 semaphore(%arg28 : memref<!tpu.dma_semaphore, #tpu.memory_space<semaphore_mem>>) src(%arg12 : memref<128x64xf32, #tpu.memory_space<vmem>>) dst(%dma_wait3A_310 : memref<128x64xf32, #tpu.memory_space<hbm>>)
        } else {
        }
        %dma_start3A_301 = arith.constant 0 : i32
        %dma_start3A_302 = tpu.memref_slice %arg5[%add3A_171, %dma_start3A_301] : memref<200x128xi32, #tpu.memory_space<vmem>> -> memref<1x128xi32, #tpu.memory_space<vmem>>
        %dma_start3A_303 = tpu.memref_squeeze %dma_start3A_302 : memref<1x128xi32, #tpu.memory_space<vmem>> -> memref<128xi32, #tpu.memory_space<vmem>>
        %dma_start3A_304 = arith.constant 0 : i32
        %dma_start3A_305 = arith.constant 0 : i32
        %dma_start3A_306 = tpu.memref_slice %arg3[%dma_start3A_304, %dma_start3A_305] : memref<1000000x64xf32, #tpu.memory_space<hbm>> -> memref<1000000x64xf32, #tpu.memory_space<hbm>>
        tpu.enqueue_indirect_dma source(%dma_start3A_306 : memref<1000000x64xf32, #tpu.memory_space<hbm>>) target(%arg12 : memref<128x64xf32, #tpu.memory_space<vmem>>) offsets(%dma_start3A_303 : memref<128xi32, #tpu.memory_space<vmem>>) semaphore(%arg20 : memref<!tpu.dma_semaphore, #tpu.memory_space<semaphore_mem>>)
      } else {
      }
      %mul3A_177 = arith.constant 8 : i32
      %mul3A_178 = arith.muli %scan3A_59, %mul3A_177 : i32
      %add3A_179 = arith.constant 4 : i32
      %add3A_180 = arith.addi %mul3A_178, %add3A_179 : i32
      %dma_wait3A_181 = arith.constant 0 : i32
      %dma_wait3A_182 = tpu.memref_slice %arg5[%add3A_180, %dma_wait3A_181] : memref<200x128xi32, #tpu.memory_space<vmem>> -> memref<1x128xi32, #tpu.memory_space<vmem>>
      %dma_wait3A_183 = tpu.memref_squeeze %dma_wait3A_182 : memref<1x128xi32, #tpu.memory_space<vmem>> -> memref<128xi32, #tpu.memory_space<vmem>>
      %dma_wait3A_184 = arith.constant 0 : i32
      %dma_wait3A_185 = arith.constant 0 : i32
      %dma_wait3A_186 = tpu.memref_slice %arg3[%dma_wait3A_184, %dma_wait3A_185] : memref<1000000x64xf32, #tpu.memory_space<hbm>> -> memref<1000000x64xf32, #tpu.memory_space<hbm>>
      tpu.wait_indirect_dma semaphore(%arg18 : memref<!tpu.dma_semaphore, #tpu.memory_space<semaphore_mem>>) src(%dma_wait3A_186 : memref<1000000x64xf32, #tpu.memory_space<hbm>>) dst(%arg10 : memref<128x64xf32, #tpu.memory_space<vmem>>)
      %scan3A_187 = arith.constant 0 : i32
      %scan3A_188 = arith.constant 0 : i32
      %scan3A_189 = arith.constant 32 : i32
      %scan3A_190 = arith.addi %scan3A_188, %scan3A_189 : i32
      %scan3A_191 = arith.constant 1 : i32
      scf.for %scan3A_297 = %scan3A_188 to %scan3A_190 step %scan3A_191  : i32 {
        %mul3A_298 = arith.constant 4 : i32
        %mul3A_299 = arith.muli %scan3A_297, %mul3A_298 : i32
        %add3A_300 = arith.constant 0 : i32
        %add3A_301 = arith.addi %mul3A_299, %add3A_300 : i32
        %get3A = arith.index_cast %add3A_301 : i32 to index
        %get3A_302 = arith.constant 0 : index
        %get3A_303 = tpu.vector_load %arg10[%get3A, %get3A_302] {strides = array<i32>} : memref<128x64xf32, #tpu.memory_space<vmem>>, vector<1x16xf32>,
        %get3A_304 = vector.shape_cast %get3A_303 : vector<1x16xf32> to vector<16xf32>
        %mul3A_305 = arith.constant 8.000000e+00 : f32
        %mul3A_306 = vector.broadcast %mul3A_305 : f32 to vector<16xf32>
        %mul3A_307 = arith.mulf %get3A_304, %mul3A_306 : vector<16xf32>
        %swap3A = arith.index_cast %add3A_301 : i32 to index
        %swap3A_308 = arith.constant 0 : index
        %swap3A_309 = tpu.vector_load %arg10[%swap3A, %swap3A_308] {strides = array<i32>} : memref<128x64xf32, #tpu.memory_space<vmem>>, vector<1x16xf32>,
        %swap3A_310 = vector.shape_cast %swap3A_309 : vector<1x16xf32> to vector<16xf32>
        %swap3A_311 = vector.shape_cast %mul3A_307 : vector<16xf32> to vector<1x16xf32>
        tpu.vector_store %arg10[%swap3A, %swap3A_308], %swap3A_311 {strides = array<i32>} : memref<128x64xf32, #tpu.memory_space<vmem>>, vector<1x16xf32>,
        %get3A_312 = arith.index_cast %add3A_301 : i32 to index
        %get3A_313 = arith.constant 16 : index
        %get3A_314 = tpu.vector_load %arg10[%get3A_312, %get3A_313] {strides = array<i32>} : memref<128x64xf32, #tpu.memory_space<vmem>>, vector<1x16xf32>,
        %get3A_315 = vector.shape_cast %get3A_314 : vector<1x16xf32> to vector<16xf32>
        %mul3A_316 = arith.constant 8.000000e+00 : f32
        %mul3A_317 = vector.broadcast %mul3A_316 : f32 to vector<16xf32>
        %mul3A_318 = arith.mulf %get3A_315, %mul3A_317 : vector<16xf32>
        %swap3A_319 = arith.index_cast %add3A_301 : i32 to index
        %swap3A_320 = arith.constant 16 : index
        %swap3A_321 = tpu.vector_load %arg10[%swap3A_319, %swap3A_320] {strides = array<i32>} : memref<128x64xf32, #tpu.memory_space<vmem>>, vector<1x16xf32>,
        %swap3A_322 = vector.shape_cast %swap3A_321 : vector<1x16xf32> to vector<16xf32>
        %swap3A_323 = vector.shape_cast %mul3A_318 : vector<16xf32> to vector<1x16xf32>
        tpu.vector_store %arg10[%swap3A_319, %swap3A_320], %swap3A_323 {strides = array<i32>} : memref<128x64xf32, #tpu.memory_space<vmem>>, vector<1x16xf32>,
        %get3A_324 = arith.index_cast %add3A_301 : i32 to index
        %get3A_325 = arith.constant 32 : index
        %get3A_326 = tpu.vector_load %arg10[%get3A_324, %get3A_325] {strides = array<i32>} : memref<128x64xf32, #tpu.memory_space<vmem>>, vector<1x16xf32>,
        %get3A_327 = vector.shape_cast %get3A_326 : vector<1x16xf32> to vector<16xf32>
        %mul3A_328 = arith.constant 8.000000e+00 : f32
        %mul3A_329 = vector.broadcast %mul3A_328 : f32 to vector<16xf32>
        %mul3A_330 = arith.mulf %get3A_327, %mul3A_329 : vector<16xf32>
        %swap3A_331 = arith.index_cast %add3A_301 : i32 to index
        %swap3A_332 = arith.constant 32 : index
        %swap3A_333 = tpu.vector_load %arg10[%swap3A_331, %swap3A_332] {strides = array<i32>} : memref<128x64xf32, #tpu.memory_space<vmem>>, vector<1x16xf32>,
        %swap3A_334 = vector.shape_cast %swap3A_333 : vector<1x16xf32> to vector<16xf32>
        %swap3A_335 = vector.shape_cast %mul3A_330 : vector<16xf32> to vector<1x16xf32>
        tpu.vector_store %arg10[%swap3A_331, %swap3A_332], %swap3A_335 {strides = array<i32>} : memref<128x64xf32, #tpu.memory_space<vmem>>, vector<1x16xf32>,
        %get3A_336 = arith.index_cast %add3A_301 : i32 to index
        %get3A_337 = arith.constant 48 : index
        %get3A_338 = tpu.vector_load %arg10[%get3A_336, %get3A_337] {strides = array<i32>} : memref<128x64xf32, #tpu.memory_space<vmem>>, vector<1x16xf32>,
        %get3A_339 = vector.shape_cast %get3A_338 : vector<1x16xf32> to vector<16xf32>
        %mul3A_340 = arith.constant 8.000000e+00 : f32
        %mul3A_341 = vector.broadcast %mul3A_340 : f32 to vector<16xf32>
        %mul3A_342 = arith.mulf %get3A_339, %mul3A_341 : vector<16xf32>
        %swap3A_343 = arith.index_cast %add3A_301 : i32 to index
        %swap3A_344 = arith.constant 48 : index
        %swap3A_345 = tpu.vector_load %arg10[%swap3A_343, %swap3A_344] {strides = array<i32>} : memref<128x64xf32, #tpu.memory_space<vmem>>, vector<1x16xf32>,
        %swap3A_346 = vector.shape_cast %swap3A_345 : vector<1x16xf32> to vector<16xf32>
        %swap3A_347 = vector.shape_cast %mul3A_342 : vector<16xf32> to vector<1x16xf32>
        tpu.vector_store %arg10[%swap3A_343, %swap3A_344], %swap3A_347 {strides = array<i32>} : memref<128x64xf32, #tpu.memory_space<vmem>>, vector<1x16xf32>,
        %mul3A_348 = arith.constant 4 : i32
        %mul3A_349 = arith.muli %scan3A_297, %mul3A_348 : i32
        %add3A_350 = arith.constant 1 : i32
        %add3A_351 = arith.addi %mul3A_349, %add3A_350 : i32
        %get3A_352 = arith.index_cast %add3A_351 : i32 to index
        %get3A_353 = arith.constant 0 : index
        %get3A_354 = tpu.vector_load %arg10[%get3A_352, %get3A_353] {strides = array<i32>} : memref<128x64xf32, #tpu.memory_space<vmem>>, vector<1x16xf32>,
        %get3A_355 = vector.shape_cast %get3A_354 : vector<1x16xf32> to vector<16xf32>
        %mul3A_356 = arith.constant 8.000000e+00 : f32
        %mul3A_357 = vector.broadcast %mul3A_356 : f32 to vector<16xf32>
        %mul3A_358 = arith.mulf %get3A_355, %mul3A_357 : vector<16xf32>
        %swap3A_359 = arith.index_cast %add3A_351 : i32 to index
        %swap3A_360 = arith.constant 0 : index
        %swap3A_361 = tpu.vector_load %arg10[%swap3A_359, %swap3A_360] {strides = array<i32>} : memref<128x64xf32, #tpu.memory_space<vmem>>, vector<1x16xf32>,
        %swap3A_362 = vector.shape_cast %swap3A_361 : vector<1x16xf32> to vector<16xf32>
        %swap3A_363 = vector.shape_cast %mul3A_358 : vector<16xf32> to vector<1x16xf32>
        tpu.vector_store %arg10[%swap3A_359, %swap3A_360], %swap3A_363 {strides = array<i32>} : memref<128x64xf32, #tpu.memory_space<vmem>>, vector<1x16xf32>,
        %get3A_364 = arith.index_cast %add3A_351 : i32 to index
        %get3A_365 = arith.constant 16 : index
        %get3A_366 = tpu.vector_load %arg10[%get3A_364, %get3A_365] {strides = array<i32>} : memref<128x64xf32, #tpu.memory_space<vmem>>, vector<1x16xf32>,
        %get3A_367 = vector.shape_cast %get3A_366 : vector<1x16xf32> to vector<16xf32>
        %mul3A_368 = arith.constant 8.000000e+00 : f32
        %mul3A_369 = vector.broadcast %mul3A_368 : f32 to vector<16xf32>
        %mul3A_370 = arith.mulf %get3A_367, %mul3A_369 : vector<16xf32>
        %swap3A_371 = arith.index_cast %add3A_351 : i32 to index
        %swap3A_372 = arith.constant 16 : index
        %swap3A_373 = tpu.vector_load %arg10[%swap3A_371, %swap3A_372] {strides = array<i32>} : memref<128x64xf32, #tpu.memory_space<vmem>>, vector<1x16xf32>,
        %swap3A_374 = vector.shape_cast %swap3A_373 : vector<1x16xf32> to vector<16xf32>
        %swap3A_375 = vector.shape_cast %mul3A_370 : vector<16xf32> to vector<1x16xf32>
        tpu.vector_store %arg10[%swap3A_371, %swap3A_372], %swap3A_375 {strides = array<i32>} : memref<128x64xf32, #tpu.memory_space<vmem>>, vector<1x16xf32>,
        %get3A_376 = arith.index_cast %add3A_351 : i32 to index
        %get3A_377 = arith.constant 32 : index
        %get3A_378 = tpu.vector_load %arg10[%get3A_376, %get3A_377] {strides = array<i32>} : memref<128x64xf32, #tpu.memory_space<vmem>>, vector<1x16xf32>,
        %get3A_379 = vector.shape_cast %get3A_378 : vector<1x16xf32> to vector<16xf32>
        %mul3A_380 = arith.constant 8.000000e+00 : f32
        %mul3A_381 = vector.broadcast %mul3A_380 : f32 to vector<16xf32>
        %mul3A_382 = arith.mulf %get3A_379, %mul3A_381 : vector<16xf32>
        %swap3A_383 = arith.index_cast %add3A_351 : i32 to index
        %swap3A_384 = arith.constant 32 : index
        %swap3A_385 = tpu.vector_load %arg10[%swap3A_383, %swap3A_384] {strides = array<i32>} : memref<128x64xf32, #tpu.memory_space<vmem>>, vector<1x16xf32>,
        %swap3A_386 = vector.shape_cast %swap3A_385 : vector<1x16xf32> to vector<16xf32>
        %swap3A_387 = vector.shape_cast %mul3A_382 : vector<16xf32> to vector<1x16xf32>
        tpu.vector_store %arg10[%swap3A_383, %swap3A_384], %swap3A_387 {strides = array<i32>} : memref<128x64xf32, #tpu.memory_space<vmem>>, vector<1x16xf32>,
        %get3A_388 = arith.index_cast %add3A_351 : i32 to index
        %get3A_389 = arith.constant 48 : index
        %get3A_390 = tpu.vector_load %arg10[%get3A_388, %get3A_389] {strides = array<i32>} : memref<128x64xf32, #tpu.memory_space<vmem>>, vector<1x16xf32>,
        %get3A_391 = vector.shape_cast %get3A_390 : vector<1x16xf32> to vector<16xf32>
        %mul3A_392 = arith.constant 8.000000e+00 : f32
        %mul3A_393 = vector.broadcast %mul3A_392 : f32 to vector<16xf32>
        %mul3A_394 = arith.mulf %get3A_391, %mul3A_393 : vector<16xf32>
        %swap3A_395 = arith.index_cast %add3A_351 : i32 to index
        %swap3A_396 = arith.constant 48 : index
        %swap3A_397 = tpu.vector_load %arg10[%swap3A_395, %swap3A_396] {strides = array<i32>} : memref<128x64xf32, #tpu.memory_space<vmem>>, vector<1x16xf32>,
        %swap3A_398 = vector.shape_cast %swap3A_397 : vector<1x16xf32> to vector<16xf32>
        %swap3A_399 = vector.shape_cast %mul3A_394 : vector<16xf32> to vector<1x16xf32>
        tpu.vector_store %arg10[%swap3A_395, %swap3A_396], %swap3A_399 {strides = array<i32>} : memref<128x64xf32, #tpu.memory_space<vmem>>, vector<1x16xf32>,
        %mul3A_400 = arith.constant 4 : i32
        %mul3A_401 = arith.muli %scan3A_297, %mul3A_400 : i32
        %add3A_402 = arith.constant 2 : i32
        %add3A_403 = arith.addi %mul3A_401, %add3A_402 : i32
        %get3A_404 = arith.index_cast %add3A_403 : i32 to index
        %get3A_405 = arith.constant 0 : index
        %get3A_406 = tpu.vector_load %arg10[%get3A_404, %get3A_405] {strides = array<i32>} : memref<128x64xf32, #tpu.memory_space<vmem>>, vector<1x16xf32>,
        %get3A_407 = vector.shape_cast %get3A_406 : vector<1x16xf32> to vector<16xf32>
        %mul3A_408 = arith.constant 8.000000e+00 : f32
        %mul3A_409 = vector.broadcast %mul3A_408 : f32 to vector<16xf32>
        %mul3A_410 = arith.mulf %get3A_407, %mul3A_409 : vector<16xf32>
        %swap3A_411 = arith.index_cast %add3A_403 : i32 to index
        %swap3A_412 = arith.constant 0 : index
        %swap3A_413 = tpu.vector_load %arg10[%swap3A_411, %swap3A_412] {strides = array<i32>} : memref<128x64xf32, #tpu.memory_space<vmem>>, vector<1x16xf32>,
        %swap3A_414 = vector.shape_cast %swap3A_413 : vector<1x16xf32> to vector<16xf32>
        %swap3A_415 = vector.shape_cast %mul3A_410 : vector<16xf32> to vector<1x16xf32>
        tpu.vector_store %arg10[%swap3A_411, %swap3A_412], %swap3A_415 {strides = array<i32>} : memref<128x64xf32, #tpu.memory_space<vmem>>, vector<1x16xf32>,
        %get3A_416 = arith.index_cast %add3A_403 : i32 to index
        %get3A_417 = arith.constant 16 : index
        %get3A_418 = tpu.vector_load %arg10[%get3A_416, %get3A_417] {strides = array<i32>} : memref<128x64xf32, #tpu.memory_space<vmem>>, vector<1x16xf32>,
        %get3A_419 = vector.shape_cast %get3A_418 : vector<1x16xf32> to vector<16xf32>
        %mul3A_420 = arith.constant 8.000000e+00 : f32
        %mul3A_421 = vector.broadcast %mul3A_420 : f32 to vector<16xf32>
        %mul3A_422 = arith.mulf %get3A_419, %mul3A_421 : vector<16xf32>
        %swap3A_423 = arith.index_cast %add3A_403 : i32 to index
        %swap3A_424 = arith.constant 16 : index
        %swap3A_425 = tpu.vector_load %arg10[%swap3A_423, %swap3A_424] {strides = array<i32>} : memref<128x64xf32, #tpu.memory_space<vmem>>, vector<1x16xf32>,
        %swap3A_426 = vector.shape_cast %swap3A_425 : vector<1x16xf32> to vector<16xf32>
        %swap3A_427 = vector.shape_cast %mul3A_422 : vector<16xf32> to vector<1x16xf32>
        tpu.vector_store %arg10[%swap3A_423, %swap3A_424], %swap3A_427 {strides = array<i32>} : memref<128x64xf32, #tpu.memory_space<vmem>>, vector<1x16xf32>,
        %get3A_428 = arith.index_cast %add3A_403 : i32 to index
        %get3A_429 = arith.constant 32 : index
        %get3A_430 = tpu.vector_load %arg10[%get3A_428, %get3A_429] {strides = array<i32>} : memref<128x64xf32, #tpu.memory_space<vmem>>, vector<1x16xf32>,
        %get3A_431 = vector.shape_cast %get3A_430 : vector<1x16xf32> to vector<16xf32>
        %mul3A_432 = arith.constant 8.000000e+00 : f32
        %mul3A_433 = vector.broadcast %mul3A_432 : f32 to vector<16xf32>
        %mul3A_434 = arith.mulf %get3A_431, %mul3A_433 : vector<16xf32>
        %swap3A_435 = arith.index_cast %add3A_403 : i32 to index
        %swap3A_436 = arith.constant 32 : index
        %swap3A_437 = tpu.vector_load %arg10[%swap3A_435, %swap3A_436] {strides = array<i32>} : memref<128x64xf32, #tpu.memory_space<vmem>>, vector<1x16xf32>,
        %swap3A_438 = vector.shape_cast %swap3A_437 : vector<1x16xf32> to vector<16xf32>
        %swap3A_439 = vector.shape_cast %mul3A_434 : vector<16xf32> to vector<1x16xf32>
        tpu.vector_store %arg10[%swap3A_435, %swap3A_436], %swap3A_439 {strides = array<i32>} : memref<128x64xf32, #tpu.memory_space<vmem>>, vector<1x16xf32>,
        %get3A_440 = arith.index_cast %add3A_403 : i32 to index
        %get3A_441 = arith.constant 48 : index
        %get3A_442 = tpu.vector_load %arg10[%get3A_440, %get3A_441] {strides = array<i32>} : memref<128x64xf32, #tpu.memory_space<vmem>>, vector<1x16xf32>,
        %get3A_443 = vector.shape_cast %get3A_442 : vector<1x16xf32> to vector<16xf32>
        %mul3A_444 = arith.constant 8.000000e+00 : f32
        %mul3A_445 = vector.broadcast %mul3A_444 : f32 to vector<16xf32>
        %mul3A_446 = arith.mulf %get3A_443, %mul3A_445 : vector<16xf32>
        %swap3A_447 = arith.index_cast %add3A_403 : i32 to index
        %swap3A_448 = arith.constant 48 : index
        %swap3A_449 = tpu.vector_load %arg10[%swap3A_447, %swap3A_448] {strides = array<i32>} : memref<128x64xf32, #tpu.memory_space<vmem>>, vector<1x16xf32>,
        %swap3A_450 = vector.shape_cast %swap3A_449 : vector<1x16xf32> to vector<16xf32>
        %swap3A_451 = vector.shape_cast %mul3A_446 : vector<16xf32> to vector<1x16xf32>
        tpu.vector_store %arg10[%swap3A_447, %swap3A_448], %swap3A_451 {strides = array<i32>} : memref<128x64xf32, #tpu.memory_space<vmem>>, vector<1x16xf32>,
        %mul3A_452 = arith.constant 4 : i32
        %mul3A_453 = arith.muli %scan3A_297, %mul3A_452 : i32
        %add3A_454 = arith.constant 3 : i32
        %add3A_455 = arith.addi %mul3A_453, %add3A_454 : i32
        %get3A_456 = arith.index_cast %add3A_455 : i32 to index
        %get3A_457 = arith.constant 0 : index
        %get3A_458 = tpu.vector_load %arg10[%get3A_456, %get3A_457] {strides = array<i32>} : memref<128x64xf32, #tpu.memory_space<vmem>>, vector<1x16xf32>,
        %get3A_459 = vector.shape_cast %get3A_458 : vector<1x16xf32> to vector<16xf32>
        %mul3A_460 = arith.constant 8.000000e+00 : f32
        %mul3A_461 = vector.broadcast %mul3A_460 : f32 to vector<16xf32>
        %mul3A_462 = arith.mulf %get3A_459, %mul3A_461 : vector<16xf32>
        %swap3A_463 = arith.index_cast %add3A_455 : i32 to index
        %swap3A_464 = arith.constant 0 : index
        %swap3A_465 = tpu.vector_load %arg10[%swap3A_463, %swap3A_464] {strides = array<i32>} : memref<128x64xf32, #tpu.memory_space<vmem>>, vector<1x16xf32>,
        %swap3A_466 = vector.shape_cast %swap3A_465 : vector<1x16xf32> to vector<16xf32>
        %swap3A_467 = vector.shape_cast %mul3A_462 : vector<16xf32> to vector<1x16xf32>
        tpu.vector_store %arg10[%swap3A_463, %swap3A_464], %swap3A_467 {strides = array<i32>} : memref<128x64xf32, #tpu.memory_space<vmem>>, vector<1x16xf32>,
        %get3A_468 = arith.index_cast %add3A_455 : i32 to index
        %get3A_469 = arith.constant 16 : index
        %get3A_470 = tpu.vector_load %arg10[%get3A_468, %get3A_469] {strides = array<i32>} : memref<128x64xf32, #tpu.memory_space<vmem>>, vector<1x16xf32>,
        %get3A_471 = vector.shape_cast %get3A_470 : vector<1x16xf32> to vector<16xf32>
        %mul3A_472 = arith.constant 8.000000e+00 : f32
        %mul3A_473 = vector.broadcast %mul3A_472 : f32 to vector<16xf32>
        %mul3A_474 = arith.mulf %get3A_471, %mul3A_473 : vector<16xf32>
        %swap3A_475 = arith.index_cast %add3A_455 : i32 to index
        %swap3A_476 = arith.constant 16 : index
        %swap3A_477 = tpu.vector_load %arg10[%swap3A_475, %swap3A_476] {strides = array<i32>} : memref<128x64xf32, #tpu.memory_space<vmem>>, vector<1x16xf32>,
        %swap3A_478 = vector.shape_cast %swap3A_477 : vector<1x16xf32> to vector<16xf32>
        %swap3A_479 = vector.shape_cast %mul3A_474 : vector<16xf32> to vector<1x16xf32>
        tpu.vector_store %arg10[%swap3A_475, %swap3A_476], %swap3A_479 {strides = array<i32>} : memref<128x64xf32, #tpu.memory_space<vmem>>, vector<1x16xf32>,
        %get3A_480 = arith.index_cast %add3A_455 : i32 to index
        %get3A_481 = arith.constant 32 : index
        %get3A_482 = tpu.vector_load %arg10[%get3A_480, %get3A_481] {strides = array<i32>} : memref<128x64xf32, #tpu.memory_space<vmem>>, vector<1x16xf32>,
        %get3A_483 = vector.shape_cast %get3A_482 : vector<1x16xf32> to vector<16xf32>
        %mul3A_484 = arith.constant 8.000000e+00 : f32
        %mul3A_485 = vector.broadcast %mul3A_484 : f32 to vector<16xf32>
        %mul3A_486 = arith.mulf %get3A_483, %mul3A_485 : vector<16xf32>
        %swap3A_487 = arith.index_cast %add3A_455 : i32 to index
        %swap3A_488 = arith.constant 32 : index
        %swap3A_489 = tpu.vector_load %arg10[%swap3A_487, %swap3A_488] {strides = array<i32>} : memref<128x64xf32, #tpu.memory_space<vmem>>, vector<1x16xf32>,
        %swap3A_490 = vector.shape_cast %swap3A_489 : vector<1x16xf32> to vector<16xf32>
        %swap3A_491 = vector.shape_cast %mul3A_486 : vector<16xf32> to vector<1x16xf32>
        tpu.vector_store %arg10[%swap3A_487, %swap3A_488], %swap3A_491 {strides = array<i32>} : memref<128x64xf32, #tpu.memory_space<vmem>>, vector<1x16xf32>,
        %get3A_492 = arith.index_cast %add3A_455 : i32 to index
        %get3A_493 = arith.constant 48 : index
        %get3A_494 = tpu.vector_load %arg10[%get3A_492, %get3A_493] {strides = array<i32>} : memref<128x64xf32, #tpu.memory_space<vmem>>, vector<1x16xf32>,
        %get3A_495 = vector.shape_cast %get3A_494 : vector<1x16xf32> to vector<16xf32>
        %mul3A_496 = arith.constant 8.000000e+00 : f32
        %mul3A_497 = vector.broadcast %mul3A_496 : f32 to vector<16xf32>
        %mul3A_498 = arith.mulf %get3A_495, %mul3A_497 : vector<16xf32>
        %swap3A_499 = arith.index_cast %add3A_455 : i32 to index
        %swap3A_500 = arith.constant 48 : index
        %swap3A_501 = tpu.vector_load %arg10[%swap3A_499, %swap3A_500] {strides = array<i32>} : memref<128x64xf32, #tpu.memory_space<vmem>>, vector<1x16xf32>,
        %swap3A_502 = vector.shape_cast %swap3A_501 : vector<1x16xf32> to vector<16xf32>
        %swap3A_503 = vector.shape_cast %mul3A_498 : vector<16xf32> to vector<1x16xf32>
        tpu.vector_store %arg10[%swap3A_499, %swap3A_500], %swap3A_503 {strides = array<i32>} : memref<128x64xf32, #tpu.memory_space<vmem>>, vector<1x16xf32>,
      }
      %scan3A_192 = arith.constant 32 : i32
      %mul3A_193 = arith.constant 128 : i32
      %mul3A_194 = arith.muli %add3A_180, %mul3A_193 : i32
      %add3A_195 = arith.addi %mul3A_2, %mul3A_194 : i32
      %dma_start3A_196 = arith.constant 0 : i32
      %dma_start3A_197 = tpu.memref_slice %arg4[%add3A_195, %dma_start3A_196] : memref<819200x64xf32, #tpu.memory_space<hbm>> -> memref<128x64xf32, #tpu.memory_space<hbm>>
      %dma_start3A_198 = arith.constant 0 : i32
      %dma_start3A_199 = tpu.memref_slice %arg4[%add3A_195, %dma_start3A_198] : memref<819200x64xf32, #tpu.memory_space<hbm>> -> memref<128x64xf32, #tpu.memory_space<hbm>>
      tpu.enqueue_dma source(%arg10 : memref<128x64xf32, #tpu.memory_space<vmem>>) target(%dma_start3A_199 : memref<128x64xf32, #tpu.memory_space<hbm>>) target_semaphore(%arg26 : memref<!tpu.dma_semaphore, #tpu.memory_space<semaphore_mem>>)
      %add3A_200 = arith.constant 3 : i32
      %add3A_201 = arith.addi %add3A_180, %add3A_200 : i32
      %lt3A_202 = arith.constant 200 : i32
      %lt3A_203 = arith.cmpi slt, %add3A_201, %lt3A_202 : i32
      %convert_element_type3A_204 = arith.extui %lt3A_203 : i1 to i32
      %cond3A_205 = arith.constant 0 : i32
      %cond3A_206 = arith.cmpi ne, %convert_element_type3A_204, %cond3A_205 : i32
      scf.if %cond3A_206 {
        %ge3A = arith.constant 8 : i32
        %ge3A_297 = arith.cmpi sge, %add3A_201, %ge3A : i32
        %convert_element_type3A_298 = arith.extui %ge3A_297 : i1 to i32
        %cond3A_299 = arith.constant 0 : i32
        %cond3A_300 = arith.cmpi ne, %convert_element_type3A_298, %cond3A_299 : i32
        scf.if %cond3A_300 {
          %dma_wait3A_307 = arith.constant 0 : i32
          %dma_wait3A_308 = tpu.memref_slice %arg4[%mul3A_2, %dma_wait3A_307] : memref<819200x64xf32, #tpu.memory_space<hbm>> -> memref<128x64xf32, #tpu.memory_space<hbm>>
          %dma_wait3A_309 = arith.constant 0 : i32
          %dma_wait3A_310 = tpu.memref_slice %arg4[%mul3A_2, %dma_wait3A_309] : memref<819200x64xf32, #tpu.memory_space<hbm>> -> memref<128x64xf32, #tpu.memory_space<hbm>>
          tpu.wait_dma2 semaphore(%arg29 : memref<!tpu.dma_semaphore, #tpu.memory_space<semaphore_mem>>) src(%arg13 : memref<128x64xf32, #tpu.memory_space<vmem>>) dst(%dma_wait3A_310 : memref<128x64xf32, #tpu.memory_space<hbm>>)
        } else {
        }
        %dma_start3A_301 = arith.constant 0 : i32
        %dma_start3A_302 = tpu.memref_slice %arg5[%add3A_201, %dma_start3A_301] : memref<200x128xi32, #tpu.memory_space<vmem>> -> memref<1x128xi32, #tpu.memory_space<vmem>>
        %dma_start3A_303 = tpu.memref_squeeze %dma_start3A_302 : memref<1x128xi32, #tpu.memory_space<vmem>> -> memref<128xi32, #tpu.memory_space<vmem>>
        %dma_start3A_304 = arith.constant 0 : i32
        %dma_start3A_305 = arith.constant 0 : i32
        %dma_start3A_306 = tpu.memref_slice %arg3[%dma_start3A_304, %dma_start3A_305] : memref<1000000x64xf32, #tpu.memory_space<hbm>> -> memref<1000000x64xf32, #tpu.memory_space<hbm>>
        tpu.enqueue_indirect_dma source(%dma_start3A_306 : memref<1000000x64xf32, #tpu.memory_space<hbm>>) target(%arg13 : memref<128x64xf32, #tpu.memory_space<vmem>>) offsets(%dma_start3A_303 : memref<128xi32, #tpu.memory_space<vmem>>) semaphore(%arg21 : memref<!tpu.dma_semaphore, #tpu.memory_space<semaphore_mem>>)
      } else {
      }
      %mul3A_207 = arith.constant 8 : i32
      %mul3A_208 = arith.muli %scan3A_59, %mul3A_207 : i32
      %add3A_209 = arith.constant 5 : i32
      %add3A_210 = arith.addi %mul3A_208, %add3A_209 : i32
      %dma_wait3A_211 = arith.constant 0 : i32
      %dma_wait3A_212 = tpu.memref_slice %arg5[%add3A_210, %dma_wait3A_211] : memref<200x128xi32, #tpu.memory_space<vmem>> -> memref<1x128xi32, #tpu.memory_space<vmem>>
      %dma_wait3A_213 = tpu.memref_squeeze %dma_wait3A_212 : memref<1x128xi32, #tpu.memory_space<vmem>> -> memref<128xi32, #tpu.memory_space<vmem>>
      %dma_wait3A_214 = arith.constant 0 : i32
      %dma_wait3A_215 = arith.constant 0 : i32
      %dma_wait3A_216 = tpu.memref_slice %arg3[%dma_wait3A_214, %dma_wait3A_215] : memref<1000000x64xf32, #tpu.memory_space<hbm>> -> memref<1000000x64xf32, #tpu.memory_space<hbm>>
      tpu.wait_indirect_dma semaphore(%arg19 : memref<!tpu.dma_semaphore, #tpu.memory_space<semaphore_mem>>) src(%dma_wait3A_216 : memref<1000000x64xf32, #tpu.memory_space<hbm>>) dst(%arg11 : memref<128x64xf32, #tpu.memory_space<vmem>>)
      %scan3A_217 = arith.constant 0 : i32
      %scan3A_218 = arith.constant 0 : i32
      %scan3A_219 = arith.constant 32 : i32
      %scan3A_220 = arith.addi %scan3A_218, %scan3A_219 : i32
      %scan3A_221 = arith.constant 1 : i32
      scf.for %scan3A_297 = %scan3A_218 to %scan3A_220 step %scan3A_221  : i32 {
        %mul3A_298 = arith.constant 4 : i32
        %mul3A_299 = arith.muli %scan3A_297, %mul3A_298 : i32
        %add3A_300 = arith.constant 0 : i32
        %add3A_301 = arith.addi %mul3A_299, %add3A_300 : i32
        %get3A = arith.index_cast %add3A_301 : i32 to index
        %get3A_302 = arith.constant 0 : index
        %get3A_303 = tpu.vector_load %arg11[%get3A, %get3A_302] {strides = array<i32>} : memref<128x64xf32, #tpu.memory_space<vmem>>, vector<1x16xf32>,
        %get3A_304 = vector.shape_cast %get3A_303 : vector<1x16xf32> to vector<16xf32>
        %mul3A_305 = arith.constant 8.000000e+00 : f32
        %mul3A_306 = vector.broadcast %mul3A_305 : f32 to vector<16xf32>
        %mul3A_307 = arith.mulf %get3A_304, %mul3A_306 : vector<16xf32>
        %swap3A = arith.index_cast %add3A_301 : i32 to index
        %swap3A_308 = arith.constant 0 : index
        %swap3A_309 = tpu.vector_load %arg11[%swap3A, %swap3A_308] {strides = array<i32>} : memref<128x64xf32, #tpu.memory_space<vmem>>, vector<1x16xf32>,
        %swap3A_310 = vector.shape_cast %swap3A_309 : vector<1x16xf32> to vector<16xf32>
        %swap3A_311 = vector.shape_cast %mul3A_307 : vector<16xf32> to vector<1x16xf32>
        tpu.vector_store %arg11[%swap3A, %swap3A_308], %swap3A_311 {strides = array<i32>} : memref<128x64xf32, #tpu.memory_space<vmem>>, vector<1x16xf32>,
        %get3A_312 = arith.index_cast %add3A_301 : i32 to index
        %get3A_313 = arith.constant 16 : index
        %get3A_314 = tpu.vector_load %arg11[%get3A_312, %get3A_313] {strides = array<i32>} : memref<128x64xf32, #tpu.memory_space<vmem>>, vector<1x16xf32>,
        %get3A_315 = vector.shape_cast %get3A_314 : vector<1x16xf32> to vector<16xf32>
        %mul3A_316 = arith.constant 8.000000e+00 : f32
        %mul3A_317 = vector.broadcast %mul3A_316 : f32 to vector<16xf32>
        %mul3A_318 = arith.mulf %get3A_315, %mul3A_317 : vector<16xf32>
        %swap3A_319 = arith.index_cast %add3A_301 : i32 to index
        %swap3A_320 = arith.constant 16 : index
        %swap3A_321 = tpu.vector_load %arg11[%swap3A_319, %swap3A_320] {strides = array<i32>} : memref<128x64xf32, #tpu.memory_space<vmem>>, vector<1x16xf32>,
        %swap3A_322 = vector.shape_cast %swap3A_321 : vector<1x16xf32> to vector<16xf32>
        %swap3A_323 = vector.shape_cast %mul3A_318 : vector<16xf32> to vector<1x16xf32>
        tpu.vector_store %arg11[%swap3A_319, %swap3A_320], %swap3A_323 {strides = array<i32>} : memref<128x64xf32, #tpu.memory_space<vmem>>, vector<1x16xf32>,
        %get3A_324 = arith.index_cast %add3A_301 : i32 to index
        %get3A_325 = arith.constant 32 : index
        %get3A_326 = tpu.vector_load %arg11[%get3A_324, %get3A_325] {strides = array<i32>} : memref<128x64xf32, #tpu.memory_space<vmem>>, vector<1x16xf32>,
        %get3A_327 = vector.shape_cast %get3A_326 : vector<1x16xf32> to vector<16xf32>
        %mul3A_328 = arith.constant 8.000000e+00 : f32
        %mul3A_329 = vector.broadcast %mul3A_328 : f32 to vector<16xf32>
        %mul3A_330 = arith.mulf %get3A_327, %mul3A_329 : vector<16xf32>
        %swap3A_331 = arith.index_cast %add3A_301 : i32 to index
        %swap3A_332 = arith.constant 32 : index
        %swap3A_333 = tpu.vector_load %arg11[%swap3A_331, %swap3A_332] {strides = array<i32>} : memref<128x64xf32, #tpu.memory_space<vmem>>, vector<1x16xf32>,
        %swap3A_334 = vector.shape_cast %swap3A_333 : vector<1x16xf32> to vector<16xf32>
        %swap3A_335 = vector.shape_cast %mul3A_330 : vector<16xf32> to vector<1x16xf32>
        tpu.vector_store %arg11[%swap3A_331, %swap3A_332], %swap3A_335 {strides = array<i32>} : memref<128x64xf32, #tpu.memory_space<vmem>>, vector<1x16xf32>,
        %get3A_336 = arith.index_cast %add3A_301 : i32 to index
        %get3A_337 = arith.constant 48 : index
        %get3A_338 = tpu.vector_load %arg11[%get3A_336, %get3A_337] {strides = array<i32>} : memref<128x64xf32, #tpu.memory_space<vmem>>, vector<1x16xf32>,
        %get3A_339 = vector.shape_cast %get3A_338 : vector<1x16xf32> to vector<16xf32>
        %mul3A_340 = arith.constant 8.000000e+00 : f32
        %mul3A_341 = vector.broadcast %mul3A_340 : f32 to vector<16xf32>
        %mul3A_342 = arith.mulf %get3A_339, %mul3A_341 : vector<16xf32>
        %swap3A_343 = arith.index_cast %add3A_301 : i32 to index
        %swap3A_344 = arith.constant 48 : index
        %swap3A_345 = tpu.vector_load %arg11[%swap3A_343, %swap3A_344] {strides = array<i32>} : memref<128x64xf32, #tpu.memory_space<vmem>>, vector<1x16xf32>,
        %swap3A_346 = vector.shape_cast %swap3A_345 : vector<1x16xf32> to vector<16xf32>
        %swap3A_347 = vector.shape_cast %mul3A_342 : vector<16xf32> to vector<1x16xf32>
        tpu.vector_store %arg11[%swap3A_343, %swap3A_344], %swap3A_347 {strides = array<i32>} : memref<128x64xf32, #tpu.memory_space<vmem>>, vector<1x16xf32>,
        %mul3A_348 = arith.constant 4 : i32
        %mul3A_349 = arith.muli %scan3A_297, %mul3A_348 : i32
        %add3A_350 = arith.constant 1 : i32
        %add3A_351 = arith.addi %mul3A_349, %add3A_350 : i32
        %get3A_352 = arith.index_cast %add3A_351 : i32 to index
        %get3A_353 = arith.constant 0 : index
        %get3A_354 = tpu.vector_load %arg11[%get3A_352, %get3A_353] {strides = array<i32>} : memref<128x64xf32, #tpu.memory_space<vmem>>, vector<1x16xf32>,
        %get3A_355 = vector.shape_cast %get3A_354 : vector<1x16xf32> to vector<16xf32>
        %mul3A_356 = arith.constant 8.000000e+00 : f32
        %mul3A_357 = vector.broadcast %mul3A_356 : f32 to vector<16xf32>
        %mul3A_358 = arith.mulf %get3A_355, %mul3A_357 : vector<16xf32>
        %swap3A_359 = arith.index_cast %add3A_351 : i32 to index
        %swap3A_360 = arith.constant 0 : index
        %swap3A_361 = tpu.vector_load %arg11[%swap3A_359, %swap3A_360] {strides = array<i32>} : memref<128x64xf32, #tpu.memory_space<vmem>>, vector<1x16xf32>,
        %swap3A_362 = vector.shape_cast %swap3A_361 : vector<1x16xf32> to vector<16xf32>
        %swap3A_363 = vector.shape_cast %mul3A_358 : vector<16xf32> to vector<1x16xf32>
        tpu.vector_store %arg11[%swap3A_359, %swap3A_360], %swap3A_363 {strides = array<i32>} : memref<128x64xf32, #tpu.memory_space<vmem>>, vector<1x16xf32>,
        %get3A_364 = arith.index_cast %add3A_351 : i32 to index
        %get3A_365 = arith.constant 16 : index
        %get3A_366 = tpu.vector_load %arg11[%get3A_364, %get3A_365] {strides = array<i32>} : memref<128x64xf32, #tpu.memory_space<vmem>>, vector<1x16xf32>,
        %get3A_367 = vector.shape_cast %get3A_366 : vector<1x16xf32> to vector<16xf32>
        %mul3A_368 = arith.constant 8.000000e+00 : f32
        %mul3A_369 = vector.broadcast %mul3A_368 : f32 to vector<16xf32>
        %mul3A_370 = arith.mulf %get3A_367, %mul3A_369 : vector<16xf32>
        %swap3A_371 = arith.index_cast %add3A_351 : i32 to index
        %swap3A_372 = arith.constant 16 : index
        %swap3A_373 = tpu.vector_load %arg11[%swap3A_371, %swap3A_372] {strides = array<i32>} : memref<128x64xf32, #tpu.memory_space<vmem>>, vector<1x16xf32>,
        %swap3A_374 = vector.shape_cast %swap3A_373 : vector<1x16xf32> to vector<16xf32>
        %swap3A_375 = vector.shape_cast %mul3A_370 : vector<16xf32> to vector<1x16xf32>
        tpu.vector_store %arg11[%swap3A_371, %swap3A_372], %swap3A_375 {strides = array<i32>} : memref<128x64xf32, #tpu.memory_space<vmem>>, vector<1x16xf32>,
        %get3A_376 = arith.index_cast %add3A_351 : i32 to index
        %get3A_377 = arith.constant 32 : index
        %get3A_378 = tpu.vector_load %arg11[%get3A_376, %get3A_377] {strides = array<i32>} : memref<128x64xf32, #tpu.memory_space<vmem>>, vector<1x16xf32>,
        %get3A_379 = vector.shape_cast %get3A_378 : vector<1x16xf32> to vector<16xf32>
        %mul3A_380 = arith.constant 8.000000e+00 : f32
        %mul3A_381 = vector.broadcast %mul3A_380 : f32 to vector<16xf32>
        %mul3A_382 = arith.mulf %get3A_379, %mul3A_381 : vector<16xf32>
        %swap3A_383 = arith.index_cast %add3A_351 : i32 to index
        %swap3A_384 = arith.constant 32 : index
        %swap3A_385 = tpu.vector_load %arg11[%swap3A_383, %swap3A_384] {strides = array<i32>} : memref<128x64xf32, #tpu.memory_space<vmem>>, vector<1x16xf32>,
        %swap3A_386 = vector.shape_cast %swap3A_385 : vector<1x16xf32> to vector<16xf32>
        %swap3A_387 = vector.shape_cast %mul3A_382 : vector<16xf32> to vector<1x16xf32>
        tpu.vector_store %arg11[%swap3A_383, %swap3A_384], %swap3A_387 {strides = array<i32>} : memref<128x64xf32, #tpu.memory_space<vmem>>, vector<1x16xf32>,
        %get3A_388 = arith.index_cast %add3A_351 : i32 to index
        %get3A_389 = arith.constant 48 : index
        %get3A_390 = tpu.vector_load %arg11[%get3A_388, %get3A_389] {strides = array<i32>} : memref<128x64xf32, #tpu.memory_space<vmem>>, vector<1x16xf32>,
        %get3A_391 = vector.shape_cast %get3A_390 : vector<1x16xf32> to vector<16xf32>
        %mul3A_392 = arith.constant 8.000000e+00 : f32
        %mul3A_393 = vector.broadcast %mul3A_392 : f32 to vector<16xf32>
        %mul3A_394 = arith.mulf %get3A_391, %mul3A_393 : vector<16xf32>
        %swap3A_395 = arith.index_cast %add3A_351 : i32 to index
        %swap3A_396 = arith.constant 48 : index
        %swap3A_397 = tpu.vector_load %arg11[%swap3A_395, %swap3A_396] {strides = array<i32>} : memref<128x64xf32, #tpu.memory_space<vmem>>, vector<1x16xf32>,
        %swap3A_398 = vector.shape_cast %swap3A_397 : vector<1x16xf32> to vector<16xf32>
        %swap3A_399 = vector.shape_cast %mul3A_394 : vector<16xf32> to vector<1x16xf32>
        tpu.vector_store %arg11[%swap3A_395, %swap3A_396], %swap3A_399 {strides = array<i32>} : memref<128x64xf32, #tpu.memory_space<vmem>>, vector<1x16xf32>,
        %mul3A_400 = arith.constant 4 : i32
        %mul3A_401 = arith.muli %scan3A_297, %mul3A_400 : i32
        %add3A_402 = arith.constant 2 : i32
        %add3A_403 = arith.addi %mul3A_401, %add3A_402 : i32
        %get3A_404 = arith.index_cast %add3A_403 : i32 to index
        %get3A_405 = arith.constant 0 : index
        %get3A_406 = tpu.vector_load %arg11[%get3A_404, %get3A_405] {strides = array<i32>} : memref<128x64xf32, #tpu.memory_space<vmem>>, vector<1x16xf32>,
        %get3A_407 = vector.shape_cast %get3A_406 : vector<1x16xf32> to vector<16xf32>
        %mul3A_408 = arith.constant 8.000000e+00 : f32
        %mul3A_409 = vector.broadcast %mul3A_408 : f32 to vector<16xf32>
        %mul3A_410 = arith.mulf %get3A_407, %mul3A_409 : vector<16xf32>
        %swap3A_411 = arith.index_cast %add3A_403 : i32 to index
        %swap3A_412 = arith.constant 0 : index
        %swap3A_413 = tpu.vector_load %arg11[%swap3A_411, %swap3A_412] {strides = array<i32>} : memref<128x64xf32, #tpu.memory_space<vmem>>, vector<1x16xf32>,
        %swap3A_414 = vector.shape_cast %swap3A_413 : vector<1x16xf32> to vector<16xf32>
        %swap3A_415 = vector.shape_cast %mul3A_410 : vector<16xf32> to vector<1x16xf32>
        tpu.vector_store %arg11[%swap3A_411, %swap3A_412], %swap3A_415 {strides = array<i32>} : memref<128x64xf32, #tpu.memory_space<vmem>>, vector<1x16xf32>,
        %get3A_416 = arith.index_cast %add3A_403 : i32 to index
        %get3A_417 = arith.constant 16 : index
        %get3A_418 = tpu.vector_load %arg11[%get3A_416, %get3A_417] {strides = array<i32>} : memref<128x64xf32, #tpu.memory_space<vmem>>, vector<1x16xf32>,
        %get3A_419 = vector.shape_cast %get3A_418 : vector<1x16xf32> to vector<16xf32>
        %mul3A_420 = arith.constant 8.000000e+00 : f32
        %mul3A_421 = vector.broadcast %mul3A_420 : f32 to vector<16xf32>
        %mul3A_422 = arith.mulf %get3A_419, %mul3A_421 : vector<16xf32>
        %swap3A_423 = arith.index_cast %add3A_403 : i32 to index
        %swap3A_424 = arith.constant 16 : index
        %swap3A_425 = tpu.vector_load %arg11[%swap3A_423, %swap3A_424] {strides = array<i32>} : memref<128x64xf32, #tpu.memory_space<vmem>>, vector<1x16xf32>,
        %swap3A_426 = vector.shape_cast %swap3A_425 : vector<1x16xf32> to vector<16xf32>
        %swap3A_427 = vector.shape_cast %mul3A_422 : vector<16xf32> to vector<1x16xf32>
        tpu.vector_store %arg11[%swap3A_423, %swap3A_424], %swap3A_427 {strides = array<i32>} : memref<128x64xf32, #tpu.memory_space<vmem>>, vector<1x16xf32>,
        %get3A_428 = arith.index_cast %add3A_403 : i32 to index
        %get3A_429 = arith.constant 32 : index
        %get3A_430 = tpu.vector_load %arg11[%get3A_428, %get3A_429] {strides = array<i32>} : memref<128x64xf32, #tpu.memory_space<vmem>>, vector<1x16xf32>,
        %get3A_431 = vector.shape_cast %get3A_430 : vector<1x16xf32> to vector<16xf32>
        %mul3A_432 = arith.constant 8.000000e+00 : f32
        %mul3A_433 = vector.broadcast %mul3A_432 : f32 to vector<16xf32>
        %mul3A_434 = arith.mulf %get3A_431, %mul3A_433 : vector<16xf32>
        %swap3A_435 = arith.index_cast %add3A_403 : i32 to index
        %swap3A_436 = arith.constant 32 : index
        %swap3A_437 = tpu.vector_load %arg11[%swap3A_435, %swap3A_436] {strides = array<i32>} : memref<128x64xf32, #tpu.memory_space<vmem>>, vector<1x16xf32>,
        %swap3A_438 = vector.shape_cast %swap3A_437 : vector<1x16xf32> to vector<16xf32>
        %swap3A_439 = vector.shape_cast %mul3A_434 : vector<16xf32> to vector<1x16xf32>
        tpu.vector_store %arg11[%swap3A_435, %swap3A_436], %swap3A_439 {strides = array<i32>} : memref<128x64xf32, #tpu.memory_space<vmem>>, vector<1x16xf32>,
        %get3A_440 = arith.index_cast %add3A_403 : i32 to index
        %get3A_441 = arith.constant 48 : index
        %get3A_442 = tpu.vector_load %arg11[%get3A_440, %get3A_441] {strides = array<i32>} : memref<128x64xf32, #tpu.memory_space<vmem>>, vector<1x16xf32>,
        %get3A_443 = vector.shape_cast %get3A_442 : vector<1x16xf32> to vector<16xf32>
        %mul3A_444 = arith.constant 8.000000e+00 : f32
        %mul3A_445 = vector.broadcast %mul3A_444 : f32 to vector<16xf32>
        %mul3A_446 = arith.mulf %get3A_443, %mul3A_445 : vector<16xf32>
        %swap3A_447 = arith.index_cast %add3A_403 : i32 to index
        %swap3A_448 = arith.constant 48 : index
        %swap3A_449 = tpu.vector_load %arg11[%swap3A_447, %swap3A_448] {strides = array<i32>} : memref<128x64xf32, #tpu.memory_space<vmem>>, vector<1x16xf32>,
        %swap3A_450 = vector.shape_cast %swap3A_449 : vector<1x16xf32> to vector<16xf32>
        %swap3A_451 = vector.shape_cast %mul3A_446 : vector<16xf32> to vector<1x16xf32>
        tpu.vector_store %arg11[%swap3A_447, %swap3A_448], %swap3A_451 {strides = array<i32>} : memref<128x64xf32, #tpu.memory_space<vmem>>, vector<1x16xf32>,
        %mul3A_452 = arith.constant 4 : i32
        %mul3A_453 = arith.muli %scan3A_297, %mul3A_452 : i32
        %add3A_454 = arith.constant 3 : i32
        %add3A_455 = arith.addi %mul3A_453, %add3A_454 : i32
        %get3A_456 = arith.index_cast %add3A_455 : i32 to index
        %get3A_457 = arith.constant 0 : index
        %get3A_458 = tpu.vector_load %arg11[%get3A_456, %get3A_457] {strides = array<i32>} : memref<128x64xf32, #tpu.memory_space<vmem>>, vector<1x16xf32>,
        %get3A_459 = vector.shape_cast %get3A_458 : vector<1x16xf32> to vector<16xf32>
        %mul3A_460 = arith.constant 8.000000e+00 : f32
        %mul3A_461 = vector.broadcast %mul3A_460 : f32 to vector<16xf32>
        %mul3A_462 = arith.mulf %get3A_459, %mul3A_461 : vector<16xf32>
        %swap3A_463 = arith.index_cast %add3A_455 : i32 to index
        %swap3A_464 = arith.constant 0 : index
        %swap3A_465 = tpu.vector_load %arg11[%swap3A_463, %swap3A_464] {strides = array<i32>} : memref<128x64xf32, #tpu.memory_space<vmem>>, vector<1x16xf32>,
        %swap3A_466 = vector.shape_cast %swap3A_465 : vector<1x16xf32> to vector<16xf32>
        %swap3A_467 = vector.shape_cast %mul3A_462 : vector<16xf32> to vector<1x16xf32>
        tpu.vector_store %arg11[%swap3A_463, %swap3A_464], %swap3A_467 {strides = array<i32>} : memref<128x64xf32, #tpu.memory_space<vmem>>, vector<1x16xf32>,
        %get3A_468 = arith.index_cast %add3A_455 : i32 to index
        %get3A_469 = arith.constant 16 : index
        %get3A_470 = tpu.vector_load %arg11[%get3A_468, %get3A_469] {strides = array<i32>} : memref<128x64xf32, #tpu.memory_space<vmem>>, vector<1x16xf32>,
        %get3A_471 = vector.shape_cast %get3A_470 : vector<1x16xf32> to vector<16xf32>
        %mul3A_472 = arith.constant 8.000000e+00 : f32
        %mul3A_473 = vector.broadcast %mul3A_472 : f32 to vector<16xf32>
        %mul3A_474 = arith.mulf %get3A_471, %mul3A_473 : vector<16xf32>
        %swap3A_475 = arith.index_cast %add3A_455 : i32 to index
        %swap3A_476 = arith.constant 16 : index
        %swap3A_477 = tpu.vector_load %arg11[%swap3A_475, %swap3A_476] {strides = array<i32>} : memref<128x64xf32, #tpu.memory_space<vmem>>, vector<1x16xf32>,
        %swap3A_478 = vector.shape_cast %swap3A_477 : vector<1x16xf32> to vector<16xf32>
        %swap3A_479 = vector.shape_cast %mul3A_474 : vector<16xf32> to vector<1x16xf32>
        tpu.vector_store %arg11[%swap3A_475, %swap3A_476], %swap3A_479 {strides = array<i32>} : memref<128x64xf32, #tpu.memory_space<vmem>>, vector<1x16xf32>,
        %get3A_480 = arith.index_cast %add3A_455 : i32 to index
        %get3A_481 = arith.constant 32 : index
        %get3A_482 = tpu.vector_load %arg11[%get3A_480, %get3A_481] {strides = array<i32>} : memref<128x64xf32, #tpu.memory_space<vmem>>, vector<1x16xf32>,
        %get3A_483 = vector.shape_cast %get3A_482 : vector<1x16xf32> to vector<16xf32>
        %mul3A_484 = arith.constant 8.000000e+00 : f32
        %mul3A_485 = vector.broadcast %mul3A_484 : f32 to vector<16xf32>
        %mul3A_486 = arith.mulf %get3A_483, %mul3A_485 : vector<16xf32>
        %swap3A_487 = arith.index_cast %add3A_455 : i32 to index
        %swap3A_488 = arith.constant 32 : index
        %swap3A_489 = tpu.vector_load %arg11[%swap3A_487, %swap3A_488] {strides = array<i32>} : memref<128x64xf32, #tpu.memory_space<vmem>>, vector<1x16xf32>,
        %swap3A_490 = vector.shape_cast %swap3A_489 : vector<1x16xf32> to vector<16xf32>
        %swap3A_491 = vector.shape_cast %mul3A_486 : vector<16xf32> to vector<1x16xf32>
        tpu.vector_store %arg11[%swap3A_487, %swap3A_488], %swap3A_491 {strides = array<i32>} : memref<128x64xf32, #tpu.memory_space<vmem>>, vector<1x16xf32>,
        %get3A_492 = arith.index_cast %add3A_455 : i32 to index
        %get3A_493 = arith.constant 48 : index
        %get3A_494 = tpu.vector_load %arg11[%get3A_492, %get3A_493] {strides = array<i32>} : memref<128x64xf32, #tpu.memory_space<vmem>>, vector<1x16xf32>,
        %get3A_495 = vector.shape_cast %get3A_494 : vector<1x16xf32> to vector<16xf32>
        %mul3A_496 = arith.constant 8.000000e+00 : f32
        %mul3A_497 = vector.broadcast %mul3A_496 : f32 to vector<16xf32>
        %mul3A_498 = arith.mulf %get3A_495, %mul3A_497 : vector<16xf32>
        %swap3A_499 = arith.index_cast %add3A_455 : i32 to index
        %swap3A_500 = arith.constant 48 : index
        %swap3A_501 = tpu.vector_load %arg11[%swap3A_499, %swap3A_500] {strides = array<i32>} : memref<128x64xf32, #tpu.memory_space<vmem>>, vector<1x16xf32>,
        %swap3A_502 = vector.shape_cast %swap3A_501 : vector<1x16xf32> to vector<16xf32>
        %swap3A_503 = vector.shape_cast %mul3A_498 : vector<16xf32> to vector<1x16xf32>
        tpu.vector_store %arg11[%swap3A_499, %swap3A_500], %swap3A_503 {strides = array<i32>} : memref<128x64xf32, #tpu.memory_space<vmem>>, vector<1x16xf32>,
      }
      %scan3A_222 = arith.constant 32 : i32
      %mul3A_223 = arith.constant 128 : i32
      %mul3A_224 = arith.muli %add3A_210, %mul3A_223 : i32
      %add3A_225 = arith.addi %mul3A_2, %mul3A_224 : i32
      %dma_start3A_226 = arith.constant 0 : i32
      %dma_start3A_227 = tpu.memref_slice %arg4[%add3A_225, %dma_start3A_226] : memref<819200x64xf32, #tpu.memory_space<hbm>> -> memref<128x64xf32, #tpu.memory_space<hbm>>
      %dma_start3A_228 = arith.constant 0 : i32
      %dma_start3A_229 = tpu.memref_slice %arg4[%add3A_225, %dma_start3A_228] : memref<819200x64xf32, #tpu.memory_space<hbm>> -> memref<128x64xf32, #tpu.memory_space<hbm>>
      tpu.enqueue_dma source(%arg11 : memref<128x64xf32, #tpu.memory_space<vmem>>) target(%dma_start3A_229 : memref<128x64xf32, #tpu.memory_space<hbm>>) target_semaphore(%arg27 : memref<!tpu.dma_semaphore, #tpu.memory_space<semaphore_mem>>)
      %add3A_230 = arith.constant 3 : i32
      %add3A_231 = arith.addi %add3A_210, %add3A_230 : i32
      %lt3A_232 = arith.constant 200 : i32
      %lt3A_233 = arith.cmpi slt, %add3A_231, %lt3A_232 : i32
      %convert_element_type3A_234 = arith.extui %lt3A_233 : i1 to i32
      %cond3A_235 = arith.constant 0 : i32
      %cond3A_236 = arith.cmpi ne, %convert_element_type3A_234, %cond3A_235 : i32
      scf.if %cond3A_236 {
        %ge3A = arith.constant 8 : i32
        %ge3A_297 = arith.cmpi sge, %add3A_231, %ge3A : i32
        %convert_element_type3A_298 = arith.extui %ge3A_297 : i1 to i32
        %cond3A_299 = arith.constant 0 : i32
        %cond3A_300 = arith.cmpi ne, %convert_element_type3A_298, %cond3A_299 : i32
        scf.if %cond3A_300 {
          %dma_wait3A_307 = arith.constant 0 : i32
          %dma_wait3A_308 = tpu.memref_slice %arg4[%mul3A_2, %dma_wait3A_307] : memref<819200x64xf32, #tpu.memory_space<hbm>> -> memref<128x64xf32, #tpu.memory_space<hbm>>
          %dma_wait3A_309 = arith.constant 0 : i32
          %dma_wait3A_310 = tpu.memref_slice %arg4[%mul3A_2, %dma_wait3A_309] : memref<819200x64xf32, #tpu.memory_space<hbm>> -> memref<128x64xf32, #tpu.memory_space<hbm>>
          tpu.wait_dma2 semaphore(%arg22 : memref<!tpu.dma_semaphore, #tpu.memory_space<semaphore_mem>>) src(%arg6 : memref<128x64xf32, #tpu.memory_space<vmem>>) dst(%dma_wait3A_310 : memref<128x64xf32, #tpu.memory_space<hbm>>)
        } else {
        }
        %dma_start3A_301 = arith.constant 0 : i32
        %dma_start3A_302 = tpu.memref_slice %arg5[%add3A_231, %dma_start3A_301] : memref<200x128xi32, #tpu.memory_space<vmem>> -> memref<1x128xi32, #tpu.memory_space<vmem>>
        %dma_start3A_303 = tpu.memref_squeeze %dma_start3A_302 : memref<1x128xi32, #tpu.memory_space<vmem>> -> memref<128xi32, #tpu.memory_space<vmem>>
        %dma_start3A_304 = arith.constant 0 : i32
        %dma_start3A_305 = arith.constant 0 : i32
        %dma_start3A_306 = tpu.memref_slice %arg3[%dma_start3A_304, %dma_start3A_305] : memref<1000000x64xf32, #tpu.memory_space<hbm>> -> memref<1000000x64xf32, #tpu.memory_space<hbm>>
        tpu.enqueue_indirect_dma source(%dma_start3A_306 : memref<1000000x64xf32, #tpu.memory_space<hbm>>) target(%arg6 : memref<128x64xf32, #tpu.memory_space<vmem>>) offsets(%dma_start3A_303 : memref<128xi32, #tpu.memory_space<vmem>>) semaphore(%arg14 : memref<!tpu.dma_semaphore, #tpu.memory_space<semaphore_mem>>)
      } else {
      }
      %mul3A_237 = arith.constant 8 : i32
      %mul3A_238 = arith.muli %scan3A_59, %mul3A_237 : i32
      %add3A_239 = arith.constant 6 : i32
      %add3A_240 = arith.addi %mul3A_238, %add3A_239 : i32
      %dma_wait3A_241 = arith.constant 0 : i32
      %dma_wait3A_242 = tpu.memref_slice %arg5[%add3A_240, %dma_wait3A_241] : memref<200x128xi32, #tpu.memory_space<vmem>> -> memref<1x128xi32, #tpu.memory_space<vmem>>
      %dma_wait3A_243 = tpu.memref_squeeze %dma_wait3A_242 : memref<1x128xi32, #tpu.memory_space<vmem>> -> memref<128xi32, #tpu.memory_space<vmem>>
      %dma_wait3A_244 = arith.constant 0 : i32
      %dma_wait3A_245 = arith.constant 0 : i32
      %dma_wait3A_246 = tpu.memref_slice %arg3[%dma_wait3A_244, %dma_wait3A_245] : memref<1000000x64xf32, #tpu.memory_space<hbm>> -> memref<1000000x64xf32, #tpu.memory_space<hbm>>
      tpu.wait_indirect_dma semaphore(%arg20 : memref<!tpu.dma_semaphore, #tpu.memory_space<semaphore_mem>>) src(%dma_wait3A_246 : memref<1000000x64xf32, #tpu.memory_space<hbm>>) dst(%arg12 : memref<128x64xf32, #tpu.memory_space<vmem>>)
      %scan3A_247 = arith.constant 0 : i32
      %scan3A_248 = arith.constant 0 : i32
      %scan3A_249 = arith.constant 32 : i32
      %scan3A_250 = arith.addi %scan3A_248, %scan3A_249 : i32
      %scan3A_251 = arith.constant 1 : i32
      scf.for %scan3A_297 = %scan3A_248 to %scan3A_250 step %scan3A_251  : i32 {
        %mul3A_298 = arith.constant 4 : i32
        %mul3A_299 = arith.muli %scan3A_297, %mul3A_298 : i32
        %add3A_300 = arith.constant 0 : i32
        %add3A_301 = arith.addi %mul3A_299, %add3A_300 : i32
        %get3A = arith.index_cast %add3A_301 : i32 to index
        %get3A_302 = arith.constant 0 : index
        %get3A_303 = tpu.vector_load %arg12[%get3A, %get3A_302] {strides = array<i32>} : memref<128x64xf32, #tpu.memory_space<vmem>>, vector<1x16xf32>,
        %get3A_304 = vector.shape_cast %get3A_303 : vector<1x16xf32> to vector<16xf32>
        %mul3A_305 = arith.constant 8.000000e+00 : f32
        %mul3A_306 = vector.broadcast %mul3A_305 : f32 to vector<16xf32>
        %mul3A_307 = arith.mulf %get3A_304, %mul3A_306 : vector<16xf32>
        %swap3A = arith.index_cast %add3A_301 : i32 to index
        %swap3A_308 = arith.constant 0 : index
        %swap3A_309 = tpu.vector_load %arg12[%swap3A, %swap3A_308] {strides = array<i32>} : memref<128x64xf32, #tpu.memory_space<vmem>>, vector<1x16xf32>,
        %swap3A_310 = vector.shape_cast %swap3A_309 : vector<1x16xf32> to vector<16xf32>
        %swap3A_311 = vector.shape_cast %mul3A_307 : vector<16xf32> to vector<1x16xf32>
        tpu.vector_store %arg12[%swap3A, %swap3A_308], %swap3A_311 {strides = array<i32>} : memref<128x64xf32, #tpu.memory_space<vmem>>, vector<1x16xf32>,
        %get3A_312 = arith.index_cast %add3A_301 : i32 to index
        %get3A_313 = arith.constant 16 : index
        %get3A_314 = tpu.vector_load %arg12[%get3A_312, %get3A_313] {strides = array<i32>} : memref<128x64xf32, #tpu.memory_space<vmem>>, vector<1x16xf32>,
        %get3A_315 = vector.shape_cast %get3A_314 : vector<1x16xf32> to vector<16xf32>
        %mul3A_316 = arith.constant 8.000000e+00 : f32
        %mul3A_317 = vector.broadcast %mul3A_316 : f32 to vector<16xf32>
        %mul3A_318 = arith.mulf %get3A_315, %mul3A_317 : vector<16xf32>
        %swap3A_319 = arith.index_cast %add3A_301 : i32 to index
        %swap3A_320 = arith.constant 16 : index
        %swap3A_321 = tpu.vector_load %arg12[%swap3A_319, %swap3A_320] {strides = array<i32>} : memref<128x64xf32, #tpu.memory_space<vmem>>, vector<1x16xf32>,
        %swap3A_322 = vector.shape_cast %swap3A_321 : vector<1x16xf32> to vector<16xf32>
        %swap3A_323 = vector.shape_cast %mul3A_318 : vector<16xf32> to vector<1x16xf32>
        tpu.vector_store %arg12[%swap3A_319, %swap3A_320], %swap3A_323 {strides = array<i32>} : memref<128x64xf32, #tpu.memory_space<vmem>>, vector<1x16xf32>,
        %get3A_324 = arith.index_cast %add3A_301 : i32 to index
        %get3A_325 = arith.constant 32 : index
        %get3A_326 = tpu.vector_load %arg12[%get3A_324, %get3A_325] {strides = array<i32>} : memref<128x64xf32, #tpu.memory_space<vmem>>, vector<1x16xf32>,
        %get3A_327 = vector.shape_cast %get3A_326 : vector<1x16xf32> to vector<16xf32>
        %mul3A_328 = arith.constant 8.000000e+00 : f32
        %mul3A_329 = vector.broadcast %mul3A_328 : f32 to vector<16xf32>
        %mul3A_330 = arith.mulf %get3A_327, %mul3A_329 : vector<16xf32>
        %swap3A_331 = arith.index_cast %add3A_301 : i32 to index
        %swap3A_332 = arith.constant 32 : index
        %swap3A_333 = tpu.vector_load %arg12[%swap3A_331, %swap3A_332] {strides = array<i32>} : memref<128x64xf32, #tpu.memory_space<vmem>>, vector<1x16xf32>,
        %swap3A_334 = vector.shape_cast %swap3A_333 : vector<1x16xf32> to vector<16xf32>
        %swap3A_335 = vector.shape_cast %mul3A_330 : vector<16xf32> to vector<1x16xf32>
        tpu.vector_store %arg12[%swap3A_331, %swap3A_332], %swap3A_335 {strides = array<i32>} : memref<128x64xf32, #tpu.memory_space<vmem>>, vector<1x16xf32>,
        %get3A_336 = arith.index_cast %add3A_301 : i32 to index
        %get3A_337 = arith.constant 48 : index
        %get3A_338 = tpu.vector_load %arg12[%get3A_336, %get3A_337] {strides = array<i32>} : memref<128x64xf32, #tpu.memory_space<vmem>>, vector<1x16xf32>,
        %get3A_339 = vector.shape_cast %get3A_338 : vector<1x16xf32> to vector<16xf32>
        %mul3A_340 = arith.constant 8.000000e+00 : f32
        %mul3A_341 = vector.broadcast %mul3A_340 : f32 to vector<16xf32>
        %mul3A_342 = arith.mulf %get3A_339, %mul3A_341 : vector<16xf32>
        %swap3A_343 = arith.index_cast %add3A_301 : i32 to index
        %swap3A_344 = arith.constant 48 : index
        %swap3A_345 = tpu.vector_load %arg12[%swap3A_343, %swap3A_344] {strides = array<i32>} : memref<128x64xf32, #tpu.memory_space<vmem>>, vector<1x16xf32>,
        %swap3A_346 = vector.shape_cast %swap3A_345 : vector<1x16xf32> to vector<16xf32>
        %swap3A_347 = vector.shape_cast %mul3A_342 : vector<16xf32> to vector<1x16xf32>
        tpu.vector_store %arg12[%swap3A_343, %swap3A_344], %swap3A_347 {strides = array<i32>} : memref<128x64xf32, #tpu.memory_space<vmem>>, vector<1x16xf32>,
        %mul3A_348 = arith.constant 4 : i32
        %mul3A_349 = arith.muli %scan3A_297, %mul3A_348 : i32
        %add3A_350 = arith.constant 1 : i32
        %add3A_351 = arith.addi %mul3A_349, %add3A_350 : i32
        %get3A_352 = arith.index_cast %add3A_351 : i32 to index
        %get3A_353 = arith.constant 0 : index
        %get3A_354 = tpu.vector_load %arg12[%get3A_352, %get3A_353] {strides = array<i32>} : memref<128x64xf32, #tpu.memory_space<vmem>>, vector<1x16xf32>,
        %get3A_355 = vector.shape_cast %get3A_354 : vector<1x16xf32> to vector<16xf32>
        %mul3A_356 = arith.constant 8.000000e+00 : f32
        %mul3A_357 = vector.broadcast %mul3A_356 : f32 to vector<16xf32>
        %mul3A_358 = arith.mulf %get3A_355, %mul3A_357 : vector<16xf32>
        %swap3A_359 = arith.index_cast %add3A_351 : i32 to index
        %swap3A_360 = arith.constant 0 : index
        %swap3A_361 = tpu.vector_load %arg12[%swap3A_359, %swap3A_360] {strides = array<i32>} : memref<128x64xf32, #tpu.memory_space<vmem>>, vector<1x16xf32>,
        %swap3A_362 = vector.shape_cast %swap3A_361 : vector<1x16xf32> to vector<16xf32>
        %swap3A_363 = vector.shape_cast %mul3A_358 : vector<16xf32> to vector<1x16xf32>
        tpu.vector_store %arg12[%swap3A_359, %swap3A_360], %swap3A_363 {strides = array<i32>} : memref<128x64xf32, #tpu.memory_space<vmem>>, vector<1x16xf32>,
        %get3A_364 = arith.index_cast %add3A_351 : i32 to index
        %get3A_365 = arith.constant 16 : index
        %get3A_366 = tpu.vector_load %arg12[%get3A_364, %get3A_365] {strides = array<i32>} : memref<128x64xf32, #tpu.memory_space<vmem>>, vector<1x16xf32>,
        %get3A_367 = vector.shape_cast %get3A_366 : vector<1x16xf32> to vector<16xf32>
        %mul3A_368 = arith.constant 8.000000e+00 : f32
        %mul3A_369 = vector.broadcast %mul3A_368 : f32 to vector<16xf32>
        %mul3A_370 = arith.mulf %get3A_367, %mul3A_369 : vector<16xf32>
        %swap3A_371 = arith.index_cast %add3A_351 : i32 to index
        %swap3A_372 = arith.constant 16 : index
        %swap3A_373 = tpu.vector_load %arg12[%swap3A_371, %swap3A_372] {strides = array<i32>} : memref<128x64xf32, #tpu.memory_space<vmem>>, vector<1x16xf32>,
        %swap3A_374 = vector.shape_cast %swap3A_373 : vector<1x16xf32> to vector<16xf32>
        %swap3A_375 = vector.shape_cast %mul3A_370 : vector<16xf32> to vector<1x16xf32>
        tpu.vector_store %arg12[%swap3A_371, %swap3A_372], %swap3A_375 {strides = array<i32>} : memref<128x64xf32, #tpu.memory_space<vmem>>, vector<1x16xf32>,
        %get3A_376 = arith.index_cast %add3A_351 : i32 to index
        %get3A_377 = arith.constant 32 : index
        %get3A_378 = tpu.vector_load %arg12[%get3A_376, %get3A_377] {strides = array<i32>} : memref<128x64xf32, #tpu.memory_space<vmem>>, vector<1x16xf32>,
        %get3A_379 = vector.shape_cast %get3A_378 : vector<1x16xf32> to vector<16xf32>
        %mul3A_380 = arith.constant 8.000000e+00 : f32
        %mul3A_381 = vector.broadcast %mul3A_380 : f32 to vector<16xf32>
        %mul3A_382 = arith.mulf %get3A_379, %mul3A_381 : vector<16xf32>
        %swap3A_383 = arith.index_cast %add3A_351 : i32 to index
        %swap3A_384 = arith.constant 32 : index
        %swap3A_385 = tpu.vector_load %arg12[%swap3A_383, %swap3A_384] {strides = array<i32>} : memref<128x64xf32, #tpu.memory_space<vmem>>, vector<1x16xf32>,
        %swap3A_386 = vector.shape_cast %swap3A_385 : vector<1x16xf32> to vector<16xf32>
        %swap3A_387 = vector.shape_cast %mul3A_382 : vector<16xf32> to vector<1x16xf32>
        tpu.vector_store %arg12[%swap3A_383, %swap3A_384], %swap3A_387 {strides = array<i32>} : memref<128x64xf32, #tpu.memory_space<vmem>>, vector<1x16xf32>,
        %get3A_388 = arith.index_cast %add3A_351 : i32 to index
        %get3A_389 = arith.constant 48 : index
        %get3A_390 = tpu.vector_load %arg12[%get3A_388, %get3A_389] {strides = array<i32>} : memref<128x64xf32, #tpu.memory_space<vmem>>, vector<1x16xf32>,
        %get3A_391 = vector.shape_cast %get3A_390 : vector<1x16xf32> to vector<16xf32>
        %mul3A_392 = arith.constant 8.000000e+00 : f32
        %mul3A_393 = vector.broadcast %mul3A_392 : f32 to vector<16xf32>
        %mul3A_394 = arith.mulf %get3A_391, %mul3A_393 : vector<16xf32>
        %swap3A_395 = arith.index_cast %add3A_351 : i32 to index
        %swap3A_396 = arith.constant 48 : index
        %swap3A_397 = tpu.vector_load %arg12[%swap3A_395, %swap3A_396] {strides = array<i32>} : memref<128x64xf32, #tpu.memory_space<vmem>>, vector<1x16xf32>,
        %swap3A_398 = vector.shape_cast %swap3A_397 : vector<1x16xf32> to vector<16xf32>
        %swap3A_399 = vector.shape_cast %mul3A_394 : vector<16xf32> to vector<1x16xf32>
        tpu.vector_store %arg12[%swap3A_395, %swap3A_396], %swap3A_399 {strides = array<i32>} : memref<128x64xf32, #tpu.memory_space<vmem>>, vector<1x16xf32>,
        %mul3A_400 = arith.constant 4 : i32
        %mul3A_401 = arith.muli %scan3A_297, %mul3A_400 : i32
        %add3A_402 = arith.constant 2 : i32
        %add3A_403 = arith.addi %mul3A_401, %add3A_402 : i32
        %get3A_404 = arith.index_cast %add3A_403 : i32 to index
        %get3A_405 = arith.constant 0 : index
        %get3A_406 = tpu.vector_load %arg12[%get3A_404, %get3A_405] {strides = array<i32>} : memref<128x64xf32, #tpu.memory_space<vmem>>, vector<1x16xf32>,
        %get3A_407 = vector.shape_cast %get3A_406 : vector<1x16xf32> to vector<16xf32>
        %mul3A_408 = arith.constant 8.000000e+00 : f32
        %mul3A_409 = vector.broadcast %mul3A_408 : f32 to vector<16xf32>
        %mul3A_410 = arith.mulf %get3A_407, %mul3A_409 : vector<16xf32>
        %swap3A_411 = arith.index_cast %add3A_403 : i32 to index
        %swap3A_412 = arith.constant 0 : index
        %swap3A_413 = tpu.vector_load %arg12[%swap3A_411, %swap3A_412] {strides = array<i32>} : memref<128x64xf32, #tpu.memory_space<vmem>>, vector<1x16xf32>,
        %swap3A_414 = vector.shape_cast %swap3A_413 : vector<1x16xf32> to vector<16xf32>
        %swap3A_415 = vector.shape_cast %mul3A_410 : vector<16xf32> to vector<1x16xf32>
        tpu.vector_store %arg12[%swap3A_411, %swap3A_412], %swap3A_415 {strides = array<i32>} : memref<128x64xf32, #tpu.memory_space<vmem>>, vector<1x16xf32>,
        %get3A_416 = arith.index_cast %add3A_403 : i32 to index
        %get3A_417 = arith.constant 16 : index
        %get3A_418 = tpu.vector_load %arg12[%get3A_416, %get3A_417] {strides = array<i32>} : memref<128x64xf32, #tpu.memory_space<vmem>>, vector<1x16xf32>,
        %get3A_419 = vector.shape_cast %get3A_418 : vector<1x16xf32> to vector<16xf32>
        %mul3A_420 = arith.constant 8.000000e+00 : f32
        %mul3A_421 = vector.broadcast %mul3A_420 : f32 to vector<16xf32>
        %mul3A_422 = arith.mulf %get3A_419, %mul3A_421 : vector<16xf32>
        %swap3A_423 = arith.index_cast %add3A_403 : i32 to index
        %swap3A_424 = arith.constant 16 : index
        %swap3A_425 = tpu.vector_load %arg12[%swap3A_423, %swap3A_424] {strides = array<i32>} : memref<128x64xf32, #tpu.memory_space<vmem>>, vector<1x16xf32>,
        %swap3A_426 = vector.shape_cast %swap3A_425 : vector<1x16xf32> to vector<16xf32>
        %swap3A_427 = vector.shape_cast %mul3A_422 : vector<16xf32> to vector<1x16xf32>
        tpu.vector_store %arg12[%swap3A_423, %swap3A_424], %swap3A_427 {strides = array<i32>} : memref<128x64xf32, #tpu.memory_space<vmem>>, vector<1x16xf32>,
        %get3A_428 = arith.index_cast %add3A_403 : i32 to index
        %get3A_429 = arith.constant 32 : index
        %get3A_430 = tpu.vector_load %arg12[%get3A_428, %get3A_429] {strides = array<i32>} : memref<128x64xf32, #tpu.memory_space<vmem>>, vector<1x16xf32>,
        %get3A_431 = vector.shape_cast %get3A_430 : vector<1x16xf32> to vector<16xf32>
        %mul3A_432 = arith.constant 8.000000e+00 : f32
        %mul3A_433 = vector.broadcast %mul3A_432 : f32 to vector<16xf32>
        %mul3A_434 = arith.mulf %get3A_431, %mul3A_433 : vector<16xf32>
        %swap3A_435 = arith.index_cast %add3A_403 : i32 to index
        %swap3A_436 = arith.constant 32 : index
        %swap3A_437 = tpu.vector_load %arg12[%swap3A_435, %swap3A_436] {strides = array<i32>} : memref<128x64xf32, #tpu.memory_space<vmem>>, vector<1x16xf32>,
        %swap3A_438 = vector.shape_cast %swap3A_437 : vector<1x16xf32> to vector<16xf32>
        %swap3A_439 = vector.shape_cast %mul3A_434 : vector<16xf32> to vector<1x16xf32>
        tpu.vector_store %arg12[%swap3A_435, %swap3A_436], %swap3A_439 {strides = array<i32>} : memref<128x64xf32, #tpu.memory_space<vmem>>, vector<1x16xf32>,
        %get3A_440 = arith.index_cast %add3A_403 : i32 to index
        %get3A_441 = arith.constant 48 : index
        %get3A_442 = tpu.vector_load %arg12[%get3A_440, %get3A_441] {strides = array<i32>} : memref<128x64xf32, #tpu.memory_space<vmem>>, vector<1x16xf32>,
        %get3A_443 = vector.shape_cast %get3A_442 : vector<1x16xf32> to vector<16xf32>
        %mul3A_444 = arith.constant 8.000000e+00 : f32
        %mul3A_445 = vector.broadcast %mul3A_444 : f32 to vector<16xf32>
        %mul3A_446 = arith.mulf %get3A_443, %mul3A_445 : vector<16xf32>
        %swap3A_447 = arith.index_cast %add3A_403 : i32 to index
        %swap3A_448 = arith.constant 48 : index
        %swap3A_449 = tpu.vector_load %arg12[%swap3A_447, %swap3A_448] {strides = array<i32>} : memref<128x64xf32, #tpu.memory_space<vmem>>, vector<1x16xf32>,
        %swap3A_450 = vector.shape_cast %swap3A_449 : vector<1x16xf32> to vector<16xf32>
        %swap3A_451 = vector.shape_cast %mul3A_446 : vector<16xf32> to vector<1x16xf32>
        tpu.vector_store %arg12[%swap3A_447, %swap3A_448], %swap3A_451 {strides = array<i32>} : memref<128x64xf32, #tpu.memory_space<vmem>>, vector<1x16xf32>,
        %mul3A_452 = arith.constant 4 : i32
        %mul3A_453 = arith.muli %scan3A_297, %mul3A_452 : i32
        %add3A_454 = arith.constant 3 : i32
        %add3A_455 = arith.addi %mul3A_453, %add3A_454 : i32
        %get3A_456 = arith.index_cast %add3A_455 : i32 to index
        %get3A_457 = arith.constant 0 : index
        %get3A_458 = tpu.vector_load %arg12[%get3A_456, %get3A_457] {strides = array<i32>} : memref<128x64xf32, #tpu.memory_space<vmem>>, vector<1x16xf32>,
        %get3A_459 = vector.shape_cast %get3A_458 : vector<1x16xf32> to vector<16xf32>
        %mul3A_460 = arith.constant 8.000000e+00 : f32
        %mul3A_461 = vector.broadcast %mul3A_460 : f32 to vector<16xf32>
        %mul3A_462 = arith.mulf %get3A_459, %mul3A_461 : vector<16xf32>
        %swap3A_463 = arith.index_cast %add3A_455 : i32 to index
        %swap3A_464 = arith.constant 0 : index
        %swap3A_465 = tpu.vector_load %arg12[%swap3A_463, %swap3A_464] {strides = array<i32>} : memref<128x64xf32, #tpu.memory_space<vmem>>, vector<1x16xf32>,
        %swap3A_466 = vector.shape_cast %swap3A_465 : vector<1x16xf32> to vector<16xf32>
        %swap3A_467 = vector.shape_cast %mul3A_462 : vector<16xf32> to vector<1x16xf32>
        tpu.vector_store %arg12[%swap3A_463, %swap3A_464], %swap3A_467 {strides = array<i32>} : memref<128x64xf32, #tpu.memory_space<vmem>>, vector<1x16xf32>,
        %get3A_468 = arith.index_cast %add3A_455 : i32 to index
        %get3A_469 = arith.constant 16 : index
        %get3A_470 = tpu.vector_load %arg12[%get3A_468, %get3A_469] {strides = array<i32>} : memref<128x64xf32, #tpu.memory_space<vmem>>, vector<1x16xf32>,
        %get3A_471 = vector.shape_cast %get3A_470 : vector<1x16xf32> to vector<16xf32>
        %mul3A_472 = arith.constant 8.000000e+00 : f32
        %mul3A_473 = vector.broadcast %mul3A_472 : f32 to vector<16xf32>
        %mul3A_474 = arith.mulf %get3A_471, %mul3A_473 : vector<16xf32>
        %swap3A_475 = arith.index_cast %add3A_455 : i32 to index
        %swap3A_476 = arith.constant 16 : index
        %swap3A_477 = tpu.vector_load %arg12[%swap3A_475, %swap3A_476] {strides = array<i32>} : memref<128x64xf32, #tpu.memory_space<vmem>>, vector<1x16xf32>,
        %swap3A_478 = vector.shape_cast %swap3A_477 : vector<1x16xf32> to vector<16xf32>
        %swap3A_479 = vector.shape_cast %mul3A_474 : vector<16xf32> to vector<1x16xf32>
        tpu.vector_store %arg12[%swap3A_475, %swap3A_476], %swap3A_479 {strides = array<i32>} : memref<128x64xf32, #tpu.memory_space<vmem>>, vector<1x16xf32>,
        %get3A_480 = arith.index_cast %add3A_455 : i32 to index
        %get3A_481 = arith.constant 32 : index
        %get3A_482 = tpu.vector_load %arg12[%get3A_480, %get3A_481] {strides = array<i32>} : memref<128x64xf32, #tpu.memory_space<vmem>>, vector<1x16xf32>,
        %get3A_483 = vector.shape_cast %get3A_482 : vector<1x16xf32> to vector<16xf32>
        %mul3A_484 = arith.constant 8.000000e+00 : f32
        %mul3A_485 = vector.broadcast %mul3A_484 : f32 to vector<16xf32>
        %mul3A_486 = arith.mulf %get3A_483, %mul3A_485 : vector<16xf32>
        %swap3A_487 = arith.index_cast %add3A_455 : i32 to index
        %swap3A_488 = arith.constant 32 : index
        %swap3A_489 = tpu.vector_load %arg12[%swap3A_487, %swap3A_488] {strides = array<i32>} : memref<128x64xf32, #tpu.memory_space<vmem>>, vector<1x16xf32>,
        %swap3A_490 = vector.shape_cast %swap3A_489 : vector<1x16xf32> to vector<16xf32>
        %swap3A_491 = vector.shape_cast %mul3A_486 : vector<16xf32> to vector<1x16xf32>
        tpu.vector_store %arg12[%swap3A_487, %swap3A_488], %swap3A_491 {strides = array<i32>} : memref<128x64xf32, #tpu.memory_space<vmem>>, vector<1x16xf32>,
        %get3A_492 = arith.index_cast %add3A_455 : i32 to index
        %get3A_493 = arith.constant 48 : index
        %get3A_494 = tpu.vector_load %arg12[%get3A_492, %get3A_493] {strides = array<i32>} : memref<128x64xf32, #tpu.memory_space<vmem>>, vector<1x16xf32>,
        %get3A_495 = vector.shape_cast %get3A_494 : vector<1x16xf32> to vector<16xf32>
        %mul3A_496 = arith.constant 8.000000e+00 : f32
        %mul3A_497 = vector.broadcast %mul3A_496 : f32 to vector<16xf32>
        %mul3A_498 = arith.mulf %get3A_495, %mul3A_497 : vector<16xf32>
        %swap3A_499 = arith.index_cast %add3A_455 : i32 to index
        %swap3A_500 = arith.constant 48 : index
        %swap3A_501 = tpu.vector_load %arg12[%swap3A_499, %swap3A_500] {strides = array<i32>} : memref<128x64xf32, #tpu.memory_space<vmem>>, vector<1x16xf32>,
        %swap3A_502 = vector.shape_cast %swap3A_501 : vector<1x16xf32> to vector<16xf32>
        %swap3A_503 = vector.shape_cast %mul3A_498 : vector<16xf32> to vector<1x16xf32>
        tpu.vector_store %arg12[%swap3A_499, %swap3A_500], %swap3A_503 {strides = array<i32>} : memref<128x64xf32, #tpu.memory_space<vmem>>, vector<1x16xf32>,
      }
      %scan3A_252 = arith.constant 32 : i32
      %mul3A_253 = arith.constant 128 : i32
      %mul3A_254 = arith.muli %add3A_240, %mul3A_253 : i32
      %add3A_255 = arith.addi %mul3A_2, %mul3A_254 : i32
      %dma_start3A_256 = arith.constant 0 : i32
      %dma_start3A_257 = tpu.memref_slice %arg4[%add3A_255, %dma_start3A_256] : memref<819200x64xf32, #tpu.memory_space<hbm>> -> memref<128x64xf32, #tpu.memory_space<hbm>>
      %dma_start3A_258 = arith.constant 0 : i32
      %dma_start3A_259 = tpu.memref_slice %arg4[%add3A_255, %dma_start3A_258] : memref<819200x64xf32, #tpu.memory_space<hbm>> -> memref<128x64xf32, #tpu.memory_space<hbm>>
      tpu.enqueue_dma source(%arg12 : memref<128x64xf32, #tpu.memory_space<vmem>>) target(%dma_start3A_259 : memref<128x64xf32, #tpu.memory_space<hbm>>) target_semaphore(%arg28 : memref<!tpu.dma_semaphore, #tpu.memory_space<semaphore_mem>>)
      %add3A_260 = arith.constant 3 : i32
      %add3A_261 = arith.addi %add3A_240, %add3A_260 : i32
      %lt3A_262 = arith.constant 200 : i32
      %lt3A_263 = arith.cmpi slt, %add3A_261, %lt3A_262 : i32
      %convert_element_type3A_264 = arith.extui %lt3A_263 : i1 to i32
      %cond3A_265 = arith.constant 0 : i32
      %cond3A_266 = arith.cmpi ne, %convert_element_type3A_264, %cond3A_265 : i32
      scf.if %cond3A_266 {
        %ge3A = arith.constant 8 : i32
        %ge3A_297 = arith.cmpi sge, %add3A_261, %ge3A : i32
        %convert_element_type3A_298 = arith.extui %ge3A_297 : i1 to i32
        %cond3A_299 = arith.constant 0 : i32
        %cond3A_300 = arith.cmpi ne, %convert_element_type3A_298, %cond3A_299 : i32
        scf.if %cond3A_300 {
          %dma_wait3A_307 = arith.constant 0 : i32
          %dma_wait3A_308 = tpu.memref_slice %arg4[%mul3A_2, %dma_wait3A_307] : memref<819200x64xf32, #tpu.memory_space<hbm>> -> memref<128x64xf32, #tpu.memory_space<hbm>>
          %dma_wait3A_309 = arith.constant 0 : i32
          %dma_wait3A_310 = tpu.memref_slice %arg4[%mul3A_2, %dma_wait3A_309] : memref<819200x64xf32, #tpu.memory_space<hbm>> -> memref<128x64xf32, #tpu.memory_space<hbm>>
          tpu.wait_dma2 semaphore(%arg23 : memref<!tpu.dma_semaphore, #tpu.memory_space<semaphore_mem>>) src(%arg7 : memref<128x64xf32, #tpu.memory_space<vmem>>) dst(%dma_wait3A_310 : memref<128x64xf32, #tpu.memory_space<hbm>>)
        } else {
        }
        %dma_start3A_301 = arith.constant 0 : i32
        %dma_start3A_302 = tpu.memref_slice %arg5[%add3A_261, %dma_start3A_301] : memref<200x128xi32, #tpu.memory_space<vmem>> -> memref<1x128xi32, #tpu.memory_space<vmem>>
        %dma_start3A_303 = tpu.memref_squeeze %dma_start3A_302 : memref<1x128xi32, #tpu.memory_space<vmem>> -> memref<128xi32, #tpu.memory_space<vmem>>
        %dma_start3A_304 = arith.constant 0 : i32
        %dma_start3A_305 = arith.constant 0 : i32
        %dma_start3A_306 = tpu.memref_slice %arg3[%dma_start3A_304, %dma_start3A_305] : memref<1000000x64xf32, #tpu.memory_space<hbm>> -> memref<1000000x64xf32, #tpu.memory_space<hbm>>
        tpu.enqueue_indirect_dma source(%dma_start3A_306 : memref<1000000x64xf32, #tpu.memory_space<hbm>>) target(%arg7 : memref<128x64xf32, #tpu.memory_space<vmem>>) offsets(%dma_start3A_303 : memref<128xi32, #tpu.memory_space<vmem>>) semaphore(%arg15 : memref<!tpu.dma_semaphore, #tpu.memory_space<semaphore_mem>>)
      } else {
      }
      %mul3A_267 = arith.constant 8 : i32
      %mul3A_268 = arith.muli %scan3A_59, %mul3A_267 : i32
      %add3A_269 = arith.constant 7 : i32
      %add3A_270 = arith.addi %mul3A_268, %add3A_269 : i32
      %dma_wait3A_271 = arith.constant 0 : i32
      %dma_wait3A_272 = tpu.memref_slice %arg5[%add3A_270, %dma_wait3A_271] : memref<200x128xi32, #tpu.memory_space<vmem>> -> memref<1x128xi32, #tpu.memory_space<vmem>>
      %dma_wait3A_273 = tpu.memref_squeeze %dma_wait3A_272 : memref<1x128xi32, #tpu.memory_space<vmem>> -> memref<128xi32, #tpu.memory_space<vmem>>
      %dma_wait3A_274 = arith.constant 0 : i32
      %dma_wait3A_275 = arith.constant 0 : i32
      %dma_wait3A_276 = tpu.memref_slice %arg3[%dma_wait3A_274, %dma_wait3A_275] : memref<1000000x64xf32, #tpu.memory_space<hbm>> -> memref<1000000x64xf32, #tpu.memory_space<hbm>>
      tpu.wait_indirect_dma semaphore(%arg21 : memref<!tpu.dma_semaphore, #tpu.memory_space<semaphore_mem>>) src(%dma_wait3A_276 : memref<1000000x64xf32, #tpu.memory_space<hbm>>) dst(%arg13 : memref<128x64xf32, #tpu.memory_space<vmem>>)
      %scan3A_277 = arith.constant 0 : i32
      %scan3A_278 = arith.constant 0 : i32
      %scan3A_279 = arith.constant 32 : i32
      %scan3A_280 = arith.addi %scan3A_278, %scan3A_279 : i32
      %scan3A_281 = arith.constant 1 : i32
      scf.for %scan3A_297 = %scan3A_278 to %scan3A_280 step %scan3A_281  : i32 {
        %mul3A_298 = arith.constant 4 : i32
        %mul3A_299 = arith.muli %scan3A_297, %mul3A_298 : i32
        %add3A_300 = arith.constant 0 : i32
        %add3A_301 = arith.addi %mul3A_299, %add3A_300 : i32
        %get3A = arith.index_cast %add3A_301 : i32 to index
        %get3A_302 = arith.constant 0 : index
        %get3A_303 = tpu.vector_load %arg13[%get3A, %get3A_302] {strides = array<i32>} : memref<128x64xf32, #tpu.memory_space<vmem>>, vector<1x16xf32>,
        %get3A_304 = vector.shape_cast %get3A_303 : vector<1x16xf32> to vector<16xf32>
        %mul3A_305 = arith.constant 8.000000e+00 : f32
        %mul3A_306 = vector.broadcast %mul3A_305 : f32 to vector<16xf32>
        %mul3A_307 = arith.mulf %get3A_304, %mul3A_306 : vector<16xf32>
        %swap3A = arith.index_cast %add3A_301 : i32 to index
        %swap3A_308 = arith.constant 0 : index
        %swap3A_309 = tpu.vector_load %arg13[%swap3A, %swap3A_308] {strides = array<i32>} : memref<128x64xf32, #tpu.memory_space<vmem>>, vector<1x16xf32>,
        %swap3A_310 = vector.shape_cast %swap3A_309 : vector<1x16xf32> to vector<16xf32>
        %swap3A_311 = vector.shape_cast %mul3A_307 : vector<16xf32> to vector<1x16xf32>
        tpu.vector_store %arg13[%swap3A, %swap3A_308], %swap3A_311 {strides = array<i32>} : memref<128x64xf32, #tpu.memory_space<vmem>>, vector<1x16xf32>,
        %get3A_312 = arith.index_cast %add3A_301 : i32 to index
        %get3A_313 = arith.constant 16 : index
        %get3A_314 = tpu.vector_load %arg13[%get3A_312, %get3A_313] {strides = array<i32>} : memref<128x64xf32, #tpu.memory_space<vmem>>, vector<1x16xf32>,
        %get3A_315 = vector.shape_cast %get3A_314 : vector<1x16xf32> to vector<16xf32>
        %mul3A_316 = arith.constant 8.000000e+00 : f32
        %mul3A_317 = vector.broadcast %mul3A_316 : f32 to vector<16xf32>
        %mul3A_318 = arith.mulf %get3A_315, %mul3A_317 : vector<16xf32>
        %swap3A_319 = arith.index_cast %add3A_301 : i32 to index
        %swap3A_320 = arith.constant 16 : index
        %swap3A_321 = tpu.vector_load %arg13[%swap3A_319, %swap3A_320] {strides = array<i32>} : memref<128x64xf32, #tpu.memory_space<vmem>>, vector<1x16xf32>,
        %swap3A_322 = vector.shape_cast %swap3A_321 : vector<1x16xf32> to vector<16xf32>
        %swap3A_323 = vector.shape_cast %mul3A_318 : vector<16xf32> to vector<1x16xf32>
        tpu.vector_store %arg13[%swap3A_319, %swap3A_320], %swap3A_323 {strides = array<i32>} : memref<128x64xf32, #tpu.memory_space<vmem>>, vector<1x16xf32>,
        %get3A_324 = arith.index_cast %add3A_301 : i32 to index
        %get3A_325 = arith.constant 32 : index
        %get3A_326 = tpu.vector_load %arg13[%get3A_324, %get3A_325] {strides = array<i32>} : memref<128x64xf32, #tpu.memory_space<vmem>>, vector<1x16xf32>,
        %get3A_327 = vector.shape_cast %get3A_326 : vector<1x16xf32> to vector<16xf32>
        %mul3A_328 = arith.constant 8.000000e+00 : f32
        %mul3A_329 = vector.broadcast %mul3A_328 : f32 to vector<16xf32>
        %mul3A_330 = arith.mulf %get3A_327, %mul3A_329 : vector<16xf32>
        %swap3A_331 = arith.index_cast %add3A_301 : i32 to index
        %swap3A_332 = arith.constant 32 : index
        %swap3A_333 = tpu.vector_load %arg13[%swap3A_331, %swap3A_332] {strides = array<i32>} : memref<128x64xf32, #tpu.memory_space<vmem>>, vector<1x16xf32>,
        %swap3A_334 = vector.shape_cast %swap3A_333 : vector<1x16xf32> to vector<16xf32>
        %swap3A_335 = vector.shape_cast %mul3A_330 : vector<16xf32> to vector<1x16xf32>
        tpu.vector_store %arg13[%swap3A_331, %swap3A_332], %swap3A_335 {strides = array<i32>} : memref<128x64xf32, #tpu.memory_space<vmem>>, vector<1x16xf32>,
        %get3A_336 = arith.index_cast %add3A_301 : i32 to index
        %get3A_337 = arith.constant 48 : index
        %get3A_338 = tpu.vector_load %arg13[%get3A_336, %get3A_337] {strides = array<i32>} : memref<128x64xf32, #tpu.memory_space<vmem>>, vector<1x16xf32>,
        %get3A_339 = vector.shape_cast %get3A_338 : vector<1x16xf32> to vector<16xf32>
        %mul3A_340 = arith.constant 8.000000e+00 : f32
        %mul3A_341 = vector.broadcast %mul3A_340 : f32 to vector<16xf32>
        %mul3A_342 = arith.mulf %get3A_339, %mul3A_341 : vector<16xf32>
        %swap3A_343 = arith.index_cast %add3A_301 : i32 to index
        %swap3A_344 = arith.constant 48 : index
        %swap3A_345 = tpu.vector_load %arg13[%swap3A_343, %swap3A_344] {strides = array<i32>} : memref<128x64xf32, #tpu.memory_space<vmem>>, vector<1x16xf32>,
        %swap3A_346 = vector.shape_cast %swap3A_345 : vector<1x16xf32> to vector<16xf32>
        %swap3A_347 = vector.shape_cast %mul3A_342 : vector<16xf32> to vector<1x16xf32>
        tpu.vector_store %arg13[%swap3A_343, %swap3A_344], %swap3A_347 {strides = array<i32>} : memref<128x64xf32, #tpu.memory_space<vmem>>, vector<1x16xf32>,
        %mul3A_348 = arith.constant 4 : i32
        %mul3A_349 = arith.muli %scan3A_297, %mul3A_348 : i32
        %add3A_350 = arith.constant 1 : i32
        %add3A_351 = arith.addi %mul3A_349, %add3A_350 : i32
        %get3A_352 = arith.index_cast %add3A_351 : i32 to index
        %get3A_353 = arith.constant 0 : index
        %get3A_354 = tpu.vector_load %arg13[%get3A_352, %get3A_353] {strides = array<i32>} : memref<128x64xf32, #tpu.memory_space<vmem>>, vector<1x16xf32>,
        %get3A_355 = vector.shape_cast %get3A_354 : vector<1x16xf32> to vector<16xf32>
        %mul3A_356 = arith.constant 8.000000e+00 : f32
        %mul3A_357 = vector.broadcast %mul3A_356 : f32 to vector<16xf32>
        %mul3A_358 = arith.mulf %get3A_355, %mul3A_357 : vector<16xf32>
        %swap3A_359 = arith.index_cast %add3A_351 : i32 to index
        %swap3A_360 = arith.constant 0 : index
        %swap3A_361 = tpu.vector_load %arg13[%swap3A_359, %swap3A_360] {strides = array<i32>} : memref<128x64xf32, #tpu.memory_space<vmem>>, vector<1x16xf32>,
        %swap3A_362 = vector.shape_cast %swap3A_361 : vector<1x16xf32> to vector<16xf32>
        %swap3A_363 = vector.shape_cast %mul3A_358 : vector<16xf32> to vector<1x16xf32>
        tpu.vector_store %arg13[%swap3A_359, %swap3A_360], %swap3A_363 {strides = array<i32>} : memref<128x64xf32, #tpu.memory_space<vmem>>, vector<1x16xf32>,
        %get3A_364 = arith.index_cast %add3A_351 : i32 to index
        %get3A_365 = arith.constant 16 : index
        %get3A_366 = tpu.vector_load %arg13[%get3A_364, %get3A_365] {strides = array<i32>} : memref<128x64xf32, #tpu.memory_space<vmem>>, vector<1x16xf32>,
        %get3A_367 = vector.shape_cast %get3A_366 : vector<1x16xf32> to vector<16xf32>
        %mul3A_368 = arith.constant 8.000000e+00 : f32
        %mul3A_369 = vector.broadcast %mul3A_368 : f32 to vector<16xf32>
        %mul3A_370 = arith.mulf %get3A_367, %mul3A_369 : vector<16xf32>
        %swap3A_371 = arith.index_cast %add3A_351 : i32 to index
        %swap3A_372 = arith.constant 16 : index
        %swap3A_373 = tpu.vector_load %arg13[%swap3A_371, %swap3A_372] {strides = array<i32>} : memref<128x64xf32, #tpu.memory_space<vmem>>, vector<1x16xf32>,
        %swap3A_374 = vector.shape_cast %swap3A_373 : vector<1x16xf32> to vector<16xf32>
        %swap3A_375 = vector.shape_cast %mul3A_370 : vector<16xf32> to vector<1x16xf32>
        tpu.vector_store %arg13[%swap3A_371, %swap3A_372], %swap3A_375 {strides = array<i32>} : memref<128x64xf32, #tpu.memory_space<vmem>>, vector<1x16xf32>,
        %get3A_376 = arith.index_cast %add3A_351 : i32 to index
        %get3A_377 = arith.constant 32 : index
        %get3A_378 = tpu.vector_load %arg13[%get3A_376, %get3A_377] {strides = array<i32>} : memref<128x64xf32, #tpu.memory_space<vmem>>, vector<1x16xf32>,
        %get3A_379 = vector.shape_cast %get3A_378 : vector<1x16xf32> to vector<16xf32>
        %mul3A_380 = arith.constant 8.000000e+00 : f32
        %mul3A_381 = vector.broadcast %mul3A_380 : f32 to vector<16xf32>
        %mul3A_382 = arith.mulf %get3A_379, %mul3A_381 : vector<16xf32>
        %swap3A_383 = arith.index_cast %add3A_351 : i32 to index
        %swap3A_384 = arith.constant 32 : index
        %swap3A_385 = tpu.vector_load %arg13[%swap3A_383, %swap3A_384] {strides = array<i32>} : memref<128x64xf32, #tpu.memory_space<vmem>>, vector<1x16xf32>,
        %swap3A_386 = vector.shape_cast %swap3A_385 : vector<1x16xf32> to vector<16xf32>
        %swap3A_387 = vector.shape_cast %mul3A_382 : vector<16xf32> to vector<1x16xf32>
        tpu.vector_store %arg13[%swap3A_383, %swap3A_384], %swap3A_387 {strides = array<i32>} : memref<128x64xf32, #tpu.memory_space<vmem>>, vector<1x16xf32>,
        %get3A_388 = arith.index_cast %add3A_351 : i32 to index
        %get3A_389 = arith.constant 48 : index
        %get3A_390 = tpu.vector_load %arg13[%get3A_388, %get3A_389] {strides = array<i32>} : memref<128x64xf32, #tpu.memory_space<vmem>>, vector<1x16xf32>,
        %get3A_391 = vector.shape_cast %get3A_390 : vector<1x16xf32> to vector<16xf32>
        %mul3A_392 = arith.constant 8.000000e+00 : f32
        %mul3A_393 = vector.broadcast %mul3A_392 : f32 to vector<16xf32>
        %mul3A_394 = arith.mulf %get3A_391, %mul3A_393 : vector<16xf32>
        %swap3A_395 = arith.index_cast %add3A_351 : i32 to index
        %swap3A_396 = arith.constant 48 : index
        %swap3A_397 = tpu.vector_load %arg13[%swap3A_395, %swap3A_396] {strides = array<i32>} : memref<128x64xf32, #tpu.memory_space<vmem>>, vector<1x16xf32>,
        %swap3A_398 = vector.shape_cast %swap3A_397 : vector<1x16xf32> to vector<16xf32>
        %swap3A_399 = vector.shape_cast %mul3A_394 : vector<16xf32> to vector<1x16xf32>
        tpu.vector_store %arg13[%swap3A_395, %swap3A_396], %swap3A_399 {strides = array<i32>} : memref<128x64xf32, #tpu.memory_space<vmem>>, vector<1x16xf32>,
        %mul3A_400 = arith.constant 4 : i32
        %mul3A_401 = arith.muli %scan3A_297, %mul3A_400 : i32
        %add3A_402 = arith.constant 2 : i32
        %add3A_403 = arith.addi %mul3A_401, %add3A_402 : i32
        %get3A_404 = arith.index_cast %add3A_403 : i32 to index
        %get3A_405 = arith.constant 0 : index
        %get3A_406 = tpu.vector_load %arg13[%get3A_404, %get3A_405] {strides = array<i32>} : memref<128x64xf32, #tpu.memory_space<vmem>>, vector<1x16xf32>,
        %get3A_407 = vector.shape_cast %get3A_406 : vector<1x16xf32> to vector<16xf32>
        %mul3A_408 = arith.constant 8.000000e+00 : f32
        %mul3A_409 = vector.broadcast %mul3A_408 : f32 to vector<16xf32>
        %mul3A_410 = arith.mulf %get3A_407, %mul3A_409 : vector<16xf32>
        %swap3A_411 = arith.index_cast %add3A_403 : i32 to index
        %swap3A_412 = arith.constant 0 : index
        %swap3A_413 = tpu.vector_load %arg13[%swap3A_411, %swap3A_412] {strides = array<i32>} : memref<128x64xf32, #tpu.memory_space<vmem>>, vector<1x16xf32>,
        %swap3A_414 = vector.shape_cast %swap3A_413 : vector<1x16xf32> to vector<16xf32>
        %swap3A_415 = vector.shape_cast %mul3A_410 : vector<16xf32> to vector<1x16xf32>
        tpu.vector_store %arg13[%swap3A_411, %swap3A_412], %swap3A_415 {strides = array<i32>} : memref<128x64xf32, #tpu.memory_space<vmem>>, vector<1x16xf32>,
        %get3A_416 = arith.index_cast %add3A_403 : i32 to index
        %get3A_417 = arith.constant 16 : index
        %get3A_418 = tpu.vector_load %arg13[%get3A_416, %get3A_417] {strides = array<i32>} : memref<128x64xf32, #tpu.memory_space<vmem>>, vector<1x16xf32>,
        %get3A_419 = vector.shape_cast %get3A_418 : vector<1x16xf32> to vector<16xf32>
        %mul3A_420 = arith.constant 8.000000e+00 : f32
        %mul3A_421 = vector.broadcast %mul3A_420 : f32 to vector<16xf32>
        %mul3A_422 = arith.mulf %get3A_419, %mul3A_421 : vector<16xf32>
        %swap3A_423 = arith.index_cast %add3A_403 : i32 to index
        %swap3A_424 = arith.constant 16 : index
        %swap3A_425 = tpu.vector_load %arg13[%swap3A_423, %swap3A_424] {strides = array<i32>} : memref<128x64xf32, #tpu.memory_space<vmem>>, vector<1x16xf32>,
        %swap3A_426 = vector.shape_cast %swap3A_425 : vector<1x16xf32> to vector<16xf32>
        %swap3A_427 = vector.shape_cast %mul3A_422 : vector<16xf32> to vector<1x16xf32>
        tpu.vector_store %arg13[%swap3A_423, %swap3A_424], %swap3A_427 {strides = array<i32>} : memref<128x64xf32, #tpu.memory_space<vmem>>, vector<1x16xf32>,
        %get3A_428 = arith.index_cast %add3A_403 : i32 to index
        %get3A_429 = arith.constant 32 : index
        %get3A_430 = tpu.vector_load %arg13[%get3A_428, %get3A_429] {strides = array<i32>} : memref<128x64xf32, #tpu.memory_space<vmem>>, vector<1x16xf32>,
        %get3A_431 = vector.shape_cast %get3A_430 : vector<1x16xf32> to vector<16xf32>
        %mul3A_432 = arith.constant 8.000000e+00 : f32
        %mul3A_433 = vector.broadcast %mul3A_432 : f32 to vector<16xf32>
        %mul3A_434 = arith.mulf %get3A_431, %mul3A_433 : vector<16xf32>
        %swap3A_435 = arith.index_cast %add3A_403 : i32 to index
        %swap3A_436 = arith.constant 32 : index
        %swap3A_437 = tpu.vector_load %arg13[%swap3A_435, %swap3A_436] {strides = array<i32>} : memref<128x64xf32, #tpu.memory_space<vmem>>, vector<1x16xf32>,
        %swap3A_438 = vector.shape_cast %swap3A_437 : vector<1x16xf32> to vector<16xf32>
        %swap3A_439 = vector.shape_cast %mul3A_434 : vector<16xf32> to vector<1x16xf32>
        tpu.vector_store %arg13[%swap3A_435, %swap3A_436], %swap3A_439 {strides = array<i32>} : memref<128x64xf32, #tpu.memory_space<vmem>>, vector<1x16xf32>,
        %get3A_440 = arith.index_cast %add3A_403 : i32 to index
        %get3A_441 = arith.constant 48 : index
        %get3A_442 = tpu.vector_load %arg13[%get3A_440, %get3A_441] {strides = array<i32>} : memref<128x64xf32, #tpu.memory_space<vmem>>, vector<1x16xf32>,
        %get3A_443 = vector.shape_cast %get3A_442 : vector<1x16xf32> to vector<16xf32>
        %mul3A_444 = arith.constant 8.000000e+00 : f32
        %mul3A_445 = vector.broadcast %mul3A_444 : f32 to vector<16xf32>
        %mul3A_446 = arith.mulf %get3A_443, %mul3A_445 : vector<16xf32>
        %swap3A_447 = arith.index_cast %add3A_403 : i32 to index
        %swap3A_448 = arith.constant 48 : index
        %swap3A_449 = tpu.vector_load %arg13[%swap3A_447, %swap3A_448] {strides = array<i32>} : memref<128x64xf32, #tpu.memory_space<vmem>>, vector<1x16xf32>,
        %swap3A_450 = vector.shape_cast %swap3A_449 : vector<1x16xf32> to vector<16xf32>
        %swap3A_451 = vector.shape_cast %mul3A_446 : vector<16xf32> to vector<1x16xf32>
        tpu.vector_store %arg13[%swap3A_447, %swap3A_448], %swap3A_451 {strides = array<i32>} : memref<128x64xf32, #tpu.memory_space<vmem>>, vector<1x16xf32>,
        %mul3A_452 = arith.constant 4 : i32
        %mul3A_453 = arith.muli %scan3A_297, %mul3A_452 : i32
        %add3A_454 = arith.constant 3 : i32
        %add3A_455 = arith.addi %mul3A_453, %add3A_454 : i32
        %get3A_456 = arith.index_cast %add3A_455 : i32 to index
        %get3A_457 = arith.constant 0 : index
        %get3A_458 = tpu.vector_load %arg13[%get3A_456, %get3A_457] {strides = array<i32>} : memref<128x64xf32, #tpu.memory_space<vmem>>, vector<1x16xf32>,
        %get3A_459 = vector.shape_cast %get3A_458 : vector<1x16xf32> to vector<16xf32>
        %mul3A_460 = arith.constant 8.000000e+00 : f32
        %mul3A_461 = vector.broadcast %mul3A_460 : f32 to vector<16xf32>
        %mul3A_462 = arith.mulf %get3A_459, %mul3A_461 : vector<16xf32>
        %swap3A_463 = arith.index_cast %add3A_455 : i32 to index
        %swap3A_464 = arith.constant 0 : index
        %swap3A_465 = tpu.vector_load %arg13[%swap3A_463, %swap3A_464] {strides = array<i32>} : memref<128x64xf32, #tpu.memory_space<vmem>>, vector<1x16xf32>,
        %swap3A_466 = vector.shape_cast %swap3A_465 : vector<1x16xf32> to vector<16xf32>
        %swap3A_467 = vector.shape_cast %mul3A_462 : vector<16xf32> to vector<1x16xf32>
        tpu.vector_store %arg13[%swap3A_463, %swap3A_464], %swap3A_467 {strides = array<i32>} : memref<128x64xf32, #tpu.memory_space<vmem>>, vector<1x16xf32>,
        %get3A_468 = arith.index_cast %add3A_455 : i32 to index
        %get3A_469 = arith.constant 16 : index
        %get3A_470 = tpu.vector_load %arg13[%get3A_468, %get3A_469] {strides = array<i32>} : memref<128x64xf32, #tpu.memory_space<vmem>>, vector<1x16xf32>,
        %get3A_471 = vector.shape_cast %get3A_470 : vector<1x16xf32> to vector<16xf32>
        %mul3A_472 = arith.constant 8.000000e+00 : f32
        %mul3A_473 = vector.broadcast %mul3A_472 : f32 to vector<16xf32>
        %mul3A_474 = arith.mulf %get3A_471, %mul3A_473 : vector<16xf32>
        %swap3A_475 = arith.index_cast %add3A_455 : i32 to index
        %swap3A_476 = arith.constant 16 : index
        %swap3A_477 = tpu.vector_load %arg13[%swap3A_475, %swap3A_476] {strides = array<i32>} : memref<128x64xf32, #tpu.memory_space<vmem>>, vector<1x16xf32>,
        %swap3A_478 = vector.shape_cast %swap3A_477 : vector<1x16xf32> to vector<16xf32>
        %swap3A_479 = vector.shape_cast %mul3A_474 : vector<16xf32> to vector<1x16xf32>
        tpu.vector_store %arg13[%swap3A_475, %swap3A_476], %swap3A_479 {strides = array<i32>} : memref<128x64xf32, #tpu.memory_space<vmem>>, vector<1x16xf32>,
        %get3A_480 = arith.index_cast %add3A_455 : i32 to index
        %get3A_481 = arith.constant 32 : index
        %get3A_482 = tpu.vector_load %arg13[%get3A_480, %get3A_481] {strides = array<i32>} : memref<128x64xf32, #tpu.memory_space<vmem>>, vector<1x16xf32>,
        %get3A_483 = vector.shape_cast %get3A_482 : vector<1x16xf32> to vector<16xf32>
        %mul3A_484 = arith.constant 8.000000e+00 : f32
        %mul3A_485 = vector.broadcast %mul3A_484 : f32 to vector<16xf32>
        %mul3A_486 = arith.mulf %get3A_483, %mul3A_485 : vector<16xf32>
        %swap3A_487 = arith.index_cast %add3A_455 : i32 to index
        %swap3A_488 = arith.constant 32 : index
        %swap3A_489 = tpu.vector_load %arg13[%swap3A_487, %swap3A_488] {strides = array<i32>} : memref<128x64xf32, #tpu.memory_space<vmem>>, vector<1x16xf32>,
        %swap3A_490 = vector.shape_cast %swap3A_489 : vector<1x16xf32> to vector<16xf32>
        %swap3A_491 = vector.shape_cast %mul3A_486 : vector<16xf32> to vector<1x16xf32>
        tpu.vector_store %arg13[%swap3A_487, %swap3A_488], %swap3A_491 {strides = array<i32>} : memref<128x64xf32, #tpu.memory_space<vmem>>, vector<1x16xf32>,
        %get3A_492 = arith.index_cast %add3A_455 : i32 to index
        %get3A_493 = arith.constant 48 : index
        %get3A_494 = tpu.vector_load %arg13[%get3A_492, %get3A_493] {strides = array<i32>} : memref<128x64xf32, #tpu.memory_space<vmem>>, vector<1x16xf32>,
        %get3A_495 = vector.shape_cast %get3A_494 : vector<1x16xf32> to vector<16xf32>
        %mul3A_496 = arith.constant 8.000000e+00 : f32
        %mul3A_497 = vector.broadcast %mul3A_496 : f32 to vector<16xf32>
        %mul3A_498 = arith.mulf %get3A_495, %mul3A_497 : vector<16xf32>
        %swap3A_499 = arith.index_cast %add3A_455 : i32 to index
        %swap3A_500 = arith.constant 48 : index
        %swap3A_501 = tpu.vector_load %arg13[%swap3A_499, %swap3A_500] {strides = array<i32>} : memref<128x64xf32, #tpu.memory_space<vmem>>, vector<1x16xf32>,
        %swap3A_502 = vector.shape_cast %swap3A_501 : vector<1x16xf32> to vector<16xf32>
        %swap3A_503 = vector.shape_cast %mul3A_498 : vector<16xf32> to vector<1x16xf32>
        tpu.vector_store %arg13[%swap3A_499, %swap3A_500], %swap3A_503 {strides = array<i32>} : memref<128x64xf32, #tpu.memory_space<vmem>>, vector<1x16xf32>,
      }
      %scan3A_282 = arith.constant 32 : i32
      %mul3A_283 = arith.constant 128 : i32
      %mul3A_284 = arith.muli %add3A_270, %mul3A_283 : i32
      %add3A_285 = arith.addi %mul3A_2, %mul3A_284 : i32
      %dma_start3A_286 = arith.constant 0 : i32
      %dma_start3A_287 = tpu.memref_slice %arg4[%add3A_285, %dma_start3A_286] : memref<819200x64xf32, #tpu.memory_space<hbm>> -> memref<128x64xf32, #tpu.memory_space<hbm>>
      %dma_start3A_288 = arith.constant 0 : i32
      %dma_start3A_289 = tpu.memref_slice %arg4[%add3A_285, %dma_start3A_288] : memref<819200x64xf32, #tpu.memory_space<hbm>> -> memref<128x64xf32, #tpu.memory_space<hbm>>
      tpu.enqueue_dma source(%arg13 : memref<128x64xf32, #tpu.memory_space<vmem>>) target(%dma_start3A_289 : memref<128x64xf32, #tpu.memory_space<hbm>>) target_semaphore(%arg29 : memref<!tpu.dma_semaphore, #tpu.memory_space<semaphore_mem>>)
      %add3A_290 = arith.constant 3 : i32
      %add3A_291 = arith.addi %add3A_270, %add3A_290 : i32
      %lt3A_292 = arith.constant 200 : i32
      %lt3A_293 = arith.cmpi slt, %add3A_291, %lt3A_292 : i32
      %convert_element_type3A_294 = arith.extui %lt3A_293 : i1 to i32
      %cond3A_295 = arith.constant 0 : i32
      %cond3A_296 = arith.cmpi ne, %convert_element_type3A_294, %cond3A_295 : i32
      scf.if %cond3A_296 {
        %ge3A = arith.constant 8 : i32
        %ge3A_297 = arith.cmpi sge, %add3A_291, %ge3A : i32
        %convert_element_type3A_298 = arith.extui %ge3A_297 : i1 to i32
        %cond3A_299 = arith.constant 0 : i32
        %cond3A_300 = arith.cmpi ne, %convert_element_type3A_298, %cond3A_299 : i32
        scf.if %cond3A_300 {
          %dma_wait3A_307 = arith.constant 0 : i32
          %dma_wait3A_308 = tpu.memref_slice %arg4[%mul3A_2, %dma_wait3A_307] : memref<819200x64xf32, #tpu.memory_space<hbm>> -> memref<128x64xf32, #tpu.memory_space<hbm>>
          %dma_wait3A_309 = arith.constant 0 : i32
          %dma_wait3A_310 = tpu.memref_slice %arg4[%mul3A_2, %dma_wait3A_309] : memref<819200x64xf32, #tpu.memory_space<hbm>> -> memref<128x64xf32, #tpu.memory_space<hbm>>
          tpu.wait_dma2 semaphore(%arg24 : memref<!tpu.dma_semaphore, #tpu.memory_space<semaphore_mem>>) src(%arg8 : memref<128x64xf32, #tpu.memory_space<vmem>>) dst(%dma_wait3A_310 : memref<128x64xf32, #tpu.memory_space<hbm>>)
        } else {
        }
        %dma_start3A_301 = arith.constant 0 : i32
        %dma_start3A_302 = tpu.memref_slice %arg5[%add3A_291, %dma_start3A_301] : memref<200x128xi32, #tpu.memory_space<vmem>> -> memref<1x128xi32, #tpu.memory_space<vmem>>
        %dma_start3A_303 = tpu.memref_squeeze %dma_start3A_302 : memref<1x128xi32, #tpu.memory_space<vmem>> -> memref<128xi32, #tpu.memory_space<vmem>>
        %dma_start3A_304 = arith.constant 0 : i32
        %dma_start3A_305 = arith.constant 0 : i32
        %dma_start3A_306 = tpu.memref_slice %arg3[%dma_start3A_304, %dma_start3A_305] : memref<1000000x64xf32, #tpu.memory_space<hbm>> -> memref<1000000x64xf32, #tpu.memory_space<hbm>>
        tpu.enqueue_indirect_dma source(%dma_start3A_306 : memref<1000000x64xf32, #tpu.memory_space<hbm>>) target(%arg8 : memref<128x64xf32, #tpu.memory_space<vmem>>) offsets(%dma_start3A_303 : memref<128xi32, #tpu.memory_space<vmem>>) semaphore(%arg16 : memref<!tpu.dma_semaphore, #tpu.memory_space<semaphore_mem>>)
      } else {
      }
    }
    %scan3A_27 = arith.constant 25 : i32
    %dma_wait3A = arith.constant 0 : i32
    %dma_wait3A_28 = tpu.memref_slice %arg4[%mul3A_2, %dma_wait3A] : memref<819200x64xf32, #tpu.memory_space<hbm>> -> memref<128x64xf32, #tpu.memory_space<hbm>>
    %dma_wait3A_29 = arith.constant 0 : i32
    %dma_wait3A_30 = tpu.memref_slice %arg4[%mul3A_2, %dma_wait3A_29] : memref<819200x64xf32, #tpu.memory_space<hbm>> -> memref<128x64xf32, #tpu.memory_space<hbm>>
    tpu.wait_dma2 semaphore(%arg22 : memref<!tpu.dma_semaphore, #tpu.memory_space<semaphore_mem>>) src(%arg6 : memref<128x64xf32, #tpu.memory_space<vmem>>) dst(%dma_wait3A_30 : memref<128x64xf32, #tpu.memory_space<hbm>>)
    %dma_wait3A_31 = arith.constant 0 : i32
    %dma_wait3A_32 = tpu.memref_slice %arg4[%mul3A_2, %dma_wait3A_31] : memref<819200x64xf32, #tpu.memory_space<hbm>> -> memref<128x64xf32, #tpu.memory_space<hbm>>
    %dma_wait3A_33 = arith.constant 0 : i32
    %dma_wait3A_34 = tpu.memref_slice %arg4[%mul3A_2, %dma_wait3A_33] : memref<819200x64xf32, #tpu.memory_space<hbm>> -> memref<128x64xf32, #tpu.memory_space<hbm>>
    tpu.wait_dma2 semaphore(%arg23 : memref<!tpu.dma_semaphore, #tpu.memory_space<semaphore_mem>>) src(%arg7 : memref<128x64xf32, #tpu.memory_space<vmem>>) dst(%dma_wait3A_34 : memref<128x64xf32, #tpu.memory_space<hbm>>)
    %dma_wait3A_35 = arith.constant 0 : i32
    %dma_wait3A_36 = tpu.memref_slice %arg4[%mul3A_2, %dma_wait3A_35] : memref<819200x64xf32, #tpu.memory_space<hbm>> -> memref<128x64xf32, #tpu.memory_space<hbm>>
    %dma_wait3A_37 = arith.constant 0 : i32
    %dma_wait3A_38 = tpu.memref_slice %arg4[%mul3A_2, %dma_wait3A_37] : memref<819200x64xf32, #tpu.memory_space<hbm>> -> memref<128x64xf32, #tpu.memory_space<hbm>>
    tpu.wait_dma2 semaphore(%arg24 : memref<!tpu.dma_semaphore, #tpu.memory_space<semaphore_mem>>) src(%arg8 : memref<128x64xf32, #tpu.memory_space<vmem>>) dst(%dma_wait3A_38 : memref<128x64xf32, #tpu.memory_space<hbm>>)
    %dma_wait3A_39 = arith.constant 0 : i32
    %dma_wait3A_40 = tpu.memref_slice %arg4[%mul3A_2, %dma_wait3A_39] : memref<819200x64xf32, #tpu.memory_space<hbm>> -> memref<128x64xf32, #tpu.memory_space<hbm>>
    %dma_wait3A_41 = arith.constant 0 : i32
    %dma_wait3A_42 = tpu.memref_slice %arg4[%mul3A_2, %dma_wait3A_41] : memref<819200x64xf32, #tpu.memory_space<hbm>> -> memref<128x64xf32, #tpu.memory_space<hbm>>
    tpu.wait_dma2 semaphore(%arg25 : memref<!tpu.dma_semaphore, #tpu.memory_space<semaphore_mem>>) src(%arg9 : memref<128x64xf32, #tpu.memory_space<vmem>>) dst(%dma_wait3A_42 : memref<128x64xf32, #tpu.memory_space<hbm>>)
    %dma_wait3A_43 = arith.constant 0 : i32
    %dma_wait3A_44 = tpu.memref_slice %arg4[%mul3A_2, %dma_wait3A_43] : memref<819200x64xf32, #tpu.memory_space<hbm>> -> memref<128x64xf32, #tpu.memory_space<hbm>>
    %dma_wait3A_45 = arith.constant 0 : i32
    %dma_wait3A_46 = tpu.memref_slice %arg4[%mul3A_2, %dma_wait3A_45] : memref<819200x64xf32, #tpu.memory_space<hbm>> -> memref<128x64xf32, #tpu.memory_space<hbm>>
    tpu.wait_dma2 semaphore(%arg26 : memref<!tpu.dma_semaphore, #tpu.memory_space<semaphore_mem>>) src(%arg10 : memref<128x64xf32, #tpu.memory_space<vmem>>) dst(%dma_wait3A_46 : memref<128x64xf32, #tpu.memory_space<hbm>>)
    %dma_wait3A_47 = arith.constant 0 : i32
    %dma_wait3A_48 = tpu.memref_slice %arg4[%mul3A_2, %dma_wait3A_47] : memref<819200x64xf32, #tpu.memory_space<hbm>> -> memref<128x64xf32, #tpu.memory_space<hbm>>
    %dma_wait3A_49 = arith.constant 0 : i32
    %dma_wait3A_50 = tpu.memref_slice %arg4[%mul3A_2, %dma_wait3A_49] : memref<819200x64xf32, #tpu.memory_space<hbm>> -> memref<128x64xf32, #tpu.memory_space<hbm>>
    tpu.wait_dma2 semaphore(%arg27 : memref<!tpu.dma_semaphore, #tpu.memory_space<semaphore_mem>>) src(%arg11 : memref<128x64xf32, #tpu.memory_space<vmem>>) dst(%dma_wait3A_50 : memref<128x64xf32, #tpu.memory_space<hbm>>)
    %dma_wait3A_51 = arith.constant 0 : i32
    %dma_wait3A_52 = tpu.memref_slice %arg4[%mul3A_2, %dma_wait3A_51] : memref<819200x64xf32, #tpu.memory_space<hbm>> -> memref<128x64xf32, #tpu.memory_space<hbm>>
    %dma_wait3A_53 = arith.constant 0 : i32
    %dma_wait3A_54 = tpu.memref_slice %arg4[%mul3A_2, %dma_wait3A_53] : memref<819200x64xf32, #tpu.memory_space<hbm>> -> memref<128x64xf32, #tpu.memory_space<hbm>>
    tpu.wait_dma2 semaphore(%arg28 : memref<!tpu.dma_semaphore, #tpu.memory_space<semaphore_mem>>) src(%arg12 : memref<128x64xf32, #tpu.memory_space<vmem>>) dst(%dma_wait3A_54 : memref<128x64xf32, #tpu.memory_space<hbm>>)
    %dma_wait3A_55 = arith.constant 0 : i32
    %dma_wait3A_56 = tpu.memref_slice %arg4[%mul3A_2, %dma_wait3A_55] : memref<819200x64xf32, #tpu.memory_space<hbm>> -> memref<128x64xf32, #tpu.memory_space<hbm>>
    %dma_wait3A_57 = arith.constant 0 : i32
    %dma_wait3A_58 = tpu.memref_slice %arg4[%mul3A_2, %dma_wait3A_57] : memref<819200x64xf32, #tpu.memory_space<hbm>> -> memref<128x64xf32, #tpu.memory_space<hbm>>
    tpu.wait_dma2 semaphore(%arg29 : memref<!tpu.dma_semaphore, #tpu.memory_space<semaphore_mem>>) src(%arg13 : memref<128x64xf32, #tpu.memory_space<vmem>>) dst(%dma_wait3A_58 : memref<128x64xf32, #tpu.memory_space<hbm>>)
    return
  }
}

</mosaic_0001>

<sc_bundles>
// kernel: _sc_embed.3.cloned.1.call-start
scs
__scs_entry_jumppad:
0x0: {  	(pc) =	sbr.rel $0x88, $3  }
0x1: {  	(tag) =	ssettag $0x0;
	lr =	simm.s32 $0x1  }
0x2: {  	[smem:$0x3F9F] =	sst lr;
	_ =	strace $0xD0000000  }
0x3: {  	_ = 	snop  }
0x4: {  	_ = 	snop  }
0x5: {  	_ = 	snop  }
0x6: {  	_ = 	snop  }
0x7: {  	_ = 	snop  }
__scs_overlays_trampoline_lowered:
0x8: {  	[smem:$0x3FAE] =	sst s0  }
0x9: {  	[smem:$0x3FAF] =	sst s1  }
0xa: {  	[smem:$0x3FB0] =	sst s2  }
0xb: {  	[smem:$0x3FB1] =	sst s3  }
0xc: {  	[smem:$0x3FB2] =	sst s4  }
0xd: {  	[smem:$0x3FB3] =	sst s5  }
0xe: {  	[smem:$0x3FB4] =	sst s6  }
0xf: {  	[smem:$0x3FB5] =	sst s7  }
0x10: {  	[smem:$0x3FB6] =	sst s8  }
0x11: {  	[smem:$0x3FB7] =	sst s9;
	s0 =	simm.s32 @!p0 $0x0  }
0x12: {  	s1 =	sld [smem:$0x3F9D];
	s0 =	simm.s32 @p0 $0x1  }
0x13: {  	[smem:$0x3FB8] =	sst s0;
	s0 =	simm.s32 @!p1 $0x0  }
0x14: {  	s2 =	sld [smem:$0x3F9C];
	s0 =	simm.s32 @p1 $0x1  }
0x15: {  	[smem:$0x3FB9] =	sst s0;
	s0 =	simm.s32 @!p2 $0x0  }
0x16: {  	s3 =	sld [smem:$0x3FDB];
	s0 =	simm.s32 @p2 $0x1  }
0x17: {  	s4 =	simm.s32 $0x1BF5;
	[smem:$0x3FBB] =	sst s0  }
0x18: {  	s0 =	sld [smem:$0x3F9E];
	_ =	swait.ge [sflag:s4], $0x0  }
0x19: {  	s7 =	sld [smem:$0x3F9F]  }
0x1a: {  	s8 =	sadd.s32 $0xFFFFE003, lr  }
0x1b: {  	s9 =	sadd.s32 $0xFFFFFEF7, lr;
	s5 =	simm.s32 $0xFFFFFFFF;
	p2 =	slt.u32 s8, $0xFFFFF086  }
0x1c: {  	p1 =	slt.u32 s9, $0xF7A;
	s5 =	simm.s32 @!p2 $0x0  }
0x1d: {  	s5 =	simm.s32 @p1 $0x1;
	p0 =	seq.s32 s7, s2  }
0x1e: {  	s7 =	smul.u32 @!p0 $0xF7A, s2;
	p2 =	seq.s32 @!p0 s5, $0x0  }
0x1f: {  	s9 =	smul.u32 $0xF7A, s1;
	s8 =	simm.s32 @!p0 $0x1BF5;
	p2 =	por !p2, p0  }
0x20: {  	[sflag:s8] =	ssyncset.s32 @!p0 $0xFFFFF086;
	s6 =	sadd.s32 @!p0 s3, s7;
	s7 =	simm.s32 @!p0 $0x108  }
0x21: {  	s3 =	sadd.s32 s3, s9;
	s6 =	sadd.s32 @!p0 $0x88, s6;
	s7 =	simm.s32 @p2 $0x1082  }
0x22: {  	[simem:s7], [sflag:s8] =	dma.local @!p0 [hbm:s6], $0xF7A  }
0x23: {  	s9 =	sor.u32 $0xD0000000, s2;
	s6 =	simm.s32 $0x108;
	_ =	swait.ge @!p0 [sflag:s8], $0x0  }
0x24: {  	s3 =	sadd.s32 $0x88, s3;
	s6 =	simm.s32 @!p1 $0x1082;
	[sflag:s4] =	ssyncset.s32 $0xFFFFF086  }
0x25: {  	[simem:s6], [sflag:s4] =	dma.local [hbm:s3], $0xF7A  }
0x26: {  	[smem:$0x3F9F] =	sst s1;
	(tag) =	ssettag s2;
	_ =	strace s9  }
0x27: {  	s1 =	sld [smem:$0x3FAF]  }
0x28: {  	s2 =	sld [smem:$0x3FB0]  }
0x29: {  	s4 =	sld [smem:$0x3FB2]  }
0x2a: {  	p0 =	seq.s32 s5, $0x0;
	s5 =	sld [smem:$0x3FB3]  }
0x2b: {  	s6 =	sld [smem:$0x3FB4]  }
0x2c: {  	s7 =	sld [smem:$0x3FB5]  }
0x2d: {  	s3 =	simm.s32 $0x108;
	s8 =	sld [smem:$0x3FB6]  }
0x2e: {  	s3 =	simm.s32 @!p0 $0x1082;
	s9 =	sld [smem:$0x3FB7]  }
0x2f: {  	lr =	sadd.s32 s0, s3;
	s0 =	sld [smem:$0x3FAE]  }
0x30: {  	s3 =	sld [smem:$0x3FB1]  }
0x31: {  	[smem:$0x3FBA] =	sst s10  }
0x32: {  	s10 =	sld [smem:$0x3FB8];
	_ =	sdelay $0x3  }
0x33: {  	p0 =	seq.s32 s10, $0x1;
	s10 =	sld [smem:$0x3FBA];
	_ =	sdelay $0x3  }
0x34: {  	[smem:$0x3FBA] =	sst s10  }
0x35: {  	s10 =	sld [smem:$0x3FB9];
	_ =	sdelay $0x3  }
0x36: {  	p1 =	seq.s32 s10, $0x1;
	s10 =	sld [smem:$0x3FBA];
	_ =	sdelay $0x3  }
0x37: {  	[smem:$0x3FBA] =	sst s10  }
0x38: {  	s10 =	sld [smem:$0x3FBB]  }
0x39: {  	_ = 	snop;
	(pc) =	sbr.ind lr, $3  }
0x3a: {  	_ = 	snop  }
0x3b: {  	_ = 	snop  }
0x3c: {  	p2 =	seq.s32 s10, $0x1;
	s10 =	sld [smem:$0x3FBA]  }
0x3d: {  	_ =	shalt  }
0x3e: {  	_ =	shalt  }
0x3f: {  	_ =	shalt  }
0x40: {  	_ =	shalt  }
0x41: {  	_ =	shalt  }
0x42: {  	_ =	shalt  }
0x43: {  	_ =	shalt  }
0x44: {  	_ =	shalt  }
0x45: {  	_ =	shalt  }
0x46: {  	_ =	shalt  }
0x47: {  	_ =	shalt  }
0x48: {  	_ =	shalt  }
0x49: {  	_ =	shalt  }
0x4a: {  	_ =	shalt  }
0x4b: {  	_ =	shalt  }
0x4c: {  	_ =	shalt  }
0x4d: {  	_ =	shalt  }
0x4e: {  	_ =	shalt  }
0x4f: {  	_ =	shalt  }
0x50: {  	_ =	shalt  }
0x51: {  	_ =	shalt  }
0x52: {  	_ =	shalt  }
0x53: {  	_ =	shalt  }
0x54: {  	_ =	shalt  }
0x55: {  	_ =	shalt  }
0x56: {  	_ =	shalt  }
0x57: {  	_ =	shalt  }
0x58: {  	_ =	shalt  }
0x59: {  	_ =	shalt  }
0x5a: {  	_ =	shalt  }
0x5b: {  	_ =	shalt  }
0x5c: {  	_ =	shalt  }
0x5d: {  	_ =	shalt  }
0x5e: {  	_ =	shalt  }
0x5f: {  	_ =	shalt  }
0x60: {  	_ =	shalt  }
0x61: {  	_ =	shalt  }
0x62: {  	_ =	shalt  }
0x63: {  	_ =	shalt  }
0x64: {  	_ =	shalt  }
0x65: {  	_ =	shalt  }
0x66: {  	_ =	shalt  }
0x67: {  	_ =	shalt  }
0x68: {  	_ =	shalt  }
0x69: {  	_ =	shalt  }
0x6a: {  	_ =	shalt  }
0x6b: {  	_ =	shalt  }
0x6c: {  	_ =	shalt  }
0x6d: {  	_ =	shalt  }
0x6e: {  	_ =	shalt  }
0x6f: {  	_ =	shalt  }
0x70: {  	_ =	shalt  }
0x71: {  	_ =	shalt  }
0x72: {  	_ =	shalt  }
0x73: {  	_ =	shalt  }
0x74: {  	_ =	shalt  }
0x75: {  	_ =	shalt  }
0x76: {  	_ =	shalt  }
0x77: {  	_ =	shalt  }
0x78: {  	_ =	shalt  }
0x79: {  	_ =	shalt  }
0x7a: {  	_ =	shalt  }
0x7b: {  	_ =	shalt  }
0x7c: {  	_ =	shalt  }
0x7d: {  	_ =	shalt  }
0x7e: {  	_ =	shalt  }
0x7f: {  	_ =	shalt  }
0x80: {  	_ =	shalt  }
0x81: {  	_ =	shalt  }
0x82: {  	_ =	shalt  }
0x83: {  	_ =	shalt  }
0x84: {  	_ =	shalt  }
0x85: {  	_ =	shalt  }
0x86: {  	_ =	shalt  }
0x87: {  	_ =	shalt  }
.Lfunc_end0:
.L_simem_size_0:
called_computation.1_lowered:
.L_overlay_start_0:
0x88: {  	s2 =	sld [smem:$0x3FD9]  }
0x89: {  	s3 =	sld [smem:$0x3FFE];
	_ =	sdelay $0x1  }
0x8a: {  	s1 =	srdreg.scid  }
0x8b: {  	s0 =	sand.u32 $0x1, s1  }
0x8c: {  	s17 =	sshll.u32 s0, $0xA;
	s2 =	sadd.s32 s3, s2  }
0x8d: {  	s2 =	sadd.s32 s2, s17  }
0x8e: {  	[smem:$0x3FC6] =	sst s2  }
0x8f: {  	_ = 	snop  }
0x90: {  	s2 =	sld [smem:$0x3FC9]  }
0x91: {  	s18 =	sld [smem:$0x3FD0];
	(tm) =	ssettm $0x1  }
0x92: {  	s4 =	sld [smem:$0x3FFB];
	_ =	sdelay $0x3  }
0x93: {  	_ =	strace s4  }
0x94: {  	s4 =	sld [smem:$0x3FFC];
	_ =	sdelay $0x3  }
0x95: {  	_ =	strace s4  }
0x96: {  	s4 =	sld [smem:$0x3FFD];
	_ =	sdelay $0x3  }
0x97: {  	_ =	strace s4  }
0x98: {  	_ =	strace $0x8FFFFFFF  }
0x99: {  	s19 =	sld [smem:$0x3FDB];
	_ =	sdelay $0x1  }
0x9a: {  	s5 =	simm.s32 $_scs_section_size  }
0x9b: {  	s6 =	simm.s32 $_size__tile_overlayer_lowered;
	s7 =	simm.s32 $_tile_overlayer_lowered  }
0x9c: {  	s22 =	simm.s32 $0x1BFF;
	s21 =	sshll.u32 s7, $0x1;
	s4 =	sadd.s32 s5, s19  }
0x9d: {  	s8 =	simm.s32 $0x0;
	s20 =	sshll.u32 s6, $0x1;
	s6 =	sadd.s32 s21, s4  }
0x9e: {  	[timem:s8], [sflag:s22] =	dma.local [hbm:s6], s20  }
0x9f: {  	_ =	swait.ge [sflag:s22], s20  }
0xa0: {  	s5 =	ssub.s32 $0x0, s20;
	[sflag:s22] =	ssyncset.done $0x0  }
0xa1: {  	[sflag:s22] =	ssyncadd.s32 s5;
	_ =	sdelay $0x1  }
0xa2: {  	s23 =	simm.s32 $0x1B8B  }
0xa3: {  	_ =	swait.ge [sflag:s23], $0x1  }
0xa4: {  	[sflag:s23] =	ssyncset.done $0x0  }
0xa5: {  	s25 =	simm.s32 $0x1B8E;
	s24 =	sld [smem:$0x3FFE];
	[sflag:s23] =	ssyncadd.s32 $0xFFFFFFFF  }
0xa6: {  	s26 =	simm.s32 $execute0_lowered;
	[smem:$0x3FD2] =	sst s25  }
0xa7: {  	s6 =	sshll.u32 s26, $0x1;
	_ =	strace $0x80000046;
	[dreg:$0x1] =	wrdreg $0xFFFFFFFF  }
0xa8: {  	s28 =	simm.s32 $_size_execute0_lowered;
	s4 =	sadd.s32 s4, s6;
	[dreg:$0x0] =	wrdreg $0x0  }
0xa9: {  	s6 =	sshll.u32 s28, $0x1;
	[dreg:$0x2] =	wrdreg s4  }
0xaa: {  	[dreg:$0x3] =	wrdreg s6  }
0xab: {  	[dreg:$0x4] =	wrdreg $0xC0  }
0xac: {  	_ =	task [dreg:s8], $0x5FFFF  }
0xad: {  	[dreg:$0x1] =	wrdreg $0xFFFFFFFF  }
0xae: {  	[dreg:$0x0] =	wrdreg $0x60  }
0xaf: {  	[dreg:$0x2] =	wrdreg s2  }
0xb0: {  	[dreg:$0x3] =	wrdreg s24  }
0xb1: {  	[dreg:$0x4] =	wrdreg s18  }
0xb2: {  	[dreg:$0x5] =	wrdreg $0x9  }
0xb3: {  	_ =	task.clear_ibuf [dreg:s8], $0x6FFFF;
	_ =	strace $0x90000046  }
0xb4: {  	s29 =	simm.s32 $0x9;
	_ =	strace $0x80000048  }
0xb5: {  	_ =	swait.ge [sflag:s29], $0x1  }
0xb6: {  	[sflag:s29] =	ssyncadd.s32 $0xFFFFFFFF  }
0xb7: {  	_ =	strace $0x90000048  }
0xb8: {  	_ =	sfence  }
0xb9: {  	s30 =	sld [smem:$0x0];
	_ =	sdelay $0x2  }
0xba: {  	s31 =	sshll.u32 s1, $0xD;
	s1 =	sshrl.u32 s1, $0x2  }
0xbb: {  	s3 =	sand.u32 $0x4000, s31;
	s1 =	sadd.s32 s1, s30  }
0xbc: {  	s0 =	sor.u32 s3, s0;
	s1 =	sshll.u32 s1, $0x11  }
0xbd: {  	s0 =	sor.u32 s1, s0  }
0xbe: {  	s0 =	sadd.s32 $0x8F2B, s0  }
0xbf: {  	[sflag:s0] =	ssyncadd.remote.s32 $0x1  }
0xc0: {  	_ =	sfence.sel $0xFFFF  }
0xc1: {  	[dreg:$0x0] =	wrdreg $0xFFFFFFFF;
	(pc) =	sbr.abs _section_cstart, $3  }
0xc2: {  	[dreg:$0x1] =	wrdreg $0xFFFFFFFF  }
0xc3: {  	_ =	task.clear_ibuf [dreg:s8], $0x2FFFF;
	_ =	strace $0x9FFFFFFF  }
0xc4: {  	(tm) =	ssettm $0x7FFFFFFF  }
0xc5: {  	_ =	shalt  }
tec
execute0_lowered:
.L_overlay_start_1:
0x0: {  	(tag) =	ssettag $0x1  }
0x1: {  	s0 =	rddreg [dreg:$0x0]  }
0x2: {  	s1 =	rddreg [dreg:$0x1];
	s3 =	srdreg.scid  }
0x3: {  	s5 =	stileid.u32;
	s2 =	rddreg [dreg:$0x2];
	s11 =	simm.s32 $0x80  }
0x4: {  	s15 =	simm.s32 $0xA400;
	s16 =	simm.s32 $0x1;
	s17 =	simm.s32 $0xC400  }
0x5: {  	s18 =	simm.s32 $0x2;
	s19 =	simm.s32 $0xE400;
	s20 =	simm.s32 $0x3  }
0x6: {  	s21 =	simm.s32 $0x10400;
	s22 =	simm.s32 $0x4;
	s23 =	simm.s32 $0x12400  }
0x7: {  	s24 =	simm.s32 $0x5;
	s25 =	simm.s32 $0x14400;
	s28 =	simm.s32 $0x7  }
0x8: {  	s29 =	simm.s32 $0x8;
	s4 =	sand.u32 $0x1, s3;
	s5 =	sshll.u32 s5, $0x1  }
0x9: {  	s9 =	simm.s32 $0x0;
	s3 =	simm.s32 $0x0;
	s5 =	sor.u32 s4, s5  }
0xa: {  	[smem:$0x7FF] =	sst s3;
	s6 =	ssub.s32 $0x2, s4;
	s8 =	smul.u32 $0x6400, s5  }
.Ltmp0:
0xb: {  	s4 =	sadd.s32 $0xF42C00, s1;
	s7 =	sshrl.u32 s6, $0x1;
	(pc) =	sbr.rel .LBB2_1-.Ltmp0, $4  }
0xc: {  	s1 =	simm.s32 $0xB;
	_ =	strace $0x80000047;
	s26 =	ssub.s32 s6, s7  }
0xd: {  	s6 =	smul.u32 $0x190000, s5;
	s30 =	sshrl.u32 s8, $0x3;
	s31 =	smax.u32 s26, $0x1  }
0xe: {  	s7 =	sor.u32 $0x80, s8;
	s0 =	sadd.s32 s0, s30;
	[dreg:$0x5] =	wrdreg s31  }
0xf: {  	s8 =	sor.u32 $0x100, s8;
	s26 =	simm.s32 $0x6;
	[dreg:$0x4] =	wrdreg s0  }
.LBB2_20:
0x10: {  	s0 =	simm.s32 $0x9  }
0x11: {  	_ =	swait.ge [sflag:s0], $0x2000  }
0x12: {  	[sflag:s0] =	ssyncset.done $0x0  }
0x13: {  	s10 =	simm.s32 $0xA;
	[sflag:s0] =	ssyncadd.s32 $0xFFFFE000  }
0x14: {  	_ =	swait.ge [sflag:s10], $0x2000  }
0x15: {  	[sflag:s10] =	ssyncset.done $0x0  }
0x16: {  	[sflag:s10] =	ssyncadd.s32 $0xFFFFE000  }
0x17: {  	_ =	swait.ge [sflag:s1], $0x2000  }
0x18: {  	[sflag:s1] =	ssyncset.done $0x0  }
0x19: {  	s12 =	simm.s32 $0xC;
	[sflag:s1] =	ssyncadd.s32 $0xFFFFE000  }
0x1a: {  	_ =	swait.ge [sflag:s12], $0x2000  }
0x1b: {  	[sflag:s12] =	ssyncset.done $0x0  }
0x1c: {  	s13 =	simm.s32 $0xD;
	[sflag:s12] =	ssyncadd.s32 $0xFFFFE000  }
0x1d: {  	_ =	swait.ge [sflag:s13], $0x2000  }
0x1e: {  	[sflag:s13] =	ssyncset.done $0x0  }
0x1f: {  	s14 =	simm.s32 $0xE;
	[sflag:s13] =	ssyncadd.s32 $0xFFFFE000  }
0x20: {  	_ =	swait.ge [sflag:s14], $0x2000  }
0x21: {  	[sflag:s14] =	ssyncset.done $0x0  }
0x22: {  	s30 =	simm.s32 $0xF;
	[sflag:s14] =	ssyncadd.s32 $0xFFFFE000  }
0x23: {  	_ =	swait.ge [sflag:s30], $0x2000  }
0x24: {  	[sflag:s30] =	ssyncset.done $0x0  }
0x25: {  	s5 =	simm.s32 $0x10;
	[sflag:s30] =	ssyncadd.s32 $0xFFFFE000  }
0x26: {  	_ =	swait.ge [sflag:s5], $0x2000  }
0x27: {  	s9 =	rddreg [dreg:$0x6]  }
0x28: {  	s31 =	rddreg [dreg:$0x5];
	s9 =	sadd.s32 $0x1, s9  }
0x29: {  	p0 =	sne.s32 s9, s31  }
.Ltmp1:
0x2a: {  	_ = 	snop;
	(pc) =	sbr.rel @!p0 .LBB2_21-.Ltmp1, $3  }
0x2b: {  	_ =	sdelay $0x1  }
0x2c: {  	[sflag:s5] =	ssyncset.done $0x0  }
0x2d: {  	[sflag:s5] =	ssyncadd.s32 $0xFFFFE000  }
.LBB2_1:
0x2e: {  	[dreg:$0x6] =	wrdreg s9  }
0x2f: {  	s0 =	rddreg [dreg:$0x4];
	s12 =	simm.s32 $0x11  }
0x30: {  	[tilespmem:s3], [sflag:$0x11] =	stream.linear.gather [hbm4b:s0+s3], $0x6400, $0x38;
	[tilespmem:$0x16400] =	vst v63  }
0x31: {  	_ =	swait.ge [sflag:s12], $0x6400  }
0x32: {  	[sflag:s12] =	ssyncset.done $0x0  }
0x33: {  	s13 =	simm.s32 $0x6400;
	[sflag:s12] =	ssyncadd.s32 $0xFFFF9C00  }
0x34: {  	[tilespmem:s13], [sflag:$0x1] =	stream.indirect.gather [hbm4b:s4+s11], $0x40, s3, s11, $0xb8;
	[tilespmem:$0x16400] =	vst v63  }
0x35: {  	s14 =	simm.s32 $0x8400  }
0x36: {  	[tilespmem:s14], [sflag:$0x2] =	stream.indirect.gather [hbm4b:s4+s11], $0x40, s11, s11, $0xb8;
	[tilespmem:$0x16400] =	vst v63  }
0x37: {  	s30 =	simm.s32 $0x100;
	s31 =	simm.s32 $0x0  }
0x38: {  	[tilespmem:s15], [sflag:$0x3] =	stream.indirect.gather [hbm4b:s4+s11], $0x40, s30, s11, $0xb8;
	[tilespmem:$0x16400] =	vst v63  }
.LBB2_2:
0x39: {  	_ =	swait.ge [sflag:s16], $0x2000  }
0x3a: {  	[sflag:s16] =	ssyncset.done $0x0  }
0x3b: {  	s0 =	simm.s32 $0x0;
	[sflag:s16] =	ssyncadd.s32 $0xFFFFE000  }
0x3c: {  	v0 =	vld [tilespmem:s0+$0x6400]  }
0x3d: {  	v1 =	vld [tilespmem:s0+$0x6410]  }
0x3e: {  	v2 =	vld [tilespmem:s0+$0x6420]  }
0x3f: {  	v3 =	vld [tilespmem:s0+$0x6430]  }
0x40: {  	v4 =	vld [tilespmem:s0+$0x6440]  }
0x41: {  	v5 =	vld [tilespmem:s0+$0x6450];
	v0 =	vmul.f32 $8.000000000e+00, v0  }
0x42: {  	v6 =	vld [tilespmem:s0+$0x6460];
	v1 =	vmul.f32 $8.000000000e+00, v1  }
0x43: {  	v7 =	vld [tilespmem:s0+$0x6470];
	[tilespmem:s0+$0x6400] =	vst v0;
	v0 =	vmul.f32 $8.000000000e+00, v2  }
0x44: {  	v8 =	vld [tilespmem:s0+$0x6480];
	[tilespmem:s0+$0x6410] =	vst v1;
	v1 =	vmul.f32 $8.000000000e+00, v3  }
0x45: {  	v9 =	vld [tilespmem:s0+$0x6490];
	[tilespmem:s0+$0x6420] =	vst v0;
	v0 =	vmul.f32 $8.000000000e+00, v4  }
0x46: {  	v2 =	vmul.f32 $8.000000000e+00, v5;
	[tilespmem:s0+$0x6430] =	vst v1;
	v1 =	vld [tilespmem:s0+$0x64A0]  }
0x47: {  	v3 =	vmul.f32 $8.000000000e+00, v6;
	[tilespmem:s0+$0x6440] =	vst v0;
	v0 =	vld [tilespmem:s0+$0x64B0]  }
0x48: {  	[tilespmem:s0+$0x6450] =	vst v2;
	v2 =	vld [tilespmem:s0+$0x64C0];
	v4 =	vmul.f32 $8.000000000e+00, v7  }
0x49: {  	v6 =	vmul.f32 $8.000000000e+00, v8;
	[tilespmem:s0+$0x6460] =	vst v3;
	v3 =	vld [tilespmem:s0+$0x64D0]  }
0x4a: {  	s5 =	simm.s32 $0x400;
	v5 =	vmul.f32 $8.000000000e+00, v9;
	[tilespmem:s0+$0x6470] =	vst v4;
	v4 =	vld [tilespmem:s0+$0x64E0]  }
.LBB2_3:
0x4b: {  	s9 =	sshra.s32 s5, $0x2;
	p0 =	sne.s32 s5, $0x7C00;
	[tilespmem:s0+$0x6480] =	vst v6;
	v1 =	vmul.f32 $8.000000000e+00, v1;
	v6 =	vld [tilespmem:s0+$0x64F0]  }
0x4c: {  	v7 =	vld [tilespmem:s9+$0x6400];
	[tilespmem:s0+$0x6490] =	vst v5;
	v0 =	vmul.f32 $8.000000000e+00, v0  }
0x4d: {  	v5 =	vld [tilespmem:s9+$0x6410];
	[tilespmem:s0+$0x64A0] =	vst v1;
	v1 =	vmul.f32 $8.000000000e+00, v2  }
0x4e: {  	v2 =	vld [tilespmem:s9+$0x6420];
	[tilespmem:s0+$0x64B0] =	vst v0;
	v0 =	vmul.f32 $8.000000000e+00, v3  }
0x4f: {  	v3 =	vld [tilespmem:s9+$0x6430];
	[tilespmem:s0+$0x64C0] =	vst v1;
	v1 =	vmul.f32 $8.000000000e+00, v4  }
0x50: {  	v4 =	vld [tilespmem:s9+$0x6440];
	[tilespmem:s0+$0x64D0] =	vst v0;
	v0 =	vmul.f32 $8.000000000e+00, v6  }
0x51: {  	v6 =	vmul.f32 $8.000000000e+00, v7;
	v7 =	vld [tilespmem:s9+$0x6450];
	[tilespmem:s0+$0x64E0] =	vst v1  }
0x52: {  	v1 =	vmul.f32 $8.000000000e+00, v5;
	v5 =	vld [tilespmem:s9+$0x6460];
	[tilespmem:s0+$0x64F0] =	vst v0;
	s0 =	smov.u32 s9  }
0x53: {  	[tilespmem:s0+$0x6400] =	vst v6;
	v0 =	vmul.f32 $8.000000000e+00, v2;
	v2 =	vld [tilespmem:s0+$0x6470]  }
0x54: {  	[tilespmem:s0+$0x6410] =	vst v1;
	v1 =	vmul.f32 $8.000000000e+00, v3;
	v3 =	vld [tilespmem:s0+$0x6480]  }
0x55: {  	[tilespmem:s0+$0x6420] =	vst v0;
	v0 =	vmul.f32 $8.000000000e+00, v4;
	v4 =	vld [tilespmem:s0+$0x6490]  }
.Ltmp2:
0x56: {  	[tilespmem:s0+$0x6430] =	vst v1;
	v6 =	vmul.f32 $8.000000000e+00, v7;
	v1 =	vld [tilespmem:s0+$0x64A0];
	(pc) =	sbr.rel @p0 .LBB2_3-.Ltmp2, $4  }
0x57: {  	[tilespmem:s0+$0x6440] =	vst v0;
	v5 =	vmul.f32 $8.000000000e+00, v5;
	v0 =	vld [tilespmem:s0+$0x64B0]  }
0x58: {  	[tilespmem:s0+$0x6450] =	vst v6;
	v7 =	vmul.f32 $8.000000000e+00, v2;
	v2 =	vld [tilespmem:s0+$0x64C0]  }
0x59: {  	[tilespmem:s0+$0x6460] =	vst v5;
	v6 =	vmul.f32 $8.000000000e+00, v3;
	v3 =	vld [tilespmem:s0+$0x64D0]  }
0x5a: {  	s5 =	sadd.s32 $0x400, s5;
	[tilespmem:s0+$0x6470] =	vst v7;
	v5 =	vmul.f32 $8.000000000e+00, v4;
	v4 =	vld [tilespmem:s0+$0x64E0]  }
0x5b: {  	[tilespmem:s0+$0x6480] =	vst v6;
	v1 =	vmul.f32 $8.000000000e+00, v1;
	v6 =	vld [tilespmem:s0+$0x64F0]  }
0x5c: {  	[tilespmem:s0+$0x6490] =	vst v5;
	v0 =	vmul.f32 $8.000000000e+00, v0  }
0x5d: {  	[tilespmem:s0+$0x64A0] =	vst v1;
	v1 =	vmul.f32 $8.000000000e+00, v2  }
0x5e: {  	[tilespmem:s0+$0x64B0] =	vst v0;
	v0 =	vmul.f32 $8.000000000e+00, v3  }
0x5f: {  	s5 =	sshll.u32 s31, $0x10;
	[tilespmem:s0+$0x64C0] =	vst v1;
	v1 =	vmul.f32 $8.000000000e+00, v4  }
0x60: {  	s5 =	sadd.s32 s6, s5;
	[tilespmem:s0+$0x64D0] =	vst v0;
	v0 =	vmul.f32 $8.000000000e+00, v6  }
0x61: {  	s5 =	sshrl.u32 s5, $0x3;
	[tilespmem:s0+$0x64E0] =	vst v1  }
0x62: {  	s14 =	simm.s32 $0x6400;
	p0 =	seq.s32 s31, $0x0;
	s13 =	sadd.s32 s2, s5;
	[tilespmem:s0+$0x64F0] =	vst v0  }
0x63: {  	[hbm4b:s13+s3] =	stream.linear.scatter [tilespmem:s14], [sflag:$0x9], $0x2000, $0x38;
	[tilespmem:$0x16400] =	vst v63  }
0x64: {  	s0 =	simm.s32 @!p0 $0xC;
	s14 =	sshll.u32 s31, $0x3  }
0x65: {  	s5 =	sor.u32 $0x3, s14;
	_ =	swait.ge @!p0 [sflag:s0], $0x2000  }
0x66: {  	[sflag:s0] =	ssyncset.done @!p0 $0x0;
	s9 =	sshll.u32 s5, $0x7  }
0x67: {  	[sflag:s0] =	ssyncadd.s32 @!p0 $0xFFFFE000;
	s30 =	sand.u32 $0x3FFFFF80, s9  }
0x68: {  	[tilespmem:s17], [sflag:$0x4] =	stream.indirect.gather [hbm4b:s4+s11], $0x40, s30, s11, $0xb8;
	[tilespmem:$0x16400] =	vst v63  }
0x69: {  	_ =	swait.ge [sflag:s18], $0x2000  }
0x6a: {  	[sflag:s18] =	ssyncset.done $0x0  }
0x6b: {  	s9 =	simm.s32 $0x0;
	[sflag:s18] =	ssyncadd.s32 $0xFFFFE000  }
0x6c: {  	v0 =	vld [tilespmem:s9+$0x8400]  }
0x6d: {  	v1 =	vld [tilespmem:s9+$0x8410]  }
0x6e: {  	v2 =	vld [tilespmem:s9+$0x8420]  }
0x6f: {  	v3 =	vld [tilespmem:s9+$0x8430]  }
0x70: {  	v4 =	vld [tilespmem:s9+$0x8440]  }
0x71: {  	v5 =	vld [tilespmem:s9+$0x8450];
	v0 =	vmul.f32 $8.000000000e+00, v0  }
0x72: {  	v6 =	vld [tilespmem:s9+$0x8460];
	v1 =	vmul.f32 $8.000000000e+00, v1  }
0x73: {  	v7 =	vld [tilespmem:s9+$0x8470];
	[tilespmem:s9+$0x8400] =	vst v0;
	v0 =	vmul.f32 $8.000000000e+00, v2  }
0x74: {  	v8 =	vld [tilespmem:s9+$0x8480];
	[tilespmem:s9+$0x8410] =	vst v1;
	v1 =	vmul.f32 $8.000000000e+00, v3  }
0x75: {  	v9 =	vld [tilespmem:s9+$0x8490];
	[tilespmem:s9+$0x8420] =	vst v0;
	v0 =	vmul.f32 $8.000000000e+00, v4  }
0x76: {  	v2 =	vmul.f32 $8.000000000e+00, v5;
	[tilespmem:s9+$0x8430] =	vst v1;
	v1 =	vld [tilespmem:s9+$0x84A0]  }
0x77: {  	v3 =	vmul.f32 $8.000000000e+00, v6;
	[tilespmem:s9+$0x8440] =	vst v0;
	v0 =	vld [tilespmem:s9+$0x84B0]  }
0x78: {  	[tilespmem:s9+$0x8450] =	vst v2;
	v2 =	vld [tilespmem:s9+$0x84C0];
	v4 =	vmul.f32 $8.000000000e+00, v7  }
0x79: {  	v6 =	vmul.f32 $8.000000000e+00, v8;
	[tilespmem:s9+$0x8460] =	vst v3;
	v3 =	vld [tilespmem:s9+$0x84D0]  }
0x7a: {  	s0 =	simm.s32 $0x400;
	v5 =	vmul.f32 $8.000000000e+00, v9;
	[tilespmem:s9+$0x8470] =	vst v4;
	v4 =	vld [tilespmem:s9+$0x84E0]  }
.LBB2_5:
0x7b: {  	s10 =	sshra.s32 s0, $0x2;
	p1 =	sne.s32 s0, $0x7C00;
	[tilespmem:s9+$0x8480] =	vst v6;
	v1 =	vmul.f32 $8.000000000e+00, v1;
	v6 =	vld [tilespmem:s9+$0x84F0]  }
0x7c: {  	v7 =	vld [tilespmem:s10+$0x8400];
	[tilespmem:s9+$0x8490] =	vst v5;
	v0 =	vmul.f32 $8.000000000e+00, v0  }
0x7d: {  	v5 =	vld [tilespmem:s10+$0x8410];
	[tilespmem:s9+$0x84A0] =	vst v1;
	v1 =	vmul.f32 $8.000000000e+00, v2  }
0x7e: {  	v2 =	vld [tilespmem:s10+$0x8420];
	[tilespmem:s9+$0x84B0] =	vst v0;
	v0 =	vmul.f32 $8.000000000e+00, v3  }
0x7f: {  	v3 =	vld [tilespmem:s10+$0x8430];
	[tilespmem:s9+$0x84C0] =	vst v1;
	v1 =	vmul.f32 $8.000000000e+00, v4  }
0x80: {  	v4 =	vld [tilespmem:s10+$0x8440];
	[tilespmem:s9+$0x84D0] =	vst v0;
	v0 =	vmul.f32 $8.000000000e+00, v6  }
0x81: {  	v6 =	vmul.f32 $8.000000000e+00, v7;
	v7 =	vld [tilespmem:s10+$0x8450];
	[tilespmem:s9+$0x84E0] =	vst v1  }
0x82: {  	v1 =	vmul.f32 $8.000000000e+00, v5;
	v5 =	vld [tilespmem:s10+$0x8460];
	[tilespmem:s9+$0x84F0] =	vst v0;
	s9 =	smov.u32 s10  }
0x83: {  	[tilespmem:s9+$0x8400] =	vst v6;
	v0 =	vmul.f32 $8.000000000e+00, v2;
	v2 =	vld [tilespmem:s9+$0x8470]  }
0x84: {  	[tilespmem:s9+$0x8410] =	vst v1;
	v1 =	vmul.f32 $8.000000000e+00, v3;
	v3 =	vld [tilespmem:s9+$0x8480]  }
0x85: {  	[tilespmem:s9+$0x8420] =	vst v0;
	v0 =	vmul.f32 $8.000000000e+00, v4;
	v4 =	vld [tilespmem:s9+$0x8490]  }
.Ltmp3:
0x86: {  	[tilespmem:s9+$0x8430] =	vst v1;
	v6 =	vmul.f32 $8.000000000e+00, v7;
	v1 =	vld [tilespmem:s9+$0x84A0];
	(pc) =	sbr.rel @p1 .LBB2_5-.Ltmp3, $4  }
0x87: {  	[tilespmem:s9+$0x8440] =	vst v0;
	v5 =	vmul.f32 $8.000000000e+00, v5;
	v0 =	vld [tilespmem:s9+$0x84B0]  }
0x88: {  	[tilespmem:s9+$0x8450] =	vst v6;
	v7 =	vmul.f32 $8.000000000e+00, v2;
	v2 =	vld [tilespmem:s9+$0x84C0]  }
0x89: {  	[tilespmem:s9+$0x8460] =	vst v5;
	v6 =	vmul.f32 $8.000000000e+00, v3;
	v3 =	vld [tilespmem:s9+$0x84D0]  }
0x8a: {  	s0 =	sadd.s32 $0x400, s0;
	[tilespmem:s9+$0x8470] =	vst v7;
	v5 =	vmul.f32 $8.000000000e+00, v4;
	v4 =	vld [tilespmem:s9+$0x84E0]  }
0x8b: {  	[tilespmem:s9+$0x8480] =	vst v6;
	v1 =	vmul.f32 $8.000000000e+00, v1;
	v6 =	vld [tilespmem:s9+$0x84F0]  }
0x8c: {  	[tilespmem:s9+$0x8490] =	vst v5;
	v0 =	vmul.f32 $8.000000000e+00, v0  }
0x8d: {  	[tilespmem:s9+$0x84A0] =	vst v1;
	v1 =	vmul.f32 $8.000000000e+00, v2  }
0x8e: {  	s0 =	sshll.u32 s31, $0xA;
	[tilespmem:s9+$0x84B0] =	vst v0;
	v0 =	vmul.f32 $8.000000000e+00, v3  }
0x8f: {  	s10 =	sadd.s32 s0, s7;
	[tilespmem:s9+$0x84C0] =	vst v1;
	v1 =	vmul.f32 $8.000000000e+00, v4  }
0x90: {  	s10 =	sshll.u32 s10, $0x3;
	[tilespmem:s9+$0x84D0] =	vst v0;
	v0 =	vmul.f32 $8.000000000e+00, v6  }
0x91: {  	s10 =	sand.u32 $0x1FFFE400, s10;
	[tilespmem:s9+$0x84E0] =	vst v1  }
0x92: {  	s12 =	simm.s32 $0x8400;
	s10 =	sadd.s32 s2, s10;
	[tilespmem:s9+$0x84F0] =	vst v0  }
0x93: {  	[hbm4b:s10+s3] =	stream.linear.scatter [tilespmem:s12], [sflag:$0xA], $0x2000, $0x38;
	[tilespmem:$0x16400] =	vst v63  }
0x94: {  	s10 =	simm.s32 @!p0 $0xD  }
0x95: {  	s9 =	sor.u32 $0x4, s14;
	_ =	swait.ge @!p0 [sflag:s10], $0x2000  }
0x96: {  	s12 =	sshll.u32 s9, $0x7;
	[sflag:s10] =	ssyncset.done @!p0 $0x0  }
0x97: {  	s13 =	sand.u32 $0x3FFFFF80, s12;
	[sflag:s10] =	ssyncadd.s32 @!p0 $0xFFFFE000  }
0x98: {  	[tilespmem:s19], [sflag:$0x5] =	stream.indirect.gather [hbm4b:s4+s11], $0x40, s13, s11, $0xb8;
	[tilespmem:$0x16400] =	vst v63  }
0x99: {  	_ =	swait.ge [sflag:s20], $0x2000  }
0x9a: {  	[sflag:s20] =	ssyncset.done $0x0  }
0x9b: {  	s10 =	simm.s32 $0x0;
	[sflag:s20] =	ssyncadd.s32 $0xFFFFE000  }
0x9c: {  	v0 =	vld [tilespmem:s10+$0xA400]  }
0x9d: {  	v1 =	vld [tilespmem:s10+$0xA410]  }
0x9e: {  	v2 =	vld [tilespmem:s10+$0xA420]  }
0x9f: {  	v3 =	vld [tilespmem:s10+$0xA430]  }
0xa0: {  	v4 =	vld [tilespmem:s10+$0xA440]  }
0xa1: {  	v5 =	vld [tilespmem:s10+$0xA450];
	v0 =	vmul.f32 $8.000000000e+00, v0  }
0xa2: {  	v6 =	vld [tilespmem:s10+$0xA460];
	v1 =	vmul.f32 $8.000000000e+00, v1  }
0xa3: {  	v7 =	vld [tilespmem:s10+$0xA470];
	[tilespmem:s10+$0xA400] =	vst v0;
	v0 =	vmul.f32 $8.000000000e+00, v2  }
0xa4: {  	v8 =	vld [tilespmem:s10+$0xA480];
	[tilespmem:s10+$0xA410] =	vst v1;
	v1 =	vmul.f32 $8.000000000e+00, v3  }
0xa5: {  	v9 =	vld [tilespmem:s10+$0xA490];
	[tilespmem:s10+$0xA420] =	vst v0;
	v0 =	vmul.f32 $8.000000000e+00, v4  }
0xa6: {  	v2 =	vmul.f32 $8.000000000e+00, v5;
	[tilespmem:s10+$0xA430] =	vst v1;
	v1 =	vld [tilespmem:s10+$0xA4A0]  }
0xa7: {  	v3 =	vmul.f32 $8.000000000e+00, v6;
	[tilespmem:s10+$0xA440] =	vst v0;
	v0 =	vld [tilespmem:s10+$0xA4B0]  }
0xa8: {  	[tilespmem:s10+$0xA450] =	vst v2;
	v2 =	vld [tilespmem:s10+$0xA4C0];
	v4 =	vmul.f32 $8.000000000e+00, v7  }
0xa9: {  	v6 =	vmul.f32 $8.000000000e+00, v8;
	[tilespmem:s10+$0xA460] =	vst v3;
	v3 =	vld [tilespmem:s10+$0xA4D0]  }
0xaa: {  	s30 =	simm.s32 $0x400;
	v5 =	vmul.f32 $8.000000000e+00, v9;
	[tilespmem:s10+$0xA470] =	vst v4;
	v4 =	vld [tilespmem:s10+$0xA4E0]  }
.LBB2_7:
0xab: {  	s12 =	sshra.s32 s30, $0x2;
	p1 =	sne.s32 s30, $0x7C00;
	[tilespmem:s10+$0xA480] =	vst v6;
	v1 =	vmul.f32 $8.000000000e+00, v1;
	v6 =	vld [tilespmem:s10+$0xA4F0]  }
0xac: {  	v7 =	vld [tilespmem:s12+$0xA400];
	[tilespmem:s10+$0xA490] =	vst v5;
	v0 =	vmul.f32 $8.000000000e+00, v0  }
0xad: {  	v5 =	vld [tilespmem:s12+$0xA410];
	[tilespmem:s10+$0xA4A0] =	vst v1;
	v1 =	vmul.f32 $8.000000000e+00, v2  }
0xae: {  	v2 =	vld [tilespmem:s12+$0xA420];
	[tilespmem:s10+$0xA4B0] =	vst v0;
	v0 =	vmul.f32 $8.000000000e+00, v3  }
0xaf: {  	v3 =	vld [tilespmem:s12+$0xA430];
	[tilespmem:s10+$0xA4C0] =	vst v1;
	v1 =	vmul.f32 $8.000000000e+00, v4  }
0xb0: {  	v4 =	vld [tilespmem:s12+$0xA440];
	[tilespmem:s10+$0xA4D0] =	vst v0;
	v0 =	vmul.f32 $8.000000000e+00, v6  }
0xb1: {  	v6 =	vmul.f32 $8.000000000e+00, v7;
	v7 =	vld [tilespmem:s12+$0xA450];
	[tilespmem:s10+$0xA4E0] =	vst v1  }
0xb2: {  	v1 =	vmul.f32 $8.000000000e+00, v5;
	v5 =	vld [tilespmem:s12+$0xA460];
	[tilespmem:s10+$0xA4F0] =	vst v0;
	s10 =	smov.u32 s12  }
0xb3: {  	[tilespmem:s10+$0xA400] =	vst v6;
	v0 =	vmul.f32 $8.000000000e+00, v2;
	v2 =	vld [tilespmem:s10+$0xA470]  }
0xb4: {  	[tilespmem:s10+$0xA410] =	vst v1;
	v1 =	vmul.f32 $8.000000000e+00, v3;
	v3 =	vld [tilespmem:s10+$0xA480]  }
0xb5: {  	[tilespmem:s10+$0xA420] =	vst v0;
	v0 =	vmul.f32 $8.000000000e+00, v4;
	v4 =	vld [tilespmem:s10+$0xA490]  }
.Ltmp4:
0xb6: {  	[tilespmem:s10+$0xA430] =	vst v1;
	v6 =	vmul.f32 $8.000000000e+00, v7;
	v1 =	vld [tilespmem:s10+$0xA4A0];
	(pc) =	sbr.rel @p1 .LBB2_7-.Ltmp4, $4  }
0xb7: {  	[tilespmem:s10+$0xA440] =	vst v0;
	v5 =	vmul.f32 $8.000000000e+00, v5;
	v0 =	vld [tilespmem:s10+$0xA4B0]  }
0xb8: {  	[tilespmem:s10+$0xA450] =	vst v6;
	v7 =	vmul.f32 $8.000000000e+00, v2;
	v2 =	vld [tilespmem:s10+$0xA4C0]  }
0xb9: {  	[tilespmem:s10+$0xA460] =	vst v5;
	v6 =	vmul.f32 $8.000000000e+00, v3;
	v3 =	vld [tilespmem:s10+$0xA4D0]  }
0xba: {  	s30 =	sadd.s32 $0x400, s30;
	[tilespmem:s10+$0xA470] =	vst v7;
	v5 =	vmul.f32 $8.000000000e+00, v4;
	v4 =	vld [tilespmem:s10+$0xA4E0]  }
0xbb: {  	[tilespmem:s10+$0xA480] =	vst v6;
	v1 =	vmul.f32 $8.000000000e+00, v1;
	v6 =	vld [tilespmem:s10+$0xA4F0]  }
0xbc: {  	[tilespmem:s10+$0xA490] =	vst v5;
	v0 =	vmul.f32 $8.000000000e+00, v0  }
0xbd: {  	[tilespmem:s10+$0xA4A0] =	vst v1;
	v1 =	vmul.f32 $8.000000000e+00, v2  }
0xbe: {  	[tilespmem:s10+$0xA4B0] =	vst v0;
	v0 =	vmul.f32 $8.000000000e+00, v3  }
0xbf: {  	s12 =	sadd.s32 s0, s8;
	[tilespmem:s10+$0xA4C0] =	vst v1;
	v1 =	vmul.f32 $8.000000000e+00, v4  }
0xc0: {  	s12 =	sshll.u32 s12, $0x3;
	[tilespmem:s10+$0xA4D0] =	vst v0;
	v0 =	vmul.f32 $8.000000000e+00, v6  }
0xc1: {  	s12 =	sand.u32 $0x1FFFE800, s12;
	[tilespmem:s10+$0xA4E0] =	vst v1  }
0xc2: {  	s12 =	sadd.s32 s2, s12;
	[tilespmem:s10+$0xA4F0] =	vst v0  }
0xc3: {  	[hbm4b:s12+s3] =	stream.linear.scatter [tilespmem:s15], [sflag:$0xB], $0x2000, $0x38;
	[tilespmem:$0x16400] =	vst v63  }
0xc4: {  	s12 =	simm.s32 @!p0 $0xE  }
0xc5: {  	s10 =	sor.u32 $0x5, s14;
	_ =	swait.ge @!p0 [sflag:s12], $0x2000  }
0xc6: {  	s30 =	sshll.u32 s10, $0x7;
	[sflag:s12] =	ssyncset.done @!p0 $0x0  }
0xc7: {  	s13 =	sand.u32 $0x3FFFFF80, s30;
	[sflag:s12] =	ssyncadd.s32 @!p0 $0xFFFFE000  }
0xc8: {  	[tilespmem:s21], [sflag:$0x6] =	stream.indirect.gather [hbm4b:s4+s11], $0x40, s13, s11, $0xb8;
	[tilespmem:$0x16400] =	vst v63  }
0xc9: {  	_ =	swait.ge [sflag:s22], $0x2000  }
0xca: {  	[sflag:s22] =	ssyncset.done $0x0  }
0xcb: {  	s30 =	simm.s32 $0x0;
	[sflag:s22] =	ssyncadd.s32 $0xFFFFE000  }
0xcc: {  	v0 =	vld [tilespmem:s30+$0xC400]  }
0xcd: {  	v1 =	vld [tilespmem:s30+$0xC410]  }
0xce: {  	v2 =	vld [tilespmem:s30+$0xC420]  }
0xcf: {  	v3 =	vld [tilespmem:s30+$0xC430]  }
0xd0: {  	v4 =	vld [tilespmem:s30+$0xC440]  }
0xd1: {  	v5 =	vld [tilespmem:s30+$0xC450];
	v0 =	vmul.f32 $8.000000000e+00, v0  }
0xd2: {  	v6 =	vld [tilespmem:s30+$0xC460];
	v1 =	vmul.f32 $8.000000000e+00, v1  }
0xd3: {  	v7 =	vld [tilespmem:s30+$0xC470];
	[tilespmem:s30+$0xC400] =	vst v0;
	v0 =	vmul.f32 $8.000000000e+00, v2  }
0xd4: {  	v8 =	vld [tilespmem:s30+$0xC480];
	[tilespmem:s30+$0xC410] =	vst v1;
	v1 =	vmul.f32 $8.000000000e+00, v3  }
0xd5: {  	v9 =	vld [tilespmem:s30+$0xC490];
	[tilespmem:s30+$0xC420] =	vst v0;
	v0 =	vmul.f32 $8.000000000e+00, v4  }
0xd6: {  	v2 =	vmul.f32 $8.000000000e+00, v5;
	[tilespmem:s30+$0xC430] =	vst v1;
	v1 =	vld [tilespmem:s30+$0xC4A0]  }
0xd7: {  	v3 =	vmul.f32 $8.000000000e+00, v6;
	[tilespmem:s30+$0xC440] =	vst v0;
	v0 =	vld [tilespmem:s30+$0xC4B0]  }
0xd8: {  	[tilespmem:s30+$0xC450] =	vst v2;
	v2 =	vld [tilespmem:s30+$0xC4C0];
	v4 =	vmul.f32 $8.000000000e+00, v7  }
0xd9: {  	v6 =	vmul.f32 $8.000000000e+00, v8;
	[tilespmem:s30+$0xC460] =	vst v3;
	v3 =	vld [tilespmem:s30+$0xC4D0]  }
0xda: {  	s12 =	simm.s32 $0x400;
	v5 =	vmul.f32 $8.000000000e+00, v9;
	[tilespmem:s30+$0xC470] =	vst v4;
	v4 =	vld [tilespmem:s30+$0xC4E0]  }
.LBB2_9:
0xdb: {  	s13 =	sshra.s32 s12, $0x2;
	p1 =	sne.s32 s12, $0x7C00;
	[tilespmem:s30+$0xC480] =	vst v6;
	v1 =	vmul.f32 $8.000000000e+00, v1;
	v6 =	vld [tilespmem:s30+$0xC4F0]  }
0xdc: {  	v7 =	vld [tilespmem:s13+$0xC400];
	[tilespmem:s30+$0xC490] =	vst v5;
	v0 =	vmul.f32 $8.000000000e+00, v0  }
0xdd: {  	v5 =	vld [tilespmem:s13+$0xC410];
	[tilespmem:s30+$0xC4A0] =	vst v1;
	v1 =	vmul.f32 $8.000000000e+00, v2  }
0xde: {  	v2 =	vld [tilespmem:s13+$0xC420];
	[tilespmem:s30+$0xC4B0] =	vst v0;
	v0 =	vmul.f32 $8.000000000e+00, v3  }
0xdf: {  	v3 =	vld [tilespmem:s13+$0xC430];
	[tilespmem:s30+$0xC4C0] =	vst v1;
	v1 =	vmul.f32 $8.000000000e+00, v4  }
0xe0: {  	v4 =	vld [tilespmem:s13+$0xC440];
	[tilespmem:s30+$0xC4D0] =	vst v0;
	v0 =	vmul.f32 $8.000000000e+00, v6  }
0xe1: {  	v6 =	vmul.f32 $8.000000000e+00, v7;
	v7 =	vld [tilespmem:s13+$0xC450];
	[tilespmem:s30+$0xC4E0] =	vst v1  }
0xe2: {  	v1 =	vmul.f32 $8.000000000e+00, v5;
	v5 =	vld [tilespmem:s13+$0xC460];
	[tilespmem:s30+$0xC4F0] =	vst v0;
	s30 =	smov.u32 s13  }
0xe3: {  	[tilespmem:s30+$0xC400] =	vst v6;
	v0 =	vmul.f32 $8.000000000e+00, v2;
	v2 =	vld [tilespmem:s30+$0xC470]  }
0xe4: {  	[tilespmem:s30+$0xC410] =	vst v1;
	v1 =	vmul.f32 $8.000000000e+00, v3;
	v3 =	vld [tilespmem:s30+$0xC480]  }
0xe5: {  	[tilespmem:s30+$0xC420] =	vst v0;
	v0 =	vmul.f32 $8.000000000e+00, v4;
	v4 =	vld [tilespmem:s30+$0xC490]  }
.Ltmp5:
0xe6: {  	[tilespmem:s30+$0xC430] =	vst v1;
	v6 =	vmul.f32 $8.000000000e+00, v7;
	v1 =	vld [tilespmem:s30+$0xC4A0];
	(pc) =	sbr.rel @p1 .LBB2_9-.Ltmp5, $4  }
0xe7: {  	[tilespmem:s30+$0xC440] =	vst v0;
	v5 =	vmul.f32 $8.000000000e+00, v5;
	v0 =	vld [tilespmem:s30+$0xC4B0]  }
0xe8: {  	[tilespmem:s30+$0xC450] =	vst v6;
	v7 =	vmul.f32 $8.000000000e+00, v2;
	v2 =	vld [tilespmem:s30+$0xC4C0]  }
0xe9: {  	[tilespmem:s30+$0xC460] =	vst v5;
	v6 =	vmul.f32 $8.000000000e+00, v3;
	v3 =	vld [tilespmem:s30+$0xC4D0]  }
0xea: {  	s12 =	sadd.s32 $0x400, s12;
	[tilespmem:s30+$0xC470] =	vst v7;
	v5 =	vmul.f32 $8.000000000e+00, v4;
	v4 =	vld [tilespmem:s30+$0xC4E0]  }
0xeb: {  	[tilespmem:s30+$0xC480] =	vst v6;
	v1 =	vmul.f32 $8.000000000e+00, v1;
	v6 =	vld [tilespmem:s30+$0xC4F0]  }
0xec: {  	[tilespmem:s30+$0xC490] =	vst v5;
	v0 =	vmul.f32 $8.000000000e+00, v0  }
0xed: {  	[tilespmem:s30+$0xC4A0] =	vst v1;
	v1 =	vmul.f32 $8.000000000e+00, v2  }
0xee: {  	[tilespmem:s30+$0xC4B0] =	vst v0;
	v0 =	vmul.f32 $8.000000000e+00, v3  }
0xef: {  	s5 =	sshll.u32 s5, $0xD;
	[tilespmem:s30+$0xC4C0] =	vst v1;
	v1 =	vmul.f32 $8.000000000e+00, v4  }
0xf0: {  	s5 =	sadd.s32 s6, s5;
	[tilespmem:s30+$0xC4D0] =	vst v0;
	v0 =	vmul.f32 $8.000000000e+00, v6  }
0xf1: {  	s5 =	sshrl.u32 s5, $0x3;
	[tilespmem:s30+$0xC4E0] =	vst v1  }
0xf2: {  	s12 =	simm.s32 @!p0 $0xF;
	s5 =	sadd.s32 s2, s5;
	[tilespmem:s30+$0xC4F0] =	vst v0  }
0xf3: {  	[hbm4b:s5+s3] =	stream.linear.scatter [tilespmem:s17], [sflag:$0xC], $0x2000, $0x38;
	[tilespmem:$0x16400] =	vst v63  }
0xf4: {  	s5 =	sor.u32 $0x6, s14;
	_ =	swait.ge @!p0 [sflag:s12], $0x2000  }
0xf5: {  	s13 =	sshll.u32 s5, $0x7;
	[sflag:s12] =	ssyncset.done @!p0 $0x0  }
0xf6: {  	s13 =	sand.u32 $0x3FFFFF80, s13;
	[sflag:s12] =	ssyncadd.s32 @!p0 $0xFFFFE000  }
0xf7: {  	[tilespmem:s23], [sflag:$0x7] =	stream.indirect.gather [hbm4b:s4+s11], $0x40, s13, s11, $0xb8;
	[tilespmem:$0x16400] =	vst v63  }
0xf8: {  	_ =	swait.ge [sflag:s24], $0x2000  }
0xf9: {  	[sflag:s24] =	ssyncset.done $0x0  }
0xfa: {  	s30 =	simm.s32 $0x0;
	[sflag:s24] =	ssyncadd.s32 $0xFFFFE000  }
0xfb: {  	v0 =	vld [tilespmem:s30+$0xE400]  }
0xfc: {  	v1 =	vld [tilespmem:s30+$0xE410]  }
0xfd: {  	v2 =	vld [tilespmem:s30+$0xE420]  }
0xfe: {  	v3 =	vld [tilespmem:s30+$0xE430]  }
0xff: {  	v4 =	vld [tilespmem:s30+$0xE440]  }
0x100: {  	v5 =	vld [tilespmem:s30+$0xE450];
	v0 =	vmul.f32 $8.000000000e+00, v0  }
0x101: {  	v6 =	vld [tilespmem:s30+$0xE460];
	v1 =	vmul.f32 $8.000000000e+00, v1  }
0x102: {  	v7 =	vld [tilespmem:s30+$0xE470];
	[tilespmem:s30+$0xE400] =	vst v0;
	v0 =	vmul.f32 $8.000000000e+00, v2  }
0x103: {  	v8 =	vld [tilespmem:s30+$0xE480];
	[tilespmem:s30+$0xE410] =	vst v1;
	v1 =	vmul.f32 $8.000000000e+00, v3  }
0x104: {  	v9 =	vld [tilespmem:s30+$0xE490];
	[tilespmem:s30+$0xE420] =	vst v0;
	v0 =	vmul.f32 $8.000000000e+00, v4  }
0x105: {  	v2 =	vmul.f32 $8.000000000e+00, v5;
	[tilespmem:s30+$0xE430] =	vst v1;
	v1 =	vld [tilespmem:s30+$0xE4A0]  }
0x106: {  	v3 =	vmul.f32 $8.000000000e+00, v6;
	[tilespmem:s30+$0xE440] =	vst v0;
	v0 =	vld [tilespmem:s30+$0xE4B0]  }
0x107: {  	[tilespmem:s30+$0xE450] =	vst v2;
	v2 =	vld [tilespmem:s30+$0xE4C0];
	v4 =	vmul.f32 $8.000000000e+00, v7  }
0x108: {  	v6 =	vmul.f32 $8.000000000e+00, v8;
	[tilespmem:s30+$0xE460] =	vst v3;
	v3 =	vld [tilespmem:s30+$0xE4D0]  }
0x109: {  	s12 =	simm.s32 $0x400;
	v5 =	vmul.f32 $8.000000000e+00, v9;
	[tilespmem:s30+$0xE470] =	vst v4;
	v4 =	vld [tilespmem:s30+$0xE4E0]  }
.LBB2_11:
0x10a: {  	s13 =	sshra.s32 s12, $0x2;
	p1 =	sne.s32 s12, $0x7C00;
	[tilespmem:s30+$0xE480] =	vst v6;
	v1 =	vmul.f32 $8.000000000e+00, v1;
	v6 =	vld [tilespmem:s30+$0xE4F0]  }
0x10b: {  	v7 =	vld [tilespmem:s13+$0xE400];
	[tilespmem:s30+$0xE490] =	vst v5;
	v0 =	vmul.f32 $8.000000000e+00, v0  }
0x10c: {  	v5 =	vld [tilespmem:s13+$0xE410];
	[tilespmem:s30+$0xE4A0] =	vst v1;
	v1 =	vmul.f32 $8.000000000e+00, v2  }
0x10d: {  	v2 =	vld [tilespmem:s13+$0xE420];
	[tilespmem:s30+$0xE4B0] =	vst v0;
	v0 =	vmul.f32 $8.000000000e+00, v3  }
0x10e: {  	v3 =	vld [tilespmem:s13+$0xE430];
	[tilespmem:s30+$0xE4C0] =	vst v1;
	v1 =	vmul.f32 $8.000000000e+00, v4  }
0x10f: {  	v4 =	vld [tilespmem:s13+$0xE440];
	[tilespmem:s30+$0xE4D0] =	vst v0;
	v0 =	vmul.f32 $8.000000000e+00, v6  }
0x110: {  	v6 =	vmul.f32 $8.000000000e+00, v7;
	v7 =	vld [tilespmem:s13+$0xE450];
	[tilespmem:s30+$0xE4E0] =	vst v1  }
0x111: {  	v1 =	vmul.f32 $8.000000000e+00, v5;
	v5 =	vld [tilespmem:s13+$0xE460];
	[tilespmem:s30+$0xE4F0] =	vst v0;
	s30 =	smov.u32 s13  }
0x112: {  	[tilespmem:s30+$0xE400] =	vst v6;
	v0 =	vmul.f32 $8.000000000e+00, v2;
	v2 =	vld [tilespmem:s30+$0xE470]  }
0x113: {  	[tilespmem:s30+$0xE410] =	vst v1;
	v1 =	vmul.f32 $8.000000000e+00, v3;
	v3 =	vld [tilespmem:s30+$0xE480]  }
0x114: {  	[tilespmem:s30+$0xE420] =	vst v0;
	v0 =	vmul.f32 $8.000000000e+00, v4;
	v4 =	vld [tilespmem:s30+$0xE490]  }
.Ltmp6:
0x115: {  	[tilespmem:s30+$0xE430] =	vst v1;
	v6 =	vmul.f32 $8.000000000e+00, v7;
	v1 =	vld [tilespmem:s30+$0xE4A0];
	(pc) =	sbr.rel @p1 .LBB2_11-.Ltmp6, $4  }
0x116: {  	[tilespmem:s30+$0xE440] =	vst v0;
	v5 =	vmul.f32 $8.000000000e+00, v5;
	v0 =	vld [tilespmem:s30+$0xE4B0]  }
0x117: {  	[tilespmem:s30+$0xE450] =	vst v6;
	v7 =	vmul.f32 $8.000000000e+00, v2;
	v2 =	vld [tilespmem:s30+$0xE4C0]  }
0x118: {  	[tilespmem:s30+$0xE460] =	vst v5;
	v6 =	vmul.f32 $8.000000000e+00, v3;
	v3 =	vld [tilespmem:s30+$0xE4D0]  }
0x119: {  	s12 =	sadd.s32 $0x400, s12;
	[tilespmem:s30+$0xE470] =	vst v7;
	v5 =	vmul.f32 $8.000000000e+00, v4;
	v4 =	vld [tilespmem:s30+$0xE4E0]  }
0x11a: {  	[tilespmem:s30+$0xE480] =	vst v6;
	v1 =	vmul.f32 $8.000000000e+00, v1;
	v6 =	vld [tilespmem:s30+$0xE4F0]  }
0x11b: {  	[tilespmem:s30+$0xE490] =	vst v5;
	v0 =	vmul.f32 $8.000000000e+00, v0  }
0x11c: {  	[tilespmem:s30+$0xE4A0] =	vst v1;
	v1 =	vmul.f32 $8.000000000e+00, v2  }
0x11d: {  	[tilespmem:s30+$0xE4B0] =	vst v0;
	v0 =	vmul.f32 $8.000000000e+00, v3  }
0x11e: {  	s9 =	sshll.u32 s9, $0xD;
	[tilespmem:s30+$0xE4C0] =	vst v1;
	v1 =	vmul.f32 $8.000000000e+00, v4  }
0x11f: {  	s9 =	sadd.s32 s6, s9;
	[tilespmem:s30+$0xE4D0] =	vst v0;
	v0 =	vmul.f32 $8.000000000e+00, v6  }
0x120: {  	s9 =	sshrl.u32 s9, $0x3;
	[tilespmem:s30+$0xE4E0] =	vst v1  }
0x121: {  	s9 =	sadd.s32 s2, s9;
	[tilespmem:s30+$0xE4F0] =	vst v0  }
0x122: {  	[hbm4b:s9+s3] =	stream.linear.scatter [tilespmem:s19], [sflag:$0xD], $0x2000, $0x38;
	[tilespmem:$0x16400] =	vst v63  }
0x123: {  	s9 =	simm.s32 @!p0 $0x10  }
0x124: {  	s14 =	sor.u32 $0x7, s14;
	_ =	swait.ge @!p0 [sflag:s9], $0x2000  }
0x125: {  	s12 =	sshll.u32 s14, $0x7;
	[sflag:s9] =	ssyncset.done @!p0 $0x0  }
0x126: {  	s30 =	sand.u32 $0x3FFFFF80, s12;
	[sflag:s9] =	ssyncadd.s32 @!p0 $0xFFFFE000  }
0x127: {  	[tilespmem:s25], [sflag:$0x8] =	stream.indirect.gather [hbm4b:s4+s11], $0x40, s30, s11, $0xb8;
	[tilespmem:$0x16400] =	vst v63  }
0x128: {  	_ =	swait.ge [sflag:s26], $0x2000  }
0x129: {  	[sflag:s26] =	ssyncset.done $0x0  }
0x12a: {  	s9 =	simm.s32 $0x0;
	[sflag:s26] =	ssyncadd.s32 $0xFFFFE000  }
0x12b: {  	v0 =	vld [tilespmem:s9+$0x10400]  }
0x12c: {  	v1 =	vld [tilespmem:s9+$0x10410]  }
0x12d: {  	v2 =	vld [tilespmem:s9+$0x10420]  }
0x12e: {  	v3 =	vld [tilespmem:s9+$0x10430]  }
0x12f: {  	v4 =	vld [tilespmem:s9+$0x10440]  }
0x130: {  	v5 =	vld [tilespmem:s9+$0x10450];
	v0 =	vmul.f32 $8.000000000e+00, v0  }
0x131: {  	v6 =	vld [tilespmem:s9+$0x10460];
	v1 =	vmul.f32 $8.000000000e+00, v1  }
0x132: {  	v7 =	vld [tilespmem:s9+$0x10470];
	[tilespmem:s9+$0x10400] =	vst v0;
	v0 =	vmul.f32 $8.000000000e+00, v2  }
0x133: {  	v8 =	vld [tilespmem:s9+$0x10480];
	[tilespmem:s9+$0x10410] =	vst v1;
	v1 =	vmul.f32 $8.000000000e+00, v3  }
0x134: {  	v9 =	vld [tilespmem:s9+$0x10490];
	[tilespmem:s9+$0x10420] =	vst v0;
	v0 =	vmul.f32 $8.000000000e+00, v4  }
0x135: {  	v2 =	vmul.f32 $8.000000000e+00, v5;
	[tilespmem:s9+$0x10430] =	vst v1;
	v1 =	vld [tilespmem:s9+$0x104A0]  }
0x136: {  	v3 =	vmul.f32 $8.000000000e+00, v6;
	[tilespmem:s9+$0x10440] =	vst v0;
	v0 =	vld [tilespmem:s9+$0x104B0]  }
0x137: {  	[tilespmem:s9+$0x10450] =	vst v2;
	v2 =	vld [tilespmem:s9+$0x104C0];
	v4 =	vmul.f32 $8.000000000e+00, v7  }
0x138: {  	v6 =	vmul.f32 $8.000000000e+00, v8;
	[tilespmem:s9+$0x10460] =	vst v3;
	v3 =	vld [tilespmem:s9+$0x104D0]  }
0x139: {  	s12 =	simm.s32 $0x400;
	v5 =	vmul.f32 $8.000000000e+00, v9;
	[tilespmem:s9+$0x10470] =	vst v4;
	v4 =	vld [tilespmem:s9+$0x104E0]  }
.LBB2_13:
0x13a: {  	s13 =	sshra.s32 s12, $0x2;
	p0 =	sne.s32 s12, $0x7C00;
	[tilespmem:s9+$0x10480] =	vst v6;
	v1 =	vmul.f32 $8.000000000e+00, v1;
	v6 =	vld [tilespmem:s9+$0x104F0]  }
0x13b: {  	v7 =	vld [tilespmem:s13+$0x10400];
	[tilespmem:s9+$0x10490] =	vst v5;
	v0 =	vmul.f32 $8.000000000e+00, v0  }
0x13c: {  	v5 =	vld [tilespmem:s13+$0x10410];
	[tilespmem:s9+$0x104A0] =	vst v1;
	v1 =	vmul.f32 $8.000000000e+00, v2  }
0x13d: {  	v2 =	vld [tilespmem:s13+$0x10420];
	[tilespmem:s9+$0x104B0] =	vst v0;
	v0 =	vmul.f32 $8.000000000e+00, v3  }
0x13e: {  	v3 =	vld [tilespmem:s13+$0x10430];
	[tilespmem:s9+$0x104C0] =	vst v1;
	v1 =	vmul.f32 $8.000000000e+00, v4  }
0x13f: {  	v4 =	vld [tilespmem:s13+$0x10440];
	[tilespmem:s9+$0x104D0] =	vst v0;
	v0 =	vmul.f32 $8.000000000e+00, v6  }
0x140: {  	v6 =	vmul.f32 $8.000000000e+00, v7;
	v7 =	vld [tilespmem:s13+$0x10450];
	[tilespmem:s9+$0x104E0] =	vst v1  }
0x141: {  	v1 =	vmul.f32 $8.000000000e+00, v5;
	v5 =	vld [tilespmem:s13+$0x10460];
	[tilespmem:s9+$0x104F0] =	vst v0;
	s9 =	smov.u32 s13  }
0x142: {  	[tilespmem:s9+$0x10400] =	vst v6;
	v0 =	vmul.f32 $8.000000000e+00, v2;
	v2 =	vld [tilespmem:s9+$0x10470]  }
0x143: {  	[tilespmem:s9+$0x10410] =	vst v1;
	v1 =	vmul.f32 $8.000000000e+00, v3;
	v3 =	vld [tilespmem:s9+$0x10480]  }
0x144: {  	[tilespmem:s9+$0x10420] =	vst v0;
	v0 =	vmul.f32 $8.000000000e+00, v4;
	v4 =	vld [tilespmem:s9+$0x10490]  }
.Ltmp7:
0x145: {  	[tilespmem:s9+$0x10430] =	vst v1;
	v6 =	vmul.f32 $8.000000000e+00, v7;
	v1 =	vld [tilespmem:s9+$0x104A0];
	(pc) =	sbr.rel @p0 .LBB2_13-.Ltmp7, $4  }
0x146: {  	[tilespmem:s9+$0x10440] =	vst v0;
	v5 =	vmul.f32 $8.000000000e+00, v5;
	v0 =	vld [tilespmem:s9+$0x104B0]  }
0x147: {  	[tilespmem:s9+$0x10450] =	vst v6;
	v7 =	vmul.f32 $8.000000000e+00, v2;
	v2 =	vld [tilespmem:s9+$0x104C0]  }
0x148: {  	[tilespmem:s9+$0x10460] =	vst v5;
	v6 =	vmul.f32 $8.000000000e+00, v3;
	v3 =	vld [tilespmem:s9+$0x104D0]  }
0x149: {  	s12 =	sadd.s32 $0x400, s12;
	[tilespmem:s9+$0x10470] =	vst v7;
	v5 =	vmul.f32 $8.000000000e+00, v4;
	v4 =	vld [tilespmem:s9+$0x104E0]  }
0x14a: {  	[tilespmem:s9+$0x10480] =	vst v6;
	v1 =	vmul.f32 $8.000000000e+00, v1;
	v6 =	vld [tilespmem:s9+$0x104F0]  }
0x14b: {  	[tilespmem:s9+$0x10490] =	vst v5;
	v0 =	vmul.f32 $8.000000000e+00, v0  }
0x14c: {  	[tilespmem:s9+$0x104A0] =	vst v1;
	v1 =	vmul.f32 $8.000000000e+00, v2  }
0x14d: {  	[tilespmem:s9+$0x104B0] =	vst v0;
	v0 =	vmul.f32 $8.000000000e+00, v3  }
0x14e: {  	s10 =	sshll.u32 s10, $0xD;
	[tilespmem:s9+$0x104C0] =	vst v1;
	v1 =	vmul.f32 $8.000000000e+00, v4  }
0x14f: {  	s10 =	sadd.s32 s6, s10;
	[tilespmem:s9+$0x104D0] =	vst v0;
	v0 =	vmul.f32 $8.000000000e+00, v6  }
0x150: {  	p0 =	seq.s32 s31, $0x18;
	s10 =	sshrl.u32 s10, $0x3;
	[tilespmem:s9+$0x104E0] =	vst v1  }
0x151: {  	s30 =	sadd.s32 s2, s10;
	[tilespmem:s9+$0x104F0] =	vst v0;
	s9 =	simm.s32 @!p0 $0x9  }
0x152: {  	[hbm4b:s30+s3] =	stream.linear.scatter [tilespmem:s21], [sflag:$0xE], $0x2000, $0x38;
	[tilespmem:$0x16400] =	vst v63  }
0x153: {  	_ =	swait.ge @!p0 [sflag:s9], $0x2000  }
0x154: {  	s10 =	sshll.u32 @!p0 s31, $0xA;
	[sflag:s9] =	ssyncset.done @!p0 $0x0  }
0x155: {  	[sflag:s9] =	ssyncadd.s32 @!p0 $0xFFFFE000;
	s9 =	sand.u32 @!p0 $0x3FFFFC00, s10  }
0x156: {  	s12 =	simm.s32 @!p0 $0x80;
	s13 =	simm.s32 @!p0 $0x6400;
	s10 =	sadd.s32 @!p0 $0x400, s9  }
0x157: {  	[tilespmem:s13], [sflag:$0x1] =	stream.indirect.gather @!p0 [hbm4b:s4+s12], $0x40, s10, s12, $0xb8;
	[tilespmem:$0x16400] =	vst v63  }
0x158: {  	_ =	swait.ge [sflag:s28], $0x2000  }
0x159: {  	[sflag:s28] =	ssyncset.done $0x0  }
0x15a: {  	s10 =	simm.s32 $0x0;
	[sflag:s28] =	ssyncadd.s32 $0xFFFFE000  }
0x15b: {  	v0 =	vld [tilespmem:s10+$0x12400]  }
0x15c: {  	v1 =	vld [tilespmem:s10+$0x12410]  }
0x15d: {  	v2 =	vld [tilespmem:s10+$0x12420]  }
0x15e: {  	v3 =	vld [tilespmem:s10+$0x12430]  }
0x15f: {  	v4 =	vld [tilespmem:s10+$0x12440]  }
0x160: {  	v5 =	vld [tilespmem:s10+$0x12450];
	v0 =	vmul.f32 $8.000000000e+00, v0  }
0x161: {  	v6 =	vld [tilespmem:s10+$0x12460];
	v1 =	vmul.f32 $8.000000000e+00, v1  }
0x162: {  	v7 =	vld [tilespmem:s10+$0x12470];
	[tilespmem:s10+$0x12400] =	vst v0;
	v0 =	vmul.f32 $8.000000000e+00, v2  }
0x163: {  	v8 =	vld [tilespmem:s10+$0x12480];
	[tilespmem:s10+$0x12410] =	vst v1;
	v1 =	vmul.f32 $8.000000000e+00, v3  }
0x164: {  	v9 =	vld [tilespmem:s10+$0x12490];
	[tilespmem:s10+$0x12420] =	vst v0;
	v0 =	vmul.f32 $8.000000000e+00, v4  }
0x165: {  	v2 =	vmul.f32 $8.000000000e+00, v5;
	[tilespmem:s10+$0x12430] =	vst v1;
	v1 =	vld [tilespmem:s10+$0x124A0]  }
0x166: {  	v3 =	vmul.f32 $8.000000000e+00, v6;
	[tilespmem:s10+$0x12440] =	vst v0;
	v0 =	vld [tilespmem:s10+$0x124B0]  }
0x167: {  	[tilespmem:s10+$0x12450] =	vst v2;
	v2 =	vld [tilespmem:s10+$0x124C0];
	v4 =	vmul.f32 $8.000000000e+00, v7  }
0x168: {  	v6 =	vmul.f32 $8.000000000e+00, v8;
	[tilespmem:s10+$0x12460] =	vst v3;
	v3 =	vld [tilespmem:s10+$0x124D0]  }
0x169: {  	s12 =	simm.s32 $0x400;
	v5 =	vmul.f32 $8.000000000e+00, v9;
	[tilespmem:s10+$0x12470] =	vst v4;
	v4 =	vld [tilespmem:s10+$0x124E0]  }
.LBB2_15:
0x16a: {  	s13 =	sshra.s32 s12, $0x2;
	p1 =	sne.s32 s12, $0x7C00;
	[tilespmem:s10+$0x12480] =	vst v6;
	v1 =	vmul.f32 $8.000000000e+00, v1;
	v6 =	vld [tilespmem:s10+$0x124F0]  }
0x16b: {  	v7 =	vld [tilespmem:s13+$0x12400];
	[tilespmem:s10+$0x12490] =	vst v5;
	v0 =	vmul.f32 $8.000000000e+00, v0  }
0x16c: {  	v5 =	vld [tilespmem:s13+$0x12410];
	[tilespmem:s10+$0x124A0] =	vst v1;
	v1 =	vmul.f32 $8.000000000e+00, v2  }
0x16d: {  	v2 =	vld [tilespmem:s13+$0x12420];
	[tilespmem:s10+$0x124B0] =	vst v0;
	v0 =	vmul.f32 $8.000000000e+00, v3  }
0x16e: {  	v3 =	vld [tilespmem:s13+$0x12430];
	[tilespmem:s10+$0x124C0] =	vst v1;
	v1 =	vmul.f32 $8.000000000e+00, v4  }
0x16f: {  	v4 =	vld [tilespmem:s13+$0x12440];
	[tilespmem:s10+$0x124D0] =	vst v0;
	v0 =	vmul.f32 $8.000000000e+00, v6  }
0x170: {  	v6 =	vmul.f32 $8.000000000e+00, v7;
	v7 =	vld [tilespmem:s13+$0x12450];
	[tilespmem:s10+$0x124E0] =	vst v1  }
0x171: {  	v1 =	vmul.f32 $8.000000000e+00, v5;
	v5 =	vld [tilespmem:s13+$0x12460];
	[tilespmem:s10+$0x124F0] =	vst v0;
	s10 =	smov.u32 s13  }
0x172: {  	[tilespmem:s10+$0x12400] =	vst v6;
	v0 =	vmul.f32 $8.000000000e+00, v2;
	v2 =	vld [tilespmem:s10+$0x12470]  }
0x173: {  	[tilespmem:s10+$0x12410] =	vst v1;
	v1 =	vmul.f32 $8.000000000e+00, v3;
	v3 =	vld [tilespmem:s10+$0x12480]  }
0x174: {  	[tilespmem:s10+$0x12420] =	vst v0;
	v0 =	vmul.f32 $8.000000000e+00, v4;
	v4 =	vld [tilespmem:s10+$0x12490]  }
.Ltmp8:
0x175: {  	[tilespmem:s10+$0x12430] =	vst v1;
	v6 =	vmul.f32 $8.000000000e+00, v7;
	v1 =	vld [tilespmem:s10+$0x124A0];
	(pc) =	sbr.rel @p1 .LBB2_15-.Ltmp8, $4  }
0x176: {  	[tilespmem:s10+$0x12440] =	vst v0;
	v5 =	vmul.f32 $8.000000000e+00, v5;
	v0 =	vld [tilespmem:s10+$0x124B0]  }
0x177: {  	[tilespmem:s10+$0x12450] =	vst v6;
	v7 =	vmul.f32 $8.000000000e+00, v2;
	v2 =	vld [tilespmem:s10+$0x124C0]  }
0x178: {  	[tilespmem:s10+$0x12460] =	vst v5;
	v6 =	vmul.f32 $8.000000000e+00, v3;
	v3 =	vld [tilespmem:s10+$0x124D0]  }
0x179: {  	s12 =	sadd.s32 $0x400, s12;
	[tilespmem:s10+$0x12470] =	vst v7;
	v5 =	vmul.f32 $8.000000000e+00, v4;
	v4 =	vld [tilespmem:s10+$0x124E0]  }
0x17a: {  	[tilespmem:s10+$0x12480] =	vst v6;
	v1 =	vmul.f32 $8.000000000e+00, v1;
	v6 =	vld [tilespmem:s10+$0x124F0]  }
0x17b: {  	[tilespmem:s10+$0x12490] =	vst v5;
	v0 =	vmul.f32 $8.000000000e+00, v0  }
0x17c: {  	[tilespmem:s10+$0x124A0] =	vst v1;
	v1 =	vmul.f32 $8.000000000e+00, v2  }
0x17d: {  	[tilespmem:s10+$0x124B0] =	vst v0;
	v0 =	vmul.f32 $8.000000000e+00, v3  }
0x17e: {  	s5 =	sshll.u32 s5, $0xD;
	[tilespmem:s10+$0x124C0] =	vst v1;
	v1 =	vmul.f32 $8.000000000e+00, v4  }
0x17f: {  	s5 =	sadd.s32 s6, s5;
	[tilespmem:s10+$0x124D0] =	vst v0;
	v0 =	vmul.f32 $8.000000000e+00, v6  }
0x180: {  	s5 =	sshrl.u32 s5, $0x3;
	[tilespmem:s10+$0x124E0] =	vst v1  }
0x181: {  	s5 =	sadd.s32 s2, s5;
	[tilespmem:s10+$0x124F0] =	vst v0  }
0x182: {  	[hbm4b:s5+s3] =	stream.linear.scatter [tilespmem:s23], [sflag:$0xF], $0x2000, $0x38;
	[tilespmem:$0x16400] =	vst v63  }
0x183: {  	s5 =	simm.s32 @!p0 $0xA  }
0x184: {  	_ =	swait.ge @!p0 [sflag:s5], $0x2000  }
0x185: {  	s10 =	simm.s32 @!p0 $0x8400;
	[sflag:s5] =	ssyncset.done @!p0 $0x0  }
0x186: {  	[sflag:s5] =	ssyncadd.s32 @!p0 $0xFFFFE000;
	s5 =	sadd.s32 @!p0 $0x480, s9;
	s9 =	simm.s32 @!p0 $0x80  }
0x187: {  	[tilespmem:s10], [sflag:$0x2] =	stream.indirect.gather @!p0 [hbm4b:s4+s9], $0x40, s5, s9, $0xb8;
	[tilespmem:$0x16400] =	vst v63  }
0x188: {  	_ =	swait.ge [sflag:s29], $0x2000  }
0x189: {  	[sflag:s29] =	ssyncset.done $0x0  }
0x18a: {  	s5 =	simm.s32 $0x0;
	[sflag:s29] =	ssyncadd.s32 $0xFFFFE000  }
0x18b: {  	v0 =	vld [tilespmem:s5+$0x14400]  }
0x18c: {  	v1 =	vld [tilespmem:s5+$0x14410]  }
0x18d: {  	v2 =	vld [tilespmem:s5+$0x14420]  }
0x18e: {  	v3 =	vld [tilespmem:s5+$0x14430]  }
0x18f: {  	v4 =	vld [tilespmem:s5+$0x14440]  }
0x190: {  	v5 =	vld [tilespmem:s5+$0x14450];
	v0 =	vmul.f32 $8.000000000e+00, v0  }
0x191: {  	v6 =	vld [tilespmem:s5+$0x14460];
	v1 =	vmul.f32 $8.000000000e+00, v1  }
0x192: {  	v7 =	vld [tilespmem:s5+$0x14470];
	[tilespmem:s5+$0x14400] =	vst v0;
	v0 =	vmul.f32 $8.000000000e+00, v2  }
0x193: {  	v8 =	vld [tilespmem:s5+$0x14480];
	[tilespmem:s5+$0x14410] =	vst v1;
	v1 =	vmul.f32 $8.000000000e+00, v3  }
0x194: {  	v9 =	vld [tilespmem:s5+$0x14490];
	[tilespmem:s5+$0x14420] =	vst v0;
	v0 =	vmul.f32 $8.000000000e+00, v4  }
0x195: {  	v2 =	vmul.f32 $8.000000000e+00, v5;
	[tilespmem:s5+$0x14430] =	vst v1;
	v1 =	vld [tilespmem:s5+$0x144A0]  }
0x196: {  	v3 =	vmul.f32 $8.000000000e+00, v6;
	[tilespmem:s5+$0x14440] =	vst v0;
	v0 =	vld [tilespmem:s5+$0x144B0]  }
0x197: {  	[tilespmem:s5+$0x14450] =	vst v2;
	v2 =	vld [tilespmem:s5+$0x144C0];
	v4 =	vmul.f32 $8.000000000e+00, v7  }
0x198: {  	v6 =	vmul.f32 $8.000000000e+00, v8;
	[tilespmem:s5+$0x14460] =	vst v3;
	v3 =	vld [tilespmem:s5+$0x144D0]  }
0x199: {  	s9 =	simm.s32 $0x400;
	v5 =	vmul.f32 $8.000000000e+00, v9;
	[tilespmem:s5+$0x14470] =	vst v4;
	v4 =	vld [tilespmem:s5+$0x144E0]  }
.LBB2_17:
0x19a: {  	s10 =	sshra.s32 s9, $0x2;
	p1 =	sne.s32 s9, $0x7C00;
	[tilespmem:s5+$0x14480] =	vst v6;
	v1 =	vmul.f32 $8.000000000e+00, v1;
	v6 =	vld [tilespmem:s5+$0x144F0]  }
0x19b: {  	v7 =	vld [tilespmem:s10+$0x14400];
	[tilespmem:s5+$0x14490] =	vst v5;
	v0 =	vmul.f32 $8.000000000e+00, v0  }
0x19c: {  	v5 =	vld [tilespmem:s10+$0x14410];
	[tilespmem:s5+$0x144A0] =	vst v1;
	v1 =	vmul.f32 $8.000000000e+00, v2  }
0x19d: {  	v2 =	vld [tilespmem:s10+$0x14420];
	[tilespmem:s5+$0x144B0] =	vst v0;
	v0 =	vmul.f32 $8.000000000e+00, v3  }
0x19e: {  	v3 =	vld [tilespmem:s10+$0x14430];
	[tilespmem:s5+$0x144C0] =	vst v1;
	v1 =	vmul.f32 $8.000000000e+00, v4  }
0x19f: {  	v4 =	vld [tilespmem:s10+$0x14440];
	[tilespmem:s5+$0x144D0] =	vst v0;
	v0 =	vmul.f32 $8.000000000e+00, v6  }
0x1a0: {  	v6 =	vmul.f32 $8.000000000e+00, v7;
	v7 =	vld [tilespmem:s10+$0x14450];
	[tilespmem:s5+$0x144E0] =	vst v1  }
0x1a1: {  	v1 =	vmul.f32 $8.000000000e+00, v5;
	v5 =	vld [tilespmem:s10+$0x14460];
	[tilespmem:s5+$0x144F0] =	vst v0;
	s5 =	smov.u32 s10  }
0x1a2: {  	[tilespmem:s5+$0x14400] =	vst v6;
	v0 =	vmul.f32 $8.000000000e+00, v2;
	v2 =	vld [tilespmem:s5+$0x14470]  }
0x1a3: {  	[tilespmem:s5+$0x14410] =	vst v1;
	v1 =	vmul.f32 $8.000000000e+00, v3;
	v3 =	vld [tilespmem:s5+$0x14480]  }
0x1a4: {  	[tilespmem:s5+$0x14420] =	vst v0;
	v0 =	vmul.f32 $8.000000000e+00, v4;
	v4 =	vld [tilespmem:s5+$0x14490]  }
.Ltmp9:
0x1a5: {  	[tilespmem:s5+$0x14430] =	vst v1;
	v6 =	vmul.f32 $8.000000000e+00, v7;
	v1 =	vld [tilespmem:s5+$0x144A0];
	(pc) =	sbr.rel @p1 .LBB2_17-.Ltmp9, $4  }
0x1a6: {  	[tilespmem:s5+$0x14440] =	vst v0;
	v5 =	vmul.f32 $8.000000000e+00, v5;
	v0 =	vld [tilespmem:s5+$0x144B0]  }
0x1a7: {  	[tilespmem:s5+$0x14450] =	vst v6;
	v7 =	vmul.f32 $8.000000000e+00, v2;
	v2 =	vld [tilespmem:s5+$0x144C0]  }
0x1a8: {  	[tilespmem:s5+$0x14460] =	vst v5;
	v6 =	vmul.f32 $8.000000000e+00, v3;
	v3 =	vld [tilespmem:s5+$0x144D0]  }
0x1a9: {  	s9 =	sadd.s32 $0x400, s9;
	[tilespmem:s5+$0x14470] =	vst v7;
	v5 =	vmul.f32 $8.000000000e+00, v4;
	v4 =	vld [tilespmem:s5+$0x144E0]  }
0x1aa: {  	[tilespmem:s5+$0x14480] =	vst v6;
	v1 =	vmul.f32 $8.000000000e+00, v1;
	v59 =	vld [tilespmem:s5+$0x144F0]  }
0x1ab: {  	[tilespmem:s5+$0x14490] =	vst v5;
	v0 =	vmul.f32 $8.000000000e+00, v0  }
0x1ac: {  	[tilespmem:s5+$0x144A0] =	vst v1;
	v60 =	vmul.f32 $8.000000000e+00, v2  }
0x1ad: {  	[tilespmem:s5+$0x144B0] =	vst v0;
	v61 =	vmul.f32 $8.000000000e+00, v3  }
.Ltmp10:
0x1ae: {  	s9 =	sshll.u32 s14, $0xD;
	[tilespmem:s5+$0x144C0] =	vst v60;
	v62 =	vmul.f32 $8.000000000e+00, v4;
	(pc) =	sbr.rel @p0 .LBB2_20-.Ltmp10, $4  }
0x1af: {  	s9 =	sadd.s32 s6, s9;
	[tilespmem:s5+$0x144D0] =	vst v61;
	v63 =	vmul.f32 $8.000000000e+00, v59  }
0x1b0: {  	s9 =	sshrl.u32 s9, $0x3;
	[tilespmem:s5+$0x144E0] =	vst v62  }
0x1b1: {  	s30 =	sadd.s32 s2, s9;
	[tilespmem:s5+$0x144F0] =	vst v63  }
0x1b2: {  	[hbm4b:s30+s3] =	stream.linear.scatter [tilespmem:s25], [sflag:$0x10], $0x2000, $0x38;
	[tilespmem:$0x16400] =	vst v63  }
.Ltmp11:
0x1b3: {  	(pc) =	sbr.rel .LBB2_2-.Ltmp11, $4  }
0x1b4: {  	_ =	swait.ge [sflag:s1], $0x2000  }
0x1b5: {  	s0 =	sand.u32 $0x3FFFFC00, s0;
	[sflag:s1] =	ssyncset.done $0x0  }
0x1b6: {  	s31 =	sadd.s32 $0x1, s31;
	s0 =	sadd.s32 $0x500, s0;
	[sflag:s1] =	ssyncadd.s32 $0xFFFFE000  }
0x1b7: {  	[tilespmem:s15], [sflag:$0x3] =	stream.indirect.gather [hbm4b:s4+s11], $0x40, s0, s11, $0xb8;
	[tilespmem:$0x16400] =	vst v63  }
.LBB2_21:
0x1b8: {  	_ =	sfence.sel $0x180000  }
0x1b9: {  	[bflag:$0x0] =	sbarrier.arrive $0xFFFF  }
0x1ba: {  	_ =	strace $0x90000047  }
0x1bb: {  	s0 =	stileid.u32;
	[bflag:$0x2] =	sbarrier.arrive $0xFFFF  }
0x1bc: {  	p0 =	sne.s32 s0, $0x0;
	s0 =	rddreg [dreg:$0x3]  }
0x1bd: {  	s0 =	sadd.s32 @!p0 $0x100000, s0  }
0x1be: {  	[sflag:s0] =	ssyncadd.tile.s32 @!p0 $0x1;
	_ =	shalt  }
.Lfunc_end2:
_tile_overlayer_lowered:
.L_overlay_start_2:
0x1bf: {  	(tag) =	ssettag $0x2  }
0x1c0: {  	s0 =	rddreg [dreg:$0x0];
	s2 =	stileid.u32  }
0x1c1: {  	s1 =	rddreg [dreg:$0x1];
	p0 =	sne.s32 s2, $0x0  }
0x1c2: {  	s3 =	rddreg [dreg:$0x2];
	[bflag:$0x3] =	sbarrier.arrive $0xFFFF;
	s2 =	simm.s32 @!p0 $0x1C11  }
0x1c3: {  	[timem:s3], [sflag:s2] =	dma.local @!p0 [hbm:s0], s1  }
0x1c4: {  	s0 =	simm.s32 @!p0 $0x11  }
0x1c5: {  	_ =	swait.ge @!p0 [sflag:s0], s1  }
0x1c6: {  	s1 =	ssub.s32 @!p0 $0x0, s1;
	[sflag:s0] =	ssyncset.done @!p0 $0x0  }
0x1c7: {  	[sflag:s0] =	ssyncadd.s32 @!p0 s1  }
0x1c8: {  	[bflag:$0x3] =	sbarrier.arrive $0xFFFF  }
0x1c9: {  	_ =	shalt  }

// kernel: sparse-core-data-format-call.cloned.1.call-start
scs
called_computation_lowered:
.L_overlay_start_0:
0x0: {  	s2 =	sld [smem:$0x3FD9]  }
0x1: {  	s3 =	sld [smem:$0x3FFE];
	_ =	sdelay $0x1  }
0x2: {  	s1 =	srdreg.scid  }
0x3: {  	s0 =	sand.u32 $0x1, s1  }
0x4: {  	s18 =	sshll.u32 s0, $0xA;
	s2 =	sadd.s32 s3, s2  }
0x5: {  	s2 =	sadd.s32 s2, s18  }
0x6: {  	[smem:$0x3FC6] =	sst s2  }
0x7: {  	_ = 	snop  }
0x8: {  	s2 =	sld [smem:$0x3FD0];
	(tm) =	ssettm $0x1  }
0x9: {  	s19 =	sld [smem:$0x3FFB];
	_ =	sdelay $0x3  }
0xa: {  	_ =	strace s19  }
0xb: {  	s3 =	sld [smem:$0x3FFC];
	_ =	sdelay $0x3  }
0xc: {  	_ =	strace s3  }
0xd: {  	s3 =	sld [smem:$0x3FFD];
	_ =	sdelay $0x3  }
0xe: {  	_ =	strace s3  }
0xf: {  	_ =	strace $0x8FFFFFFF  }
0x10: {  	s20 =	sld [smem:$0x3FDB];
	_ =	sdelay $0x1  }
0x11: {  	s4 =	simm.s32 $_scs_section_size  }
0x12: {  	s5 =	simm.s32 $_size__tile_overlayer_lowered;
	s6 =	simm.s32 $_tile_overlayer_lowered  }
0x13: {  	s23 =	simm.s32 $0x1BFF;
	s22 =	sshll.u32 s6, $0x1;
	s3 =	sadd.s32 s4, s20  }
0x14: {  	s7 =	simm.s32 $0x0;
	s21 =	sshll.u32 s5, $0x1;
	s5 =	sadd.s32 s22, s3  }
0x15: {  	[timem:s7], [sflag:s23] =	dma.local [hbm:s5], s21  }
0x16: {  	_ =	swait.ge [sflag:s23], s21  }
0x17: {  	s4 =	ssub.s32 $0x0, s21;
	[sflag:s23] =	ssyncset.done $0x0  }
0x18: {  	[sflag:s23] =	ssyncadd.s32 s4;
	_ =	sdelay $0x1  }
0x19: {  	s24 =	simm.s32 $0x1B8B  }
0x1a: {  	_ =	swait.ge [sflag:s24], $0x1  }
0x1b: {  	[sflag:s24] =	ssyncset.done $0x0  }
0x1c: {  	s26 =	simm.s32 $0x1B8E;
	s25 =	sld [smem:$0x3FFE];
	[sflag:s24] =	ssyncadd.s32 $0xFFFFFFFF  }
0x1d: {  	s27 =	simm.s32 $execute0_lowered;
	[smem:$0x3FD2] =	sst s26  }
0x1e: {  	s5 =	sshll.u32 s27, $0x1;
	_ =	strace $0x80000049;
	[dreg:$0x1] =	wrdreg $0xFFFFFFFF  }
0x1f: {  	s28 =	simm.s32 $_size_execute0_lowered;
	s3 =	sadd.s32 s3, s5;
	[dreg:$0x0] =	wrdreg $0x0  }
0x20: {  	s5 =	sshll.u32 s28, $0x1;
	[dreg:$0x2] =	wrdreg s3  }
0x21: {  	[dreg:$0x3] =	wrdreg s5  }
0x22: {  	[dreg:$0x4] =	wrdreg $0xC0  }
0x23: {  	_ =	task [dreg:s7], $0x5FFFF  }
0x24: {  	[dreg:$0x1] =	wrdreg $0xFFFFFFFF  }
0x25: {  	[dreg:$0x0] =	wrdreg $0x60  }
0x26: {  	[dreg:$0x2] =	wrdreg s25  }
0x27: {  	[dreg:$0x3] =	wrdreg s2  }
0x28: {  	[dreg:$0x4] =	wrdreg $0x9  }
0x29: {  	_ =	task.clear_ibuf [dreg:s7], $0x5FFFF;
	_ =	strace $0x90000049  }
0x2a: {  	s29 =	simm.s32 $0x9;
	_ =	strace $0x8000004B  }
0x2b: {  	_ =	swait.ge [sflag:s29], $0x1  }
0x2c: {  	[sflag:s29] =	ssyncadd.s32 $0xFFFFFFFF  }
0x2d: {  	_ =	strace $0x9000004B  }
0x2e: {  	_ =	sfence  }
0x2f: {  	s30 =	sld [smem:$0x0];
	_ =	sdelay $0x2  }
0x30: {  	s31 =	sshll.u32 s1, $0xD;
	s1 =	sshrl.u32 s1, $0x2  }
0x31: {  	s3 =	sand.u32 $0x4000, s31;
	s1 =	sadd.s32 s1, s30  }
0x32: {  	s0 =	sor.u32 s3, s0;
	s1 =	sshll.u32 s1, $0x11  }
0x33: {  	s0 =	sor.u32 s1, s0  }
0x34: {  	s0 =	sadd.s32 $0x8F2B, s0  }
0x35: {  	[sflag:s0] =	ssyncadd.remote.s32 $0x1  }
0x36: {  	_ =	sfence.sel $0xFFFF  }
0x37: {  	[dreg:$0x0] =	wrdreg $0xFFFFFFFF;
	(pc) =	sbr.abs _section_cstart, $3  }
0x38: {  	[dreg:$0x1] =	wrdreg $0xFFFFFFFF  }
0x39: {  	_ =	task.clear_ibuf [dreg:s7], $0x2FFFF;
	_ =	strace $0x9FFFFFFF  }
0x3a: {  	(tm) =	ssettm $0x7FFFFFFF  }
0x3b: {  	_ =	shalt  }
tec
execute0_lowered:
.L_overlay_start_1:
0x0: {  	(tag) =	ssettag $0x1  }
0x1: {  	s0 =	srdreg.scid  }
0x2: {  	s1 =	sshll.u32 s0, $0x4  }
0x3: {  	s4 =	rddreg [dreg:$0x0];
	s0 =	stileid.u32;
	s1 =	sand.u32 $0x10, s1  }
0x4: {  	s2 =	rddreg [dreg:$0x1];
	s7 =	simm.s32 $0x1;
	s1 =	sor.u32 s0, s1  }
0x5: {  	s8 =	simm.s32 $0x2;
	s11 =	simm.s32 $0x0;
	s3 =	sshll.u32 s1, $0x7  }
0x6: {  	s10 =	simm.s32 $0x0;
	s4 =	sadd.s32 $0x800, s4;
	s6 =	ssub.s32 $0xC8000, s3  }
.Ltmp0:
0x7: {  	s1 =	rddreg [dreg:$0x2];
	s5 =	sand.u32 $0xF80, s6;
	(pc) =	sbr.rel .LBB1_1-.Ltmp0, $4  }
0x8: {  	_ =	strace $0x8000004A;
	s9 =	smov.u32 s3;
	p0 =	sne.s32 s5, $0x0  }
0x9: {  	s6 =	sshrl.u32 s6, $0xC;
	s5 =	simm.s32 $0x1;
	s7 =	simm.s32 @!p0 $0x0  }
0xa: {  	[sflag:s5] =	ssyncpa.u1 $0x0;
	p0 =	por $0x0, $0x0;
	s6 =	sadd.s32 s7, s6  }
0xb: {  	[sflag:s8] =	ssyncpa.u1 $0x0;
	s8 =	simm.s32 $0x640000;
	s7 =	sadd.s32 $0x1, s6  }
.LBB1_4:
0xc: {  	s14 =	sshll.u32 s11, $0x3  }
0xd: {  	s30 =	sand.u32 $0x7F, s11;
	s15 =	sand.u32 $0xFFFFFC00, s14  }
0xe: {  	s11 =	sor.u32 s30, s15  }
0xf: {  	s15 =	smulhi.u32 $0x51EB851F, s11  }
0x10: {  	s14 =	smulhi.u32 $0x51EB851F, s14  }
0x11: {  	s15 =	sshrl.u32 s15, $0x12  }
0x12: {  	s14 =	sshrl.u32 s14, $0x12;
	s15 =	smul.u32 $0xC8000, s15  }
0x13: {  	s14 =	sand.u32 $0x3F, s14  }
0x14: {  	s14 =	smul.u32 $0x19000, s14;
	s11 =	ssub.s32 s11, s15  }
0x15: {  	[tilespmem:s13+$0x810 ss:$0x81] =	vst.msk $0xffff, v2;
	s15 =	sand.u32 $0x7, s11  }
0x16: {  	[tilespmem:s13+$0x1020 ss:$0x81] =	vst.msk $0xffff, v0;
	s14 =	sadd.s32 s2, s14;
	s11 =	sshrl.u32 s11, $0x3;
	s15 =	sshll.u32 s15, $0x12  }
0x17: {  	[tilespmem:s13+$0x0 ss:$0x81] =	vst.msk $0xffff, v1;
	s11 =	sadd.s32 s11, s14;
	s31 =	sor.u32 $0x400, s15  }
0x18: {  	[hbm4b:s11+s31] =	stream.strided.scatter [tilespmem:s12], [sflag:$0x2], $0x2000, s8, s31, $0x20;
	[tilespmem:$0x8080] =	vst v63  }
.LBB1_5:
0x19: {  	s13 =	sadd.s32 $0x1000, s9  }
0x1a: {  	p2 =	sgt.s32 s13, $0xC7FFF  }
0x1b: {  	s13 =	smov.u32 @p2 s3;
	p2 =	sne.s32 s10, s7  }
.Ltmp1:
0x1c: {  	p1 =	slt.u32 s10, $0x2;
	(pc) =	sbr.rel @!p2 .LBB1_6-.Ltmp1, $4  }
0x1d: {  	s12 =	simm.s32 @!p1 $0x2  }
0x1e: {  	s14 =	sadd.s32 $0x1, s10;
	_ =	swait.ge @!p1 [sflag:s12], $0x2000  }
0x1f: {  	s11 =	smov.u32 s9;
	p0 =	por !p0, !p0;
	[sflag:s12] =	ssyncset.done @!p1 $0x0  }
0x20: {  	s10 =	smov.u32 s14;
	s9 =	smov.u32 s13;
	[sflag:s12] =	ssyncadd.s32 @!p1 $0xFFFFE000  }
.LBB1_1:
0x21: {  	p1 =	sge.u32 s10, s6  }
0x22: {  	s12 =	sand.u32 @!p1 $0x1FFFFFF, s9  }
0x23: {  	s13 =	smulhi.u32 @!p1 $0x147AE15, s12;
	_ =	sdelay $0x1  }
0x24: {  	s13 =	sshrl.u32 @!p1 s13, $0xC  }
0x25: {  	s13 =	smul.u32 @!p1 $0xC8000, s13;
	_ =	sdelay $0x1  }
0x26: {  	s31 =	sadd.s32 $0xFFFFFFFF, s10;
	s14 =	sxor.u32 @!p1 $0xFFFFFFFF, s10;
	s12 =	ssub.s32 @!p1 s12, s13  }
0x27: {  	s15 =	simm.s32 @!p1 $0x80;
	s14 =	sshll.u32 @!p1 s14, $0xD;
	s12 =	sshll.u32 @!p1 s12, $0x4  }
0x28: {  	s13 =	sand.u32 @!p1 $0x2000, s14;
	s14 =	simm.s32 @!p1 $0x40;
	s12 =	sadd.s32 @!p1 s4, s12  }
0x29: {  	[tilespmem:s13], [sflag:$0x1] =	stream.strided.gather @!p1 [hbm4b:s12+s14], $0x2000, s15, s14, $0x38;
	[tilespmem:$0x8080] =	vst v63  }
0x2a: {  	p1 =	sge.u32 s31, s6  }
.Ltmp2:
0x2b: {  	_ = 	snop;
	(pc) =	sbr.rel @p1 .LBB1_5-.Ltmp2, $1  }
0x2c: {  	_ =	sdelay $0x3  }
0x2d: {  	s12 =	simm.s32 $0x1  }
0x2e: {  	_ =	swait.ge [sflag:s5], $0x2000;
	s12 =	simm.s32 @!p0 $0x0  }
0x2f: {  	[sflag:s5] =	ssyncset.done $0x0;
	s13 =	sshll.u32 s12, $0xD  }
0x30: {  	[sflag:s5] =	ssyncadd.s32 $0xFFFFE000;
	s16 =	sor.u32 $0x20, s13  }
0x31: {  	s12 =	smul.u32 $0x8100, s12;
	v3 =	vld [tilespmem:s16+$0x10]  }
0x32: {  	s30 =	sand.u32 $0x1, s10;
	v2 =	vld [tilespmem:s16+$0xFFFFFFF0]  }
0x33: {  	s13 =	smul.u32 $0x8100, s30;
	s12 =	sshrl.u32 s12, $0x2;
	v0 =	vld [tilespmem:s16+$0x0]  }
0x34: {  	v1 =	vld [tilespmem:s16+$0xFFFFFFE0];
	s14 =	sor.u32 $0x4000, s12  }
0x35: {  	s31 =	sshrl.u32 s13, $0x2;
	s13 =	sadd.s32 $0x0, s14  }
0x36: {  	s15 =	simm.s32 $0x4;
	s16 =	sadd.s32 $0x40, s16;
	s12 =	sor.u32 $0x4000, s31;
	[tilespmem:s13+$0x1830 ss:$0x81] =	vst.msk $0xffff, v3  }
.LBB1_3:
0x37: {  	v3 =	vld [tilespmem:s16+$0x10];
	p1 =	sne.s32 s15, $0x1FC;
	[tilespmem:s13+$0x810 ss:$0x81] =	vst.msk $0xffff, v2;
	s17 =	smov.u32 s15;
	s15 =	sadd.s32 $0x4, s15  }
.Ltmp3:
0x38: {  	v2 =	vld [tilespmem:s16+$0xFFFFFFF0];
	[tilespmem:s13+$0x1020 ss:$0x81] =	vst.msk $0xffff, v0;
	(pc) =	sbr.rel @p1 .LBB1_3-.Ltmp3, $4  }
0x39: {  	v0 =	vld [tilespmem:s16+$0x0];
	[tilespmem:s13+$0x0 ss:$0x81] =	vst.msk $0xffff, v1  }
0x3a: {  	s13 =	sshra.s32 s17, $0x2;
	v1 =	vld [tilespmem:s16+$0xFFFFFFE0]  }
0x3b: {  	s13 =	sadd.s32 s13, s14  }
0x3c: {  	s16 =	sadd.s32 $0x40, s16;
	[tilespmem:s13+$0x1830 ss:$0x81] =	vst.msk $0xffff, v3  }
.Ltmp4:
0x3d: {  	_ = 	snop;
	(pc) =	sbr.rel .LBB1_4-.Ltmp4, $1  }
0x3e: {  	_ =	sdelay $0x3  }
.LBB1_6:
0x3f: {  	_ =	sfence.sel $0x180000  }
0x40: {  	s2 =	simm.s32 $0x1;
	[bflag:$0x0] =	sbarrier.arrive $0xFFFF  }
0x41: {  	s31 =	simm.s32 $0x2;
	[sflag:s2] =	ssyncpa.u1 $0x1  }
0x42: {  	[sflag:s31] =	ssyncpa.u1 $0x1  }
0x43: {  	p0 =	sne.s32 s0, $0x0;
	_ =	strace $0x9000004A  }
0x44: {  	s0 =	sadd.s32 @!p0 $0x100000, s1;
	[bflag:$0x2] =	sbarrier.arrive $0xFFFF  }
0x45: {  	[sflag:s0] =	ssyncadd.tile.s32 @!p0 $0x1;
	_ =	shalt  }
.Lfunc_end1:
_tile_overlayer_lowered:
.L_overlay_start_2:
0x46: {  	(tag) =	ssettag $0x2  }
0x47: {  	s0 =	rddreg [dreg:$0x0];
	s2 =	stileid.u32  }
0x48: {  	s1 =	rddreg [dreg:$0x1];
	p0 =	sne.s32 s2, $0x0  }
0x49: {  	s3 =	rddreg [dreg:$0x2];
	[bflag:$0x3] =	sbarrier.arrive $0xFFFF;
	s2 =	simm.s32 @!p0 $0x1C01  }
0x4a: {  	[timem:s3], [sflag:s2] =	dma.local @!p0 [hbm:s0], s1  }
0x4b: {  	s0 =	simm.s32 @!p0 $0x1  }
0x4c: {  	_ =	swait.ge @!p0 [sflag:s0], s1  }
0x4d: {  	s1 =	ssub.s32 @!p0 $0x0, s1;
	[sflag:s0] =	ssyncset.done @!p0 $0x0  }
0x4e: {  	[sflag:s0] =	ssyncadd.s32 @!p0 s1  }
0x4f: {  	[bflag:$0x3] =	sbarrier.arrive $0xFFFF  }
0x50: {  	_ =	shalt  }

</sc_bundles>
